<compile_context>
chip_gen: v7x
topology: tpu7x:2x2x1
jax: 0.10.2.dev20260603
libtpu: 0.0.44.dev20260713+nightly
codegen_flags: <defaults>
</compile_context>

<pallas_src>
import functools

import jax
import jax.numpy as jnp
from jax import lax
from jax.experimental import pallas as pl
from jax.experimental.pallas import tpu as pltpu
from jax.experimental.pallas import tpu_sc as plsc

_N = 10000
_E = 320000
_D = 128
_L = 3
_EPS = 1e-5

_NC = 2
_NS = 16
_NW = _NC * _NS
_K = 128
_CH = 80
_EPT = _K * _CH
_E_PAD = _NW * _EPT
_NP = 10240
_RPT = _NP // _NS
_RC = _RPT // _K
_DW = 128


def _sc_mesh():
    return plsc.VectorSubcoreMesh(core_axis_name="c", subcore_axis_name="s")


_NB = 2


def _sc_layer_body(h_hbm, src_hbm, dst_hbm, z128_hbm, iota_hbm, out_hbm,
                   src_v, rows_v, msg0, msg1, dst0, dst1, agg_sh,
                   gsem, isem):
    c = lax.axis_index("c")
    s = lax.axis_index("s")
    wid = s * _NC + c
    msgs = [msg0, msg1]
    dsts = [dst0, dst1]

    pltpu.sync_copy(src_hbm.at[pl.ds(wid * _CH, _CH)], src_v)
    pltpu.sync_copy(iota_hbm.at[s], rows_v)

    pltpu.sync_copy(z128_hbm, msg0)
    for i in range(_RC):
        pltpu.sync_copy(msg0, agg_sh.at[rows_v.at[i]])
    plsc.subcore_barrier()

    def group(g, carry):
        base = g * _NB
        copies = [
            (pltpu.async_copy(h_hbm.at[src_v.at[base + b]], msgs[b], gsem),
             pltpu.async_copy(dst_hbm.at[wid * _CH + base + b], dsts[b],
                              isem))
            for b in range(_NB)
        ]
        for b in range(_NB):
            copies[b][0].wait()
            copies[b][1].wait()
            pltpu.sync_copy(msgs[b], agg_sh.at[dsts[b].at[0]], add=True)
        return carry

    lax.fori_loop(0, _CH // _NB, group, 0)
    plsc.subcore_barrier()

    for i in range(_RC):
        pltpu.sync_copy(agg_sh.at[rows_v.at[i]], msgs[i % _NB])
        pltpu.sync_copy(
            msgs[i % _NB],
            out_hbm.at[pl.ds(c * _NP + s * _RPT + i * _K, _K)])


def _make_sc_layer():
    return pl.kernel(
        _sc_layer_body,
        out_type=[jax.ShapeDtypeStruct((_NC * _NP, _D), jnp.float32)],
        mesh=_sc_mesh(),
        scratch_types=[
            pltpu.VMEM((_CH, _K), jnp.int32),
            pltpu.VMEM((_RC, _K), jnp.int32),
            pltpu.VMEM((_K, _D), jnp.float32),
            pltpu.VMEM((_K, _D), jnp.float32),
            pltpu.VMEM((1, _K), jnp.int32),
            pltpu.VMEM((1, _K), jnp.int32),
            pltpu.VMEM_SHARED((_NP, _D), jnp.float32),
            pltpu.SemaphoreType.DMA,
            pltpu.SemaphoreType.DMA,
        ],
    )


def _sc_deg_body(dst_hbm, zdeg_hbm, ones_hbm, iota_hbm, degout_hbm,
                 dst_v, rows_v, ones_v, degbuf, deg_sh):
    c = lax.axis_index("c")
    s = lax.axis_index("s")
    wid = s * _NC + c

    pltpu.sync_copy(dst_hbm.at[pl.ds(wid * _CH, _CH)], dst_v)
    pltpu.sync_copy(iota_hbm.at[s], rows_v)
    pltpu.sync_copy(ones_hbm, ones_v)
    pltpu.sync_copy(zdeg_hbm, degbuf)
    for i in range(_RC):
        pltpu.sync_copy(degbuf, deg_sh.at[rows_v.at[i]])
    plsc.subcore_barrier()

    def step(j, carry):
        pltpu.sync_copy(ones_v, deg_sh.at[dst_v.at[j]], add=True)
        return carry

    lax.fori_loop(0, _CH, step, 0)
    plsc.subcore_barrier()

    for i in range(_RC):
        pltpu.sync_copy(deg_sh.at[rows_v.at[i]], degbuf)
        pltpu.sync_copy(
            degbuf, degout_hbm.at[pl.ds(c * _NP + s * _RPT + i * _K, _K)])


def _make_sc_deg():
    return pl.kernel(
        _sc_deg_body,
        out_type=[jax.ShapeDtypeStruct((_NC * _NP, _DW), jnp.float32)],
        mesh=_sc_mesh(),
        scratch_types=[
            pltpu.VMEM((_CH, _K), jnp.int32),
            pltpu.VMEM((_RC, _K), jnp.int32),
            pltpu.VMEM((_K, _DW), jnp.float32),
            pltpu.VMEM((_K, _DW), jnp.float32),
            pltpu.VMEM_SHARED((_NP, _DW), jnp.float32),
        ],
    )


def _tc_layer_body(relu, p_ref, deg_ref, w_ref, g_ref, bt_ref, out_ref):
    p0 = p_ref[0:_NP, :]
    p1 = p_ref[_NP:2 * _NP, :]
    deg = deg_ref[0:_NP, 0:1] + deg_ref[_NP:2 * _NP, 0:1]
    rows = lax.broadcasted_iota(jnp.int32, (_NP, 1), 0)
    inv = jnp.where(rows < _N, 1.0 / jnp.maximum(deg, 1.0), 0.0)
    agg = (p0 + p1) * inv
    z = jnp.dot(agg, w_ref[...], preferred_element_type=jnp.float32)
    mean = jnp.sum(z, axis=0, keepdims=True) * (1.0 / _N)
    var = jnp.sum(z * z, axis=0, keepdims=True) * (1.0 / _N) - mean * mean
    h = (z - mean) * lax.rsqrt(var + _EPS) * g_ref[...] + bt_ref[...]
    if relu:
        h = jnp.maximum(h, 0.0)
    out_ref[...] = h[0:_N, :]


def _make_tc_layer(relu):
    return pl.pallas_call(
        functools.partial(_tc_layer_body, relu),
        out_shape=jax.ShapeDtypeStruct((_N, _D), jnp.float32),
    )


_sc_layer = _make_sc_layer()
_sc_deg = _make_sc_deg()
_tc_layer_relu = _make_tc_layer(True)
_tc_layer_last = _make_tc_layer(False)


def kernel(x, edge_index, Ws, bs, gammas, betas):
    del bs
    src = edge_index[0]
    dst = edge_index[1]
    pad = _E_PAD - _E
    src2 = jnp.concatenate([src, jnp.zeros((pad,), jnp.int32)]).reshape(
        _E_PAD // _K, _K)
    dst_p = jnp.concatenate([dst, jnp.full((pad,), _N, jnp.int32)])
    dst2 = dst_p.reshape(_E_PAD // _K, _K)
    dst3 = dst_p.reshape(_E_PAD // _K, 1, _K)
    iota2 = jnp.arange(_NP, dtype=jnp.int32).reshape(_NS, _RC, _K)
    z128 = jnp.zeros((_K, _D), jnp.float32)
    zdeg = jnp.zeros((_K, _DW), jnp.float32)
    ones = jnp.ones((_K, _DW), jnp.float32)

    (degflat,) = _sc_deg(dst2, zdeg, ones, iota2)
    h = x
    for l in range(_L):
        (partials,) = _sc_layer(h, src2, dst3, z128, iota2)
        tc = _tc_layer_relu if l < _L - 1 else _tc_layer_last
        h = tc(partials, degflat, Ws[l],
               gammas[l].reshape(1, _D), betas[l].reshape(1, _D))
    return h

# --- scband reference (transcript-rebuilt; emitter-appended) ---
"""Pipeline reference for scband-multi-layer-message-passing-80324478369826 (READ-ONLY COPY).

The authoritative reference and input builder live on the scoring server;
editing this copy changes nothing except your own understanding.
"""

import jax, jax.numpy as jnp
import numpy as np

N_NODES = 10000
N_EDGES = 320000
D = 128
L = 3
EPS = 1e-5


def setup_inputs(seed: int = 0) -> dict:
    key = jax.random.key(seed)
    ks = jax.random.split(key, 4)
    x = jax.random.normal(ks[0], (N_NODES, D), dtype=jnp.float32)
    edge_index = jax.random.randint(ks[1], (2, N_EDGES), 0, N_NODES, dtype=jnp.int32)
    # learned params: per-layer linear weight/bias + batchnorm gamma/beta
    Ws = jax.random.normal(ks[2], (L, D, D), dtype=jnp.float32) * (1.0 / np.sqrt(D))
    bs = jnp.zeros((L, D), dtype=jnp.float32)
    gammas = jnp.ones((L, D), dtype=jnp.float32)
    betas = jnp.zeros((L, D), dtype=jnp.float32)
    return {"x": x, "edge_index": edge_index, "Ws": Ws, "bs": bs, "gammas": gammas, "betas": betas}


def reference(x, edge_index, Ws, bs, gammas, betas):
    # Concrete instantiation of MultiLayerMessagePassing with num_layers=3,
    # JK='last', batch_norm=True, drop_ratio=None.
    # Each layer: mean-aggregation message passing (GCN-style) + linear,
    # followed by BatchNorm1d (training-mode batch stats) and ReLU (except last layer).
    src = edge_index[0]
    dst = edge_index[1]
    h = x
    deg = jax.ops.segment_sum(jnp.ones((N_EDGES,), dtype=jnp.float32), dst, num_segments=N_NODES)
    inv_deg = 1.0 / jnp.maximum(deg, 1.0)
    for l in range(L):
        msg = h[src]                                   # gather (memory-bound)
        agg = jax.ops.segment_sum(msg, dst, num_segments=N_NODES)  # scatter-add
        agg = agg * inv_deg[:, None]
        h = agg @ Ws[l] + bs[l]
        mean = jnp.mean(h, axis=0)
        var = jnp.var(h, axis=0)
        h = (h - mean) / jnp.sqrt(var + EPS) * gammas[l] + betas[l]
        if l != L - 1:
            h = jax.nn.relu(h)
    # JK == 'last'
    return h

if __name__ == "__main__":
    import jax
    _d = setup_inputs()
    print(jax.jit(kernel)(*tuple(_d.values())))

</pallas_src>

<mosaic_0001>
#map = affine_map<(d0, d1) -> (0, 0)>
#map1 = affine_map<(d0, d1) -> (0, 0, 0)>
module attributes {stable_mosaic.version = 14 : i64} {
  func.func @_sc_deg_body(%arg0: i32, %arg1: i32, %arg2: memref<2560x128xi32, #tpu.memory_space<hbm>>, %arg3: memref<128x128xf32, #tpu.memory_space<hbm>>, %arg4: memref<128x128xf32, #tpu.memory_space<hbm>>, %arg5: memref<16x5x128xi32, #tpu.memory_space<hbm>>, %arg6: memref<20480x128xf32, #tpu.memory_space<hbm>>, %arg7: memref<80x128xi32, #tpu.memory_space<vmem>>, %arg8: memref<5x128xi32, #tpu.memory_space<vmem>>, %arg9: memref<128x128xf32, #tpu.memory_space<vmem>>, %arg10: memref<128x128xf32, #tpu.memory_space<vmem>>, %arg11: memref<10240x128xf32, #tpu.memory_space<vmem_shared>>) attributes {dimension_semantics = [#tpu.dimension_semantics<core_parallel>, #tpu.dimension_semantics<subcore_parallel>], iteration_bounds = array<i64: 2, 16>, scalar_prefetch = 0 : i64, scratch_operands = 5 : i64, tpu.core_type = #tpu.core_type<sc_vector_subcore>, window_params = [{transform_indices = #map}, {transform_indices = #map}, {transform_indices = #map}, {transform_indices = #map1}, {transform_indices = #map}]} {
    %mul3A = arith.constant 2 : i32
    %mul3A_0 = arith.muli %arg1, %mul3A : i32
    %add3A = arith.addi %mul3A_0, %arg0 : i32
    %mul3A_1 = arith.constant 80 : i32
    %mul3A_2 = arith.muli %add3A, %mul3A_1 : i32
    "tpu.region"() ({
      %run_scoped3A_53 = tpu.sem_alloc : memref<!tpu.dma_semaphore, #tpu.memory_space<semaphore_mem>>
      %dma_start3A = arith.constant 0 : i32
      %dma_start3A_54 = tpu.memref_slice %arg2[%mul3A_2, %dma_start3A] : memref<2560x128xi32, #tpu.memory_space<hbm>> -> memref<80x128xi32, #tpu.memory_space<hbm>>
      %dma_start3A_55 = arith.constant 0 : i32
      %dma_start3A_56 = tpu.memref_slice %arg2[%mul3A_2, %dma_start3A_55] : memref<2560x128xi32, #tpu.memory_space<hbm>> -> memref<80x128xi32, #tpu.memory_space<hbm>>
      tpu.enqueue_dma source(%dma_start3A_56 : memref<80x128xi32, #tpu.memory_space<hbm>>) target(%arg7 : memref<80x128xi32, #tpu.memory_space<vmem>>) target_semaphore(%run_scoped3A_53 : memref<!tpu.dma_semaphore, #tpu.memory_space<semaphore_mem>>)
      %dma_wait3A = arith.constant 0 : i32
      %dma_wait3A_57 = tpu.memref_slice %arg2[%mul3A_2, %dma_wait3A] : memref<2560x128xi32, #tpu.memory_space<hbm>> -> memref<80x128xi32, #tpu.memory_space<hbm>>
      %dma_wait3A_58 = arith.constant 0 : i32
      %dma_wait3A_59 = tpu.memref_slice %arg2[%mul3A_2, %dma_wait3A_58] : memref<2560x128xi32, #tpu.memory_space<hbm>> -> memref<80x128xi32, #tpu.memory_space<hbm>>
      tpu.wait_dma2 semaphore(%run_scoped3A_53 : memref<!tpu.dma_semaphore, #tpu.memory_space<semaphore_mem>>) src(%dma_wait3A_59 : memref<80x128xi32, #tpu.memory_space<hbm>>) dst(%arg7 : memref<80x128xi32, #tpu.memory_space<vmem>>)
      tpu.yield
    }) : () -> ()
    "tpu.region"() ({
      %run_scoped3A_53 = tpu.sem_alloc : memref<!tpu.dma_semaphore, #tpu.memory_space<semaphore_mem>>
      %dma_start3A = arith.constant 0 : i32
      %dma_start3A_54 = arith.constant 0 : i32
      %dma_start3A_55 = tpu.memref_slice %arg5[%arg1, %dma_start3A, %dma_start3A_54] : memref<16x5x128xi32, #tpu.memory_space<hbm>> -> memref<1x5x128xi32, #tpu.memory_space<hbm>>
      %dma_start3A_56 = tpu.memref_squeeze %dma_start3A_55 : memref<1x5x128xi32, #tpu.memory_space<hbm>> -> memref<5x128xi32, #tpu.memory_space<hbm>>
      %dma_start3A_57 = arith.constant 0 : i32
      %dma_start3A_58 = arith.constant 0 : i32
      %dma_start3A_59 = tpu.memref_slice %arg5[%arg1, %dma_start3A_57, %dma_start3A_58] : memref<16x5x128xi32, #tpu.memory_space<hbm>> -> memref<1x5x128xi32, #tpu.memory_space<hbm>>
      %dma_start3A_60 = tpu.memref_squeeze %dma_start3A_59 : memref<1x5x128xi32, #tpu.memory_space<hbm>> -> memref<5x128xi32, #tpu.memory_space<hbm>>
      tpu.enqueue_dma source(%dma_start3A_60 : memref<5x128xi32, #tpu.memory_space<hbm>>) target(%arg8 : memref<5x128xi32, #tpu.memory_space<vmem>>) target_semaphore(%run_scoped3A_53 : memref<!tpu.dma_semaphore, #tpu.memory_space<semaphore_mem>>)
      %dma_wait3A = arith.constant 0 : i32
      %dma_wait3A_61 = arith.constant 0 : i32
      %dma_wait3A_62 = tpu.memref_slice %arg5[%arg1, %dma_wait3A, %dma_wait3A_61] : memref<16x5x128xi32, #tpu.memory_space<hbm>> -> memref<1x5x128xi32, #tpu.memory_space<hbm>>
      %dma_wait3A_63 = tpu.memref_squeeze %dma_wait3A_62 : memref<1x5x128xi32, #tpu.memory_space<hbm>> -> memref<5x128xi32, #tpu.memory_space<hbm>>
      %dma_wait3A_64 = arith.constant 0 : i32
      %dma_wait3A_65 = arith.constant 0 : i32
      %dma_wait3A_66 = tpu.memref_slice %arg5[%arg1, %dma_wait3A_64, %dma_wait3A_65] : memref<16x5x128xi32, #tpu.memory_space<hbm>> -> memref<1x5x128xi32, #tpu.memory_space<hbm>>
      %dma_wait3A_67 = tpu.memref_squeeze %dma_wait3A_66 : memref<1x5x128xi32, #tpu.memory_space<hbm>> -> memref<5x128xi32, #tpu.memory_space<hbm>>
      tpu.wait_dma2 semaphore(%run_scoped3A_53 : memref<!tpu.dma_semaphore, #tpu.memory_space<semaphore_mem>>) src(%dma_wait3A_67 : memref<5x128xi32, #tpu.memory_space<hbm>>) dst(%arg8 : memref<5x128xi32, #tpu.memory_space<vmem>>)
      tpu.yield
    }) : () -> ()
    "tpu.region"() ({
      %run_scoped3A_53 = tpu.sem_alloc : memref<!tpu.dma_semaphore, #tpu.memory_space<semaphore_mem>>
      tpu.enqueue_dma source(%arg4 : memref<128x128xf32, #tpu.memory_space<hbm>>) target(%arg9 : memref<128x128xf32, #tpu.memory_space<vmem>>) target_semaphore(%run_scoped3A_53 : memref<!tpu.dma_semaphore, #tpu.memory_space<semaphore_mem>>)
      tpu.wait_dma2 semaphore(%run_scoped3A_53 : memref<!tpu.dma_semaphore, #tpu.memory_space<semaphore_mem>>) src(%arg4 : memref<128x128xf32, #tpu.memory_space<hbm>>) dst(%arg9 : memref<128x128xf32, #tpu.memory_space<vmem>>)
      tpu.yield
    }) : () -> ()
    "tpu.region"() ({
      %run_scoped3A_53 = tpu.sem_alloc : memref<!tpu.dma_semaphore, #tpu.memory_space<semaphore_mem>>
      tpu.enqueue_dma source(%arg3 : memref<128x128xf32, #tpu.memory_space<hbm>>) target(%arg10 : memref<128x128xf32, #tpu.memory_space<vmem>>) target_semaphore(%run_scoped3A_53 : memref<!tpu.dma_semaphore, #tpu.memory_space<semaphore_mem>>)
      tpu.wait_dma2 semaphore(%run_scoped3A_53 : memref<!tpu.dma_semaphore, #tpu.memory_space<semaphore_mem>>) src(%arg3 : memref<128x128xf32, #tpu.memory_space<hbm>>) dst(%arg10 : memref<128x128xf32, #tpu.memory_space<vmem>>)
      tpu.yield
    }) : () -> ()
    %run_scoped3A = arith.constant 0 : i32
    "tpu.region"() ({
      %run_scoped3A_53 = tpu.sem_alloc : memref<!tpu.dma_semaphore, #tpu.memory_space<semaphore_mem>>
      %dma_start3A = arith.constant 0 : i32
      %dma_start3A_54 = tpu.memref_slice %arg8[%run_scoped3A, %dma_start3A] : memref<5x128xi32, #tpu.memory_space<vmem>> -> memref<1x128xi32, #tpu.memory_space<vmem>>
      %dma_start3A_55 = tpu.memref_squeeze %dma_start3A_54 : memref<1x128xi32, #tpu.memory_space<vmem>> -> memref<128xi32, #tpu.memory_space<vmem>>
      %dma_start3A_56 = arith.constant 0 : i32
      %dma_start3A_57 = arith.constant 0 : i32
      %dma_start3A_58 = tpu.memref_slice %arg11[%dma_start3A_56, %dma_start3A_57] : memref<10240x128xf32, #tpu.memory_space<vmem_shared>> -> memref<10240x128xf32, #tpu.memory_space<vmem_shared>>
      tpu.enqueue_indirect_dma source(%arg10 : memref<128x128xf32, #tpu.memory_space<vmem>>) target(%dma_start3A_58 : memref<10240x128xf32, #tpu.memory_space<vmem_shared>>) offsets(%dma_start3A_55 : memref<128xi32, #tpu.memory_space<vmem>>) semaphore(%run_scoped3A_53 : memref<!tpu.dma_semaphore, #tpu.memory_space<semaphore_mem>>)
      %dma_wait3A = arith.constant 0 : i32
      %dma_wait3A_59 = tpu.memref_slice %arg8[%run_scoped3A, %dma_wait3A] : memref<5x128xi32, #tpu.memory_space<vmem>> -> memref<1x128xi32, #tpu.memory_space<vmem>>
      %dma_wait3A_60 = tpu.memref_squeeze %dma_wait3A_59 : memref<1x128xi32, #tpu.memory_space<vmem>> -> memref<128xi32, #tpu.memory_space<vmem>>
      %dma_wait3A_61 = arith.constant 0 : i32
      %dma_wait3A_62 = arith.constant 0 : i32
      %dma_wait3A_63 = tpu.memref_slice %arg11[%dma_wait3A_61, %dma_wait3A_62] : memref<10240x128xf32, #tpu.memory_space<vmem_shared>> -> memref<10240x128xf32, #tpu.memory_space<vmem_shared>>
      tpu.wait_indirect_dma semaphore(%run_scoped3A_53 : memref<!tpu.dma_semaphore, #tpu.memory_space<semaphore_mem>>) src(%arg10 : memref<128x128xf32, #tpu.memory_space<vmem>>) dst(%dma_wait3A_63 : memref<10240x128xf32, #tpu.memory_space<vmem_shared>>)
      tpu.yield
    }) : () -> ()
    %run_scoped3A_3 = arith.constant 1 : i32
    "tpu.region"() ({
      %run_scoped3A_53 = tpu.sem_alloc : memref<!tpu.dma_semaphore, #tpu.memory_space<semaphore_mem>>
      %dma_start3A = arith.constant 0 : i32
      %dma_start3A_54 = tpu.memref_slice %arg8[%run_scoped3A_3, %dma_start3A] : memref<5x128xi32, #tpu.memory_space<vmem>> -> memref<1x128xi32, #tpu.memory_space<vmem>>
      %dma_start3A_55 = tpu.memref_squeeze %dma_start3A_54 : memref<1x128xi32, #tpu.memory_space<vmem>> -> memref<128xi32, #tpu.memory_space<vmem>>
      %dma_start3A_56 = arith.constant 0 : i32
      %dma_start3A_57 = arith.constant 0 : i32
      %dma_start3A_58 = tpu.memref_slice %arg11[%dma_start3A_56, %dma_start3A_57] : memref<10240x128xf32, #tpu.memory_space<vmem_shared>> -> memref<10240x128xf32, #tpu.memory_space<vmem_shared>>
      tpu.enqueue_indirect_dma source(%arg10 : memref<128x128xf32, #tpu.memory_space<vmem>>) target(%dma_start3A_58 : memref<10240x128xf32, #tpu.memory_space<vmem_shared>>) offsets(%dma_start3A_55 : memref<128xi32, #tpu.memory_space<vmem>>) semaphore(%run_scoped3A_53 : memref<!tpu.dma_semaphore, #tpu.memory_space<semaphore_mem>>)
      %dma_wait3A = arith.constant 0 : i32
      %dma_wait3A_59 = tpu.memref_slice %arg8[%run_scoped3A_3, %dma_wait3A] : memref<5x128xi32, #tpu.memory_space<vmem>> -> memref<1x128xi32, #tpu.memory_space<vmem>>
      %dma_wait3A_60 = tpu.memref_squeeze %dma_wait3A_59 : memref<1x128xi32, #tpu.memory_space<vmem>> -> memref<128xi32, #tpu.memory_space<vmem>>
      %dma_wait3A_61 = arith.constant 0 : i32
      %dma_wait3A_62 = arith.constant 0 : i32
      %dma_wait3A_63 = tpu.memref_slice %arg11[%dma_wait3A_61, %dma_wait3A_62] : memref<10240x128xf32, #tpu.memory_space<vmem_shared>> -> memref<10240x128xf32, #tpu.memory_space<vmem_shared>>
      tpu.wait_indirect_dma semaphore(%run_scoped3A_53 : memref<!tpu.dma_semaphore, #tpu.memory_space<semaphore_mem>>) src(%arg10 : memref<128x128xf32, #tpu.memory_space<vmem>>) dst(%dma_wait3A_63 : memref<10240x128xf32, #tpu.memory_space<vmem_shared>>)
      tpu.yield
    }) : () -> ()
    %run_scoped3A_4 = arith.constant 2 : i32
    "tpu.region"() ({
      %run_scoped3A_53 = tpu.sem_alloc : memref<!tpu.dma_semaphore, #tpu.memory_space<semaphore_mem>>
      %dma_start3A = arith.constant 0 : i32
      %dma_start3A_54 = tpu.memref_slice %arg8[%run_scoped3A_4, %dma_start3A] : memref<5x128xi32, #tpu.memory_space<vmem>> -> memref<1x128xi32, #tpu.memory_space<vmem>>
      %dma_start3A_55 = tpu.memref_squeeze %dma_start3A_54 : memref<1x128xi32, #tpu.memory_space<vmem>> -> memref<128xi32, #tpu.memory_space<vmem>>
      %dma_start3A_56 = arith.constant 0 : i32
      %dma_start3A_57 = arith.constant 0 : i32
      %dma_start3A_58 = tpu.memref_slice %arg11[%dma_start3A_56, %dma_start3A_57] : memref<10240x128xf32, #tpu.memory_space<vmem_shared>> -> memref<10240x128xf32, #tpu.memory_space<vmem_shared>>
      tpu.enqueue_indirect_dma source(%arg10 : memref<128x128xf32, #tpu.memory_space<vmem>>) target(%dma_start3A_58 : memref<10240x128xf32, #tpu.memory_space<vmem_shared>>) offsets(%dma_start3A_55 : memref<128xi32, #tpu.memory_space<vmem>>) semaphore(%run_scoped3A_53 : memref<!tpu.dma_semaphore, #tpu.memory_space<semaphore_mem>>)
      %dma_wait3A = arith.constant 0 : i32
      %dma_wait3A_59 = tpu.memref_slice %arg8[%run_scoped3A_4, %dma_wait3A] : memref<5x128xi32, #tpu.memory_space<vmem>> -> memref<1x128xi32, #tpu.memory_space<vmem>>
      %dma_wait3A_60 = tpu.memref_squeeze %dma_wait3A_59 : memref<1x128xi32, #tpu.memory_space<vmem>> -> memref<128xi32, #tpu.memory_space<vmem>>
      %dma_wait3A_61 = arith.constant 0 : i32
      %dma_wait3A_62 = arith.constant 0 : i32
      %dma_wait3A_63 = tpu.memref_slice %arg11[%dma_wait3A_61, %dma_wait3A_62] : memref<10240x128xf32, #tpu.memory_space<vmem_shared>> -> memref<10240x128xf32, #tpu.memory_space<vmem_shared>>
      tpu.wait_indirect_dma semaphore(%run_scoped3A_53 : memref<!tpu.dma_semaphore, #tpu.memory_space<semaphore_mem>>) src(%arg10 : memref<128x128xf32, #tpu.memory_space<vmem>>) dst(%dma_wait3A_63 : memref<10240x128xf32, #tpu.memory_space<vmem_shared>>)
      tpu.yield
    }) : () -> ()
    %run_scoped3A_5 = arith.constant 3 : i32
    "tpu.region"() ({
      %run_scoped3A_53 = tpu.sem_alloc : memref<!tpu.dma_semaphore, #tpu.memory_space<semaphore_mem>>
      %dma_start3A = arith.constant 0 : i32
      %dma_start3A_54 = tpu.memref_slice %arg8[%run_scoped3A_5, %dma_start3A] : memref<5x128xi32, #tpu.memory_space<vmem>> -> memref<1x128xi32, #tpu.memory_space<vmem>>
      %dma_start3A_55 = tpu.memref_squeeze %dma_start3A_54 : memref<1x128xi32, #tpu.memory_space<vmem>> -> memref<128xi32, #tpu.memory_space<vmem>>
      %dma_start3A_56 = arith.constant 0 : i32
      %dma_start3A_57 = arith.constant 0 : i32
      %dma_start3A_58 = tpu.memref_slice %arg11[%dma_start3A_56, %dma_start3A_57] : memref<10240x128xf32, #tpu.memory_space<vmem_shared>> -> memref<10240x128xf32, #tpu.memory_space<vmem_shared>>
      tpu.enqueue_indirect_dma source(%arg10 : memref<128x128xf32, #tpu.memory_space<vmem>>) target(%dma_start3A_58 : memref<10240x128xf32, #tpu.memory_space<vmem_shared>>) offsets(%dma_start3A_55 : memref<128xi32, #tpu.memory_space<vmem>>) semaphore(%run_scoped3A_53 : memref<!tpu.dma_semaphore, #tpu.memory_space<semaphore_mem>>)
      %dma_wait3A = arith.constant 0 : i32
      %dma_wait3A_59 = tpu.memref_slice %arg8[%run_scoped3A_5, %dma_wait3A] : memref<5x128xi32, #tpu.memory_space<vmem>> -> memref<1x128xi32, #tpu.memory_space<vmem>>
      %dma_wait3A_60 = tpu.memref_squeeze %dma_wait3A_59 : memref<1x128xi32, #tpu.memory_space<vmem>> -> memref<128xi32, #tpu.memory_space<vmem>>
      %dma_wait3A_61 = arith.constant 0 : i32
      %dma_wait3A_62 = arith.constant 0 : i32
      %dma_wait3A_63 = tpu.memref_slice %arg11[%dma_wait3A_61, %dma_wait3A_62] : memref<10240x128xf32, #tpu.memory_space<vmem_shared>> -> memref<10240x128xf32, #tpu.memory_space<vmem_shared>>
      tpu.wait_indirect_dma semaphore(%run_scoped3A_53 : memref<!tpu.dma_semaphore, #tpu.memory_space<semaphore_mem>>) src(%arg10 : memref<128x128xf32, #tpu.memory_space<vmem>>) dst(%dma_wait3A_63 : memref<10240x128xf32, #tpu.memory_space<vmem_shared>>)
      tpu.yield
    }) : () -> ()
    %run_scoped3A_6 = arith.constant 4 : i32
    "tpu.region"() ({
      %run_scoped3A_53 = tpu.sem_alloc : memref<!tpu.dma_semaphore, #tpu.memory_space<semaphore_mem>>
      %dma_start3A = arith.constant 0 : i32
      %dma_start3A_54 = tpu.memref_slice %arg8[%run_scoped3A_6, %dma_start3A] : memref<5x128xi32, #tpu.memory_space<vmem>> -> memref<1x128xi32, #tpu.memory_space<vmem>>
      %dma_start3A_55 = tpu.memref_squeeze %dma_start3A_54 : memref<1x128xi32, #tpu.memory_space<vmem>> -> memref<128xi32, #tpu.memory_space<vmem>>
      %dma_start3A_56 = arith.constant 0 : i32
      %dma_start3A_57 = arith.constant 0 : i32
      %dma_start3A_58 = tpu.memref_slice %arg11[%dma_start3A_56, %dma_start3A_57] : memref<10240x128xf32, #tpu.memory_space<vmem_shared>> -> memref<10240x128xf32, #tpu.memory_space<vmem_shared>>
      tpu.enqueue_indirect_dma source(%arg10 : memref<128x128xf32, #tpu.memory_space<vmem>>) target(%dma_start3A_58 : memref<10240x128xf32, #tpu.memory_space<vmem_shared>>) offsets(%dma_start3A_55 : memref<128xi32, #tpu.memory_space<vmem>>) semaphore(%run_scoped3A_53 : memref<!tpu.dma_semaphore, #tpu.memory_space<semaphore_mem>>)
      %dma_wait3A = arith.constant 0 : i32
      %dma_wait3A_59 = tpu.memref_slice %arg8[%run_scoped3A_6, %dma_wait3A] : memref<5x128xi32, #tpu.memory_space<vmem>> -> memref<1x128xi32, #tpu.memory_space<vmem>>
      %dma_wait3A_60 = tpu.memref_squeeze %dma_wait3A_59 : memref<1x128xi32, #tpu.memory_space<vmem>> -> memref<128xi32, #tpu.memory_space<vmem>>
      %dma_wait3A_61 = arith.constant 0 : i32
      %dma_wait3A_62 = arith.constant 0 : i32
      %dma_wait3A_63 = tpu.memref_slice %arg11[%dma_wait3A_61, %dma_wait3A_62] : memref<10240x128xf32, #tpu.memory_space<vmem_shared>> -> memref<10240x128xf32, #tpu.memory_space<vmem_shared>>
      tpu.wait_indirect_dma semaphore(%run_scoped3A_53 : memref<!tpu.dma_semaphore, #tpu.memory_space<semaphore_mem>>) src(%arg10 : memref<128x128xf32, #tpu.memory_space<vmem>>) dst(%dma_wait3A_63 : memref<10240x128xf32, #tpu.memory_space<vmem_shared>>)
      tpu.yield
    }) : () -> ()
    %barrier3A = arith.constant 0 : index
    tpu.barrier barrier_id(%barrier3A)
    %scan3A = arith.constant 0 : i32
    %scan3A_7 = arith.constant 0 : i32
    %scan3A_8 = arith.constant 80 : i32
    %scan3A_9 = arith.addi %scan3A_7, %scan3A_8 : i32
    %scan3A_10 = arith.constant 1 : i32
    scf.for %scan3A_53 = %scan3A_7 to %scan3A_9 step %scan3A_10  : i32 {
      "tpu.region"() ({
        %run_scoped3A_54 = tpu.sem_alloc : memref<!tpu.dma_semaphore, #tpu.memory_space<semaphore_mem>>
        %dma_start3A = arith.constant 0 : i32
        %dma_start3A_55 = tpu.memref_slice %arg7[%scan3A_53, %dma_start3A] : memref<80x128xi32, #tpu.memory_space<vmem>> -> memref<1x128xi32, #tpu.memory_space<vmem>>
        %dma_start3A_56 = tpu.memref_squeeze %dma_start3A_55 : memref<1x128xi32, #tpu.memory_space<vmem>> -> memref<128xi32, #tpu.memory_space<vmem>>
        %dma_start3A_57 = arith.constant 0 : i32
        %dma_start3A_58 = arith.constant 0 : i32
        %dma_start3A_59 = tpu.memref_slice %arg11[%dma_start3A_57, %dma_start3A_58] : memref<10240x128xf32, #tpu.memory_space<vmem_shared>> -> memref<10240x128xf32, #tpu.memory_space<vmem_shared>>
        tpu.enqueue_indirect_dma source(%arg9 : memref<128x128xf32, #tpu.memory_space<vmem>>) target(%dma_start3A_59 : memref<10240x128xf32, #tpu.memory_space<vmem_shared>>) offsets(%dma_start3A_56 : memref<128xi32, #tpu.memory_space<vmem>>) semaphore(%run_scoped3A_54 : memref<!tpu.dma_semaphore, #tpu.memory_space<semaphore_mem>>) {add = true}
        %dma_wait3A = arith.constant 0 : i32
        %dma_wait3A_60 = tpu.memref_slice %arg7[%scan3A_53, %dma_wait3A] : memref<80x128xi32, #tpu.memory_space<vmem>> -> memref<1x128xi32, #tpu.memory_space<vmem>>
        %dma_wait3A_61 = tpu.memref_squeeze %dma_wait3A_60 : memref<1x128xi32, #tpu.memory_space<vmem>> -> memref<128xi32, #tpu.memory_space<vmem>>
        %dma_wait3A_62 = arith.constant 0 : i32
        %dma_wait3A_63 = arith.constant 0 : i32
        %dma_wait3A_64 = tpu.memref_slice %arg11[%dma_wait3A_62, %dma_wait3A_63] : memref<10240x128xf32, #tpu.memory_space<vmem_shared>> -> memref<10240x128xf32, #tpu.memory_space<vmem_shared>>
        tpu.wait_indirect_dma semaphore(%run_scoped3A_54 : memref<!tpu.dma_semaphore, #tpu.memory_space<semaphore_mem>>) src(%arg9 : memref<128x128xf32, #tpu.memory_space<vmem>>) dst(%dma_wait3A_64 : memref<10240x128xf32, #tpu.memory_space<vmem_shared>>)
        tpu.yield
      }) : () -> ()
    }
    %scan3A_11 = arith.constant 80 : i32
    %barrier3A_12 = arith.constant 0 : index
    tpu.barrier barrier_id(%barrier3A_12)
    %run_scoped3A_13 = arith.constant 0 : i32
    "tpu.region"() ({
      %run_scoped3A_53 = tpu.sem_alloc : memref<!tpu.dma_semaphore, #tpu.memory_space<semaphore_mem>>
      %dma_start3A = arith.constant 0 : i32
      %dma_start3A_54 = tpu.memref_slice %arg8[%run_scoped3A_13, %dma_start3A] : memref<5x128xi32, #tpu.memory_space<vmem>> -> memref<1x128xi32, #tpu.memory_space<vmem>>
      %dma_start3A_55 = tpu.memref_squeeze %dma_start3A_54 : memref<1x128xi32, #tpu.memory_space<vmem>> -> memref<128xi32, #tpu.memory_space<vmem>>
      %dma_start3A_56 = arith.constant 0 : i32
      %dma_start3A_57 = arith.constant 0 : i32
      %dma_start3A_58 = tpu.memref_slice %arg11[%dma_start3A_56, %dma_start3A_57] : memref<10240x128xf32, #tpu.memory_space<vmem_shared>> -> memref<10240x128xf32, #tpu.memory_space<vmem_shared>>
      tpu.enqueue_indirect_dma source(%dma_start3A_58 : memref<10240x128xf32, #tpu.memory_space<vmem_shared>>) target(%arg10 : memref<128x128xf32, #tpu.memory_space<vmem>>) offsets(%dma_start3A_55 : memref<128xi32, #tpu.memory_space<vmem>>) semaphore(%run_scoped3A_53 : memref<!tpu.dma_semaphore, #tpu.memory_space<semaphore_mem>>)
      %dma_wait3A = arith.constant 0 : i32
      %dma_wait3A_59 = tpu.memref_slice %arg8[%run_scoped3A_13, %dma_wait3A] : memref<5x128xi32, #tpu.memory_space<vmem>> -> memref<1x128xi32, #tpu.memory_space<vmem>>
      %dma_wait3A_60 = tpu.memref_squeeze %dma_wait3A_59 : memref<1x128xi32, #tpu.memory_space<vmem>> -> memref<128xi32, #tpu.memory_space<vmem>>
      %dma_wait3A_61 = arith.constant 0 : i32
      %dma_wait3A_62 = arith.constant 0 : i32
      %dma_wait3A_63 = tpu.memref_slice %arg11[%dma_wait3A_61, %dma_wait3A_62] : memref<10240x128xf32, #tpu.memory_space<vmem_shared>> -> memref<10240x128xf32, #tpu.memory_space<vmem_shared>>
      tpu.wait_indirect_dma semaphore(%run_scoped3A_53 : memref<!tpu.dma_semaphore, #tpu.memory_space<semaphore_mem>>) src(%dma_wait3A_63 : memref<10240x128xf32, #tpu.memory_space<vmem_shared>>) dst(%arg10 : memref<128x128xf32, #tpu.memory_space<vmem>>)
      tpu.yield
    }) : () -> ()
    %mul3A_14 = arith.constant 10240 : i32
    %mul3A_15 = arith.muli %arg0, %mul3A_14 : i32
    %mul3A_16 = arith.constant 640 : i32
    %mul3A_17 = arith.muli %arg1, %mul3A_16 : i32
    %add3A_18 = arith.addi %mul3A_15, %mul3A_17 : i32
    %add3A_19 = arith.constant 0 : i32
    %add3A_20 = arith.addi %add3A_18, %add3A_19 : i32
    "tpu.region"() ({
      %run_scoped3A_53 = tpu.sem_alloc : memref<!tpu.dma_semaphore, #tpu.memory_space<semaphore_mem>>
      %dma_start3A = arith.constant 0 : i32
      %dma_start3A_54 = tpu.memref_slice %arg6[%add3A_20, %dma_start3A] : memref<20480x128xf32, #tpu.memory_space<hbm>> -> memref<128x128xf32, #tpu.memory_space<hbm>>
      %dma_start3A_55 = arith.constant 0 : i32
      %dma_start3A_56 = tpu.memref_slice %arg6[%add3A_20, %dma_start3A_55] : memref<20480x128xf32, #tpu.memory_space<hbm>> -> memref<128x128xf32, #tpu.memory_space<hbm>>
      tpu.enqueue_dma source(%arg10 : memref<128x128xf32, #tpu.memory_space<vmem>>) target(%dma_start3A_56 : memref<128x128xf32, #tpu.memory_space<hbm>>) target_semaphore(%run_scoped3A_53 : memref<!tpu.dma_semaphore, #tpu.memory_space<semaphore_mem>>)
      %dma_wait3A = arith.constant 0 : i32
      %dma_wait3A_57 = tpu.memref_slice %arg6[%add3A_20, %dma_wait3A] : memref<20480x128xf32, #tpu.memory_space<hbm>> -> memref<128x128xf32, #tpu.memory_space<hbm>>
      %dma_wait3A_58 = arith.constant 0 : i32
      %dma_wait3A_59 = tpu.memref_slice %arg6[%add3A_20, %dma_wait3A_58] : memref<20480x128xf32, #tpu.memory_space<hbm>> -> memref<128x128xf32, #tpu.memory_space<hbm>>
      tpu.wait_dma2 semaphore(%run_scoped3A_53 : memref<!tpu.dma_semaphore, #tpu.memory_space<semaphore_mem>>) src(%arg10 : memref<128x128xf32, #tpu.memory_space<vmem>>) dst(%dma_wait3A_59 : memref<128x128xf32, #tpu.memory_space<hbm>>)
      tpu.yield
    }) : () -> ()
    %run_scoped3A_21 = arith.constant 1 : i32
    "tpu.region"() ({
      %run_scoped3A_53 = tpu.sem_alloc : memref<!tpu.dma_semaphore, #tpu.memory_space<semaphore_mem>>
      %dma_start3A = arith.constant 0 : i32
      %dma_start3A_54 = tpu.memref_slice %arg8[%run_scoped3A_21, %dma_start3A] : memref<5x128xi32, #tpu.memory_space<vmem>> -> memref<1x128xi32, #tpu.memory_space<vmem>>
      %dma_start3A_55 = tpu.memref_squeeze %dma_start3A_54 : memref<1x128xi32, #tpu.memory_space<vmem>> -> memref<128xi32, #tpu.memory_space<vmem>>
      %dma_start3A_56 = arith.constant 0 : i32
      %dma_start3A_57 = arith.constant 0 : i32
      %dma_start3A_58 = tpu.memref_slice %arg11[%dma_start3A_56, %dma_start3A_57] : memref<10240x128xf32, #tpu.memory_space<vmem_shared>> -> memref<10240x128xf32, #tpu.memory_space<vmem_shared>>
      tpu.enqueue_indirect_dma source(%dma_start3A_58 : memref<10240x128xf32, #tpu.memory_space<vmem_shared>>) target(%arg10 : memref<128x128xf32, #tpu.memory_space<vmem>>) offsets(%dma_start3A_55 : memref<128xi32, #tpu.memory_space<vmem>>) semaphore(%run_scoped3A_53 : memref<!tpu.dma_semaphore, #tpu.memory_space<semaphore_mem>>)
      %dma_wait3A = arith.constant 0 : i32
      %dma_wait3A_59 = tpu.memref_slice %arg8[%run_scoped3A_21, %dma_wait3A] : memref<5x128xi32, #tpu.memory_space<vmem>> -> memref<1x128xi32, #tpu.memory_space<vmem>>
      %dma_wait3A_60 = tpu.memref_squeeze %dma_wait3A_59 : memref<1x128xi32, #tpu.memory_space<vmem>> -> memref<128xi32, #tpu.memory_space<vmem>>
      %dma_wait3A_61 = arith.constant 0 : i32
      %dma_wait3A_62 = arith.constant 0 : i32
      %dma_wait3A_63 = tpu.memref_slice %arg11[%dma_wait3A_61, %dma_wait3A_62] : memref<10240x128xf32, #tpu.memory_space<vmem_shared>> -> memref<10240x128xf32, #tpu.memory_space<vmem_shared>>
      tpu.wait_indirect_dma semaphore(%run_scoped3A_53 : memref<!tpu.dma_semaphore, #tpu.memory_space<semaphore_mem>>) src(%dma_wait3A_63 : memref<10240x128xf32, #tpu.memory_space<vmem_shared>>) dst(%arg10 : memref<128x128xf32, #tpu.memory_space<vmem>>)
      tpu.yield
    }) : () -> ()
    %mul3A_22 = arith.constant 10240 : i32
    %mul3A_23 = arith.muli %arg0, %mul3A_22 : i32
    %mul3A_24 = arith.constant 640 : i32
    %mul3A_25 = arith.muli %arg1, %mul3A_24 : i32
    %add3A_26 = arith.addi %mul3A_23, %mul3A_25 : i32
    %add3A_27 = arith.constant 128 : i32
    %add3A_28 = arith.addi %add3A_26, %add3A_27 : i32
    "tpu.region"() ({
      %run_scoped3A_53 = tpu.sem_alloc : memref<!tpu.dma_semaphore, #tpu.memory_space<semaphore_mem>>
      %dma_start3A = arith.constant 0 : i32
      %dma_start3A_54 = tpu.memref_slice %arg6[%add3A_28, %dma_start3A] : memref<20480x128xf32, #tpu.memory_space<hbm>> -> memref<128x128xf32, #tpu.memory_space<hbm>>
      %dma_start3A_55 = arith.constant 0 : i32
      %dma_start3A_56 = tpu.memref_slice %arg6[%add3A_28, %dma_start3A_55] : memref<20480x128xf32, #tpu.memory_space<hbm>> -> memref<128x128xf32, #tpu.memory_space<hbm>>
      tpu.enqueue_dma source(%arg10 : memref<128x128xf32, #tpu.memory_space<vmem>>) target(%dma_start3A_56 : memref<128x128xf32, #tpu.memory_space<hbm>>) target_semaphore(%run_scoped3A_53 : memref<!tpu.dma_semaphore, #tpu.memory_space<semaphore_mem>>)
      %dma_wait3A = arith.constant 0 : i32
      %dma_wait3A_57 = tpu.memref_slice %arg6[%add3A_28, %dma_wait3A] : memref<20480x128xf32, #tpu.memory_space<hbm>> -> memref<128x128xf32, #tpu.memory_space<hbm>>
      %dma_wait3A_58 = arith.constant 0 : i32
      %dma_wait3A_59 = tpu.memref_slice %arg6[%add3A_28, %dma_wait3A_58] : memref<20480x128xf32, #tpu.memory_space<hbm>> -> memref<128x128xf32, #tpu.memory_space<hbm>>
      tpu.wait_dma2 semaphore(%run_scoped3A_53 : memref<!tpu.dma_semaphore, #tpu.memory_space<semaphore_mem>>) src(%arg10 : memref<128x128xf32, #tpu.memory_space<vmem>>) dst(%dma_wait3A_59 : memref<128x128xf32, #tpu.memory_space<hbm>>)
      tpu.yield
    }) : () -> ()
    %run_scoped3A_29 = arith.constant 2 : i32
    "tpu.region"() ({
      %run_scoped3A_53 = tpu.sem_alloc : memref<!tpu.dma_semaphore, #tpu.memory_space<semaphore_mem>>
      %dma_start3A = arith.constant 0 : i32
      %dma_start3A_54 = tpu.memref_slice %arg8[%run_scoped3A_29, %dma_start3A] : memref<5x128xi32, #tpu.memory_space<vmem>> -> memref<1x128xi32, #tpu.memory_space<vmem>>
      %dma_start3A_55 = tpu.memref_squeeze %dma_start3A_54 : memref<1x128xi32, #tpu.memory_space<vmem>> -> memref<128xi32, #tpu.memory_space<vmem>>
      %dma_start3A_56 = arith.constant 0 : i32
      %dma_start3A_57 = arith.constant 0 : i32
      %dma_start3A_58 = tpu.memref_slice %arg11[%dma_start3A_56, %dma_start3A_57] : memref<10240x128xf32, #tpu.memory_space<vmem_shared>> -> memref<10240x128xf32, #tpu.memory_space<vmem_shared>>
      tpu.enqueue_indirect_dma source(%dma_start3A_58 : memref<10240x128xf32, #tpu.memory_space<vmem_shared>>) target(%arg10 : memref<128x128xf32, #tpu.memory_space<vmem>>) offsets(%dma_start3A_55 : memref<128xi32, #tpu.memory_space<vmem>>) semaphore(%run_scoped3A_53 : memref<!tpu.dma_semaphore, #tpu.memory_space<semaphore_mem>>)
      %dma_wait3A = arith.constant 0 : i32
      %dma_wait3A_59 = tpu.memref_slice %arg8[%run_scoped3A_29, %dma_wait3A] : memref<5x128xi32, #tpu.memory_space<vmem>> -> memref<1x128xi32, #tpu.memory_space<vmem>>
      %dma_wait3A_60 = tpu.memref_squeeze %dma_wait3A_59 : memref<1x128xi32, #tpu.memory_space<vmem>> -> memref<128xi32, #tpu.memory_space<vmem>>
      %dma_wait3A_61 = arith.constant 0 : i32
      %dma_wait3A_62 = arith.constant 0 : i32
      %dma_wait3A_63 = tpu.memref_slice %arg11[%dma_wait3A_61, %dma_wait3A_62] : memref<10240x128xf32, #tpu.memory_space<vmem_shared>> -> memref<10240x128xf32, #tpu.memory_space<vmem_shared>>
      tpu.wait_indirect_dma semaphore(%run_scoped3A_53 : memref<!tpu.dma_semaphore, #tpu.memory_space<semaphore_mem>>) src(%dma_wait3A_63 : memref<10240x128xf32, #tpu.memory_space<vmem_shared>>) dst(%arg10 : memref<128x128xf32, #tpu.memory_space<vmem>>)
      tpu.yield
    }) : () -> ()
    %mul3A_30 = arith.constant 10240 : i32
    %mul3A_31 = arith.muli %arg0, %mul3A_30 : i32
    %mul3A_32 = arith.constant 640 : i32
    %mul3A_33 = arith.muli %arg1, %mul3A_32 : i32
    %add3A_34 = arith.addi %mul3A_31, %mul3A_33 : i32
    %add3A_35 = arith.constant 256 : i32
    %add3A_36 = arith.addi %add3A_34, %add3A_35 : i32
    "tpu.region"() ({
      %run_scoped3A_53 = tpu.sem_alloc : memref<!tpu.dma_semaphore, #tpu.memory_space<semaphore_mem>>
      %dma_start3A = arith.constant 0 : i32
      %dma_start3A_54 = tpu.memref_slice %arg6[%add3A_36, %dma_start3A] : memref<20480x128xf32, #tpu.memory_space<hbm>> -> memref<128x128xf32, #tpu.memory_space<hbm>>
      %dma_start3A_55 = arith.constant 0 : i32
      %dma_start3A_56 = tpu.memref_slice %arg6[%add3A_36, %dma_start3A_55] : memref<20480x128xf32, #tpu.memory_space<hbm>> -> memref<128x128xf32, #tpu.memory_space<hbm>>
      tpu.enqueue_dma source(%arg10 : memref<128x128xf32, #tpu.memory_space<vmem>>) target(%dma_start3A_56 : memref<128x128xf32, #tpu.memory_space<hbm>>) target_semaphore(%run_scoped3A_53 : memref<!tpu.dma_semaphore, #tpu.memory_space<semaphore_mem>>)
      %dma_wait3A = arith.constant 0 : i32
      %dma_wait3A_57 = tpu.memref_slice %arg6[%add3A_36, %dma_wait3A] : memref<20480x128xf32, #tpu.memory_space<hbm>> -> memref<128x128xf32, #tpu.memory_space<hbm>>
      %dma_wait3A_58 = arith.constant 0 : i32
      %dma_wait3A_59 = tpu.memref_slice %arg6[%add3A_36, %dma_wait3A_58] : memref<20480x128xf32, #tpu.memory_space<hbm>> -> memref<128x128xf32, #tpu.memory_space<hbm>>
      tpu.wait_dma2 semaphore(%run_scoped3A_53 : memref<!tpu.dma_semaphore, #tpu.memory_space<semaphore_mem>>) src(%arg10 : memref<128x128xf32, #tpu.memory_space<vmem>>) dst(%dma_wait3A_59 : memref<128x128xf32, #tpu.memory_space<hbm>>)
      tpu.yield
    }) : () -> ()
    %run_scoped3A_37 = arith.constant 3 : i32
    "tpu.region"() ({
      %run_scoped3A_53 = tpu.sem_alloc : memref<!tpu.dma_semaphore, #tpu.memory_space<semaphore_mem>>
      %dma_start3A = arith.constant 0 : i32
      %dma_start3A_54 = tpu.memref_slice %arg8[%run_scoped3A_37, %dma_start3A] : memref<5x128xi32, #tpu.memory_space<vmem>> -> memref<1x128xi32, #tpu.memory_space<vmem>>
      %dma_start3A_55 = tpu.memref_squeeze %dma_start3A_54 : memref<1x128xi32, #tpu.memory_space<vmem>> -> memref<128xi32, #tpu.memory_space<vmem>>
      %dma_start3A_56 = arith.constant 0 : i32
      %dma_start3A_57 = arith.constant 0 : i32
      %dma_start3A_58 = tpu.memref_slice %arg11[%dma_start3A_56, %dma_start3A_57] : memref<10240x128xf32, #tpu.memory_space<vmem_shared>> -> memref<10240x128xf32, #tpu.memory_space<vmem_shared>>
      tpu.enqueue_indirect_dma source(%dma_start3A_58 : memref<10240x128xf32, #tpu.memory_space<vmem_shared>>) target(%arg10 : memref<128x128xf32, #tpu.memory_space<vmem>>) offsets(%dma_start3A_55 : memref<128xi32, #tpu.memory_space<vmem>>) semaphore(%run_scoped3A_53 : memref<!tpu.dma_semaphore, #tpu.memory_space<semaphore_mem>>)
      %dma_wait3A = arith.constant 0 : i32
      %dma_wait3A_59 = tpu.memref_slice %arg8[%run_scoped3A_37, %dma_wait3A] : memref<5x128xi32, #tpu.memory_space<vmem>> -> memref<1x128xi32, #tpu.memory_space<vmem>>
      %dma_wait3A_60 = tpu.memref_squeeze %dma_wait3A_59 : memref<1x128xi32, #tpu.memory_space<vmem>> -> memref<128xi32, #tpu.memory_space<vmem>>
      %dma_wait3A_61 = arith.constant 0 : i32
      %dma_wait3A_62 = arith.constant 0 : i32
      %dma_wait3A_63 = tpu.memref_slice %arg11[%dma_wait3A_61, %dma_wait3A_62] : memref<10240x128xf32, #tpu.memory_space<vmem_shared>> -> memref<10240x128xf32, #tpu.memory_space<vmem_shared>>
      tpu.wait_indirect_dma semaphore(%run_scoped3A_53 : memref<!tpu.dma_semaphore, #tpu.memory_space<semaphore_mem>>) src(%dma_wait3A_63 : memref<10240x128xf32, #tpu.memory_space<vmem_shared>>) dst(%arg10 : memref<128x128xf32, #tpu.memory_space<vmem>>)
      tpu.yield
    }) : () -> ()
    %mul3A_38 = arith.constant 10240 : i32
    %mul3A_39 = arith.muli %arg0, %mul3A_38 : i32
    %mul3A_40 = arith.constant 640 : i32
    %mul3A_41 = arith.muli %arg1, %mul3A_40 : i32
    %add3A_42 = arith.addi %mul3A_39, %mul3A_41 : i32
    %add3A_43 = arith.constant 384 : i32
    %add3A_44 = arith.addi %add3A_42, %add3A_43 : i32
    "tpu.region"() ({
      %run_scoped3A_53 = tpu.sem_alloc : memref<!tpu.dma_semaphore, #tpu.memory_space<semaphore_mem>>
      %dma_start3A = arith.constant 0 : i32
      %dma_start3A_54 = tpu.memref_slice %arg6[%add3A_44, %dma_start3A] : memref<20480x128xf32, #tpu.memory_space<hbm>> -> memref<128x128xf32, #tpu.memory_space<hbm>>
      %dma_start3A_55 = arith.constant 0 : i32
      %dma_start3A_56 = tpu.memref_slice %arg6[%add3A_44, %dma_start3A_55] : memref<20480x128xf32, #tpu.memory_space<hbm>> -> memref<128x128xf32, #tpu.memory_space<hbm>>
      tpu.enqueue_dma source(%arg10 : memref<128x128xf32, #tpu.memory_space<vmem>>) target(%dma_start3A_56 : memref<128x128xf32, #tpu.memory_space<hbm>>) target_semaphore(%run_scoped3A_53 : memref<!tpu.dma_semaphore, #tpu.memory_space<semaphore_mem>>)
      %dma_wait3A = arith.constant 0 : i32
      %dma_wait3A_57 = tpu.memref_slice %arg6[%add3A_44, %dma_wait3A] : memref<20480x128xf32, #tpu.memory_space<hbm>> -> memref<128x128xf32, #tpu.memory_space<hbm>>
      %dma_wait3A_58 = arith.constant 0 : i32
      %dma_wait3A_59 = tpu.memref_slice %arg6[%add3A_44, %dma_wait3A_58] : memref<20480x128xf32, #tpu.memory_space<hbm>> -> memref<128x128xf32, #tpu.memory_space<hbm>>
      tpu.wait_dma2 semaphore(%run_scoped3A_53 : memref<!tpu.dma_semaphore, #tpu.memory_space<semaphore_mem>>) src(%arg10 : memref<128x128xf32, #tpu.memory_space<vmem>>) dst(%dma_wait3A_59 : memref<128x128xf32, #tpu.memory_space<hbm>>)
      tpu.yield
    }) : () -> ()
    %run_scoped3A_45 = arith.constant 4 : i32
    "tpu.region"() ({
      %run_scoped3A_53 = tpu.sem_alloc : memref<!tpu.dma_semaphore, #tpu.memory_space<semaphore_mem>>
      %dma_start3A = arith.constant 0 : i32
      %dma_start3A_54 = tpu.memref_slice %arg8[%run_scoped3A_45, %dma_start3A] : memref<5x128xi32, #tpu.memory_space<vmem>> -> memref<1x128xi32, #tpu.memory_space<vmem>>
      %dma_start3A_55 = tpu.memref_squeeze %dma_start3A_54 : memref<1x128xi32, #tpu.memory_space<vmem>> -> memref<128xi32, #tpu.memory_space<vmem>>
      %dma_start3A_56 = arith.constant 0 : i32
      %dma_start3A_57 = arith.constant 0 : i32
      %dma_start3A_58 = tpu.memref_slice %arg11[%dma_start3A_56, %dma_start3A_57] : memref<10240x128xf32, #tpu.memory_space<vmem_shared>> -> memref<10240x128xf32, #tpu.memory_space<vmem_shared>>
      tpu.enqueue_indirect_dma source(%dma_start3A_58 : memref<10240x128xf32, #tpu.memory_space<vmem_shared>>) target(%arg10 : memref<128x128xf32, #tpu.memory_space<vmem>>) offsets(%dma_start3A_55 : memref<128xi32, #tpu.memory_space<vmem>>) semaphore(%run_scoped3A_53 : memref<!tpu.dma_semaphore, #tpu.memory_space<semaphore_mem>>)
      %dma_wait3A = arith.constant 0 : i32
      %dma_wait3A_59 = tpu.memref_slice %arg8[%run_scoped3A_45, %dma_wait3A] : memref<5x128xi32, #tpu.memory_space<vmem>> -> memref<1x128xi32, #tpu.memory_space<vmem>>
      %dma_wait3A_60 = tpu.memref_squeeze %dma_wait3A_59 : memref<1x128xi32, #tpu.memory_space<vmem>> -> memref<128xi32, #tpu.memory_space<vmem>>
      %dma_wait3A_61 = arith.constant 0 : i32
      %dma_wait3A_62 = arith.constant 0 : i32
      %dma_wait3A_63 = tpu.memref_slice %arg11[%dma_wait3A_61, %dma_wait3A_62] : memref<10240x128xf32, #tpu.memory_space<vmem_shared>> -> memref<10240x128xf32, #tpu.memory_space<vmem_shared>>
      tpu.wait_indirect_dma semaphore(%run_scoped3A_53 : memref<!tpu.dma_semaphore, #tpu.memory_space<semaphore_mem>>) src(%dma_wait3A_63 : memref<10240x128xf32, #tpu.memory_space<vmem_shared>>) dst(%arg10 : memref<128x128xf32, #tpu.memory_space<vmem>>)
      tpu.yield
    }) : () -> ()
    %mul3A_46 = arith.constant 10240 : i32
    %mul3A_47 = arith.muli %arg0, %mul3A_46 : i32
    %mul3A_48 = arith.constant 640 : i32
    %mul3A_49 = arith.muli %arg1, %mul3A_48 : i32
    %add3A_50 = arith.addi %mul3A_47, %mul3A_49 : i32
    %add3A_51 = arith.constant 512 : i32
    %add3A_52 = arith.addi %add3A_50, %add3A_51 : i32
    "tpu.region"() ({
      %run_scoped3A_53 = tpu.sem_alloc : memref<!tpu.dma_semaphore, #tpu.memory_space<semaphore_mem>>
      %dma_start3A = arith.constant 0 : i32
      %dma_start3A_54 = tpu.memref_slice %arg6[%add3A_52, %dma_start3A] : memref<20480x128xf32, #tpu.memory_space<hbm>> -> memref<128x128xf32, #tpu.memory_space<hbm>>
      %dma_start3A_55 = arith.constant 0 : i32
      %dma_start3A_56 = tpu.memref_slice %arg6[%add3A_52, %dma_start3A_55] : memref<20480x128xf32, #tpu.memory_space<hbm>> -> memref<128x128xf32, #tpu.memory_space<hbm>>
      tpu.enqueue_dma source(%arg10 : memref<128x128xf32, #tpu.memory_space<vmem>>) target(%dma_start3A_56 : memref<128x128xf32, #tpu.memory_space<hbm>>) target_semaphore(%run_scoped3A_53 : memref<!tpu.dma_semaphore, #tpu.memory_space<semaphore_mem>>)
      %dma_wait3A = arith.constant 0 : i32
      %dma_wait3A_57 = tpu.memref_slice %arg6[%add3A_52, %dma_wait3A] : memref<20480x128xf32, #tpu.memory_space<hbm>> -> memref<128x128xf32, #tpu.memory_space<hbm>>
      %dma_wait3A_58 = arith.constant 0 : i32
      %dma_wait3A_59 = tpu.memref_slice %arg6[%add3A_52, %dma_wait3A_58] : memref<20480x128xf32, #tpu.memory_space<hbm>> -> memref<128x128xf32, #tpu.memory_space<hbm>>
      tpu.wait_dma2 semaphore(%run_scoped3A_53 : memref<!tpu.dma_semaphore, #tpu.memory_space<semaphore_mem>>) src(%arg10 : memref<128x128xf32, #tpu.memory_space<vmem>>) dst(%dma_wait3A_59 : memref<128x128xf32, #tpu.memory_space<hbm>>)
      tpu.yield
    }) : () -> ()
    return
  }
}

#map = affine_map<(d0, d1) -> (0, 0)>
#map1 = affine_map<(d0, d1) -> (0, 0, 0)>
module attributes {stable_mosaic.version = 14 : i64} {
  func.func @_sc_layer_body(%arg0: i32, %arg1: i32, %arg2: memref<10000x128xf32, #tpu.memory_space<hbm>>, %arg3: memref<2560x128xi32, #tpu.memory_space<hbm>>, %arg4: memref<2560x1x128xi32, #tpu.memory_space<hbm>>, %arg5: memref<128x128xf32, #tpu.memory_space<hbm>>, %arg6: memref<16x5x128xi32, #tpu.memory_space<hbm>>, %arg7: memref<20480x128xf32, #tpu.memory_space<hbm>>, %arg8: memref<80x128xi32, #tpu.memory_space<vmem>>, %arg9: memref<5x128xi32, #tpu.memory_space<vmem>>, %arg10: memref<128x128xf32, #tpu.memory_space<vmem>>, %arg11: memref<128x128xf32, #tpu.memory_space<vmem>>, %arg12: memref<1x128xi32, #tpu.memory_space<vmem>>, %arg13: memref<1x128xi32, #tpu.memory_space<vmem>>, %arg14: memref<10240x128xf32, #tpu.memory_space<vmem_shared>>, %arg15: memref<!tpu.dma_semaphore, #tpu.memory_space<semaphore_mem>>, %arg16: memref<!tpu.dma_semaphore, #tpu.memory_space<semaphore_mem>>) attributes {dimension_semantics = [#tpu.dimension_semantics<core_parallel>, #tpu.dimension_semantics<subcore_parallel>], iteration_bounds = array<i64: 2, 16>, scalar_prefetch = 0 : i64, scratch_operands = 9 : i64, tpu.core_type = #tpu.core_type<sc_vector_subcore>, window_params = [{transform_indices = #map}, {transform_indices = #map}, {transform_indices = #map1}, {transform_indices = #map}, {transform_indices = #map1}, {transform_indices = #map}]} {
    %mul3A = arith.constant 2 : i32
    %mul3A_0 = arith.muli %arg1, %mul3A : i32
    %add3A = arith.addi %mul3A_0, %arg0 : i32
    %mul3A_1 = arith.constant 80 : i32
    %mul3A_2 = arith.muli %add3A, %mul3A_1 : i32
    "tpu.region"() ({
      %run_scoped3A_53 = tpu.sem_alloc : memref<!tpu.dma_semaphore, #tpu.memory_space<semaphore_mem>>
      %dma_start3A = arith.constant 0 : i32
      %dma_start3A_54 = tpu.memref_slice %arg3[%mul3A_2, %dma_start3A] : memref<2560x128xi32, #tpu.memory_space<hbm>> -> memref<80x128xi32, #tpu.memory_space<hbm>>
      %dma_start3A_55 = arith.constant 0 : i32
      %dma_start3A_56 = tpu.memref_slice %arg3[%mul3A_2, %dma_start3A_55] : memref<2560x128xi32, #tpu.memory_space<hbm>> -> memref<80x128xi32, #tpu.memory_space<hbm>>
      tpu.enqueue_dma source(%dma_start3A_56 : memref<80x128xi32, #tpu.memory_space<hbm>>) target(%arg8 : memref<80x128xi32, #tpu.memory_space<vmem>>) target_semaphore(%run_scoped3A_53 : memref<!tpu.dma_semaphore, #tpu.memory_space<semaphore_mem>>)
      %dma_wait3A = arith.constant 0 : i32
      %dma_wait3A_57 = tpu.memref_slice %arg3[%mul3A_2, %dma_wait3A] : memref<2560x128xi32, #tpu.memory_space<hbm>> -> memref<80x128xi32, #tpu.memory_space<hbm>>
      %dma_wait3A_58 = arith.constant 0 : i32
      %dma_wait3A_59 = tpu.memref_slice %arg3[%mul3A_2, %dma_wait3A_58] : memref<2560x128xi32, #tpu.memory_space<hbm>> -> memref<80x128xi32, #tpu.memory_space<hbm>>
      tpu.wait_dma2 semaphore(%run_scoped3A_53 : memref<!tpu.dma_semaphore, #tpu.memory_space<semaphore_mem>>) src(%dma_wait3A_59 : memref<80x128xi32, #tpu.memory_space<hbm>>) dst(%arg8 : memref<80x128xi32, #tpu.memory_space<vmem>>)
      tpu.yield
    }) : () -> ()
    "tpu.region"() ({
      %run_scoped3A_53 = tpu.sem_alloc : memref<!tpu.dma_semaphore, #tpu.memory_space<semaphore_mem>>
      %dma_start3A = arith.constant 0 : i32
      %dma_start3A_54 = arith.constant 0 : i32
      %dma_start3A_55 = tpu.memref_slice %arg6[%arg1, %dma_start3A, %dma_start3A_54] : memref<16x5x128xi32, #tpu.memory_space<hbm>> -> memref<1x5x128xi32, #tpu.memory_space<hbm>>
      %dma_start3A_56 = tpu.memref_squeeze %dma_start3A_55 : memref<1x5x128xi32, #tpu.memory_space<hbm>> -> memref<5x128xi32, #tpu.memory_space<hbm>>
      %dma_start3A_57 = arith.constant 0 : i32
      %dma_start3A_58 = arith.constant 0 : i32
      %dma_start3A_59 = tpu.memref_slice %arg6[%arg1, %dma_start3A_57, %dma_start3A_58] : memref<16x5x128xi32, #tpu.memory_space<hbm>> -> memref<1x5x128xi32, #tpu.memory_space<hbm>>
      %dma_start3A_60 = tpu.memref_squeeze %dma_start3A_59 : memref<1x5x128xi32, #tpu.memory_space<hbm>> -> memref<5x128xi32, #tpu.memory_space<hbm>>
      tpu.enqueue_dma source(%dma_start3A_60 : memref<5x128xi32, #tpu.memory_space<hbm>>) target(%arg9 : memref<5x128xi32, #tpu.memory_space<vmem>>) target_semaphore(%run_scoped3A_53 : memref<!tpu.dma_semaphore, #tpu.memory_space<semaphore_mem>>)
      %dma_wait3A = arith.constant 0 : i32
      %dma_wait3A_61 = arith.constant 0 : i32
      %dma_wait3A_62 = tpu.memref_slice %arg6[%arg1, %dma_wait3A, %dma_wait3A_61] : memref<16x5x128xi32, #tpu.memory_space<hbm>> -> memref<1x5x128xi32, #tpu.memory_space<hbm>>
      %dma_wait3A_63 = tpu.memref_squeeze %dma_wait3A_62 : memref<1x5x128xi32, #tpu.memory_space<hbm>> -> memref<5x128xi32, #tpu.memory_space<hbm>>
      %dma_wait3A_64 = arith.constant 0 : i32
      %dma_wait3A_65 = arith.constant 0 : i32
      %dma_wait3A_66 = tpu.memref_slice %arg6[%arg1, %dma_wait3A_64, %dma_wait3A_65] : memref<16x5x128xi32, #tpu.memory_space<hbm>> -> memref<1x5x128xi32, #tpu.memory_space<hbm>>
      %dma_wait3A_67 = tpu.memref_squeeze %dma_wait3A_66 : memref<1x5x128xi32, #tpu.memory_space<hbm>> -> memref<5x128xi32, #tpu.memory_space<hbm>>
      tpu.wait_dma2 semaphore(%run_scoped3A_53 : memref<!tpu.dma_semaphore, #tpu.memory_space<semaphore_mem>>) src(%dma_wait3A_67 : memref<5x128xi32, #tpu.memory_space<hbm>>) dst(%arg9 : memref<5x128xi32, #tpu.memory_space<vmem>>)
      tpu.yield
    }) : () -> ()
    "tpu.region"() ({
      %run_scoped3A_53 = tpu.sem_alloc : memref<!tpu.dma_semaphore, #tpu.memory_space<semaphore_mem>>
      tpu.enqueue_dma source(%arg5 : memref<128x128xf32, #tpu.memory_space<hbm>>) target(%arg10 : memref<128x128xf32, #tpu.memory_space<vmem>>) target_semaphore(%run_scoped3A_53 : memref<!tpu.dma_semaphore, #tpu.memory_space<semaphore_mem>>)
      tpu.wait_dma2 semaphore(%run_scoped3A_53 : memref<!tpu.dma_semaphore, #tpu.memory_space<semaphore_mem>>) src(%arg5 : memref<128x128xf32, #tpu.memory_space<hbm>>) dst(%arg10 : memref<128x128xf32, #tpu.memory_space<vmem>>)
      tpu.yield
    }) : () -> ()
    %run_scoped3A = arith.constant 0 : i32
    "tpu.region"() ({
      %run_scoped3A_53 = tpu.sem_alloc : memref<!tpu.dma_semaphore, #tpu.memory_space<semaphore_mem>>
      %dma_start3A = arith.constant 0 : i32
      %dma_start3A_54 = tpu.memref_slice %arg9[%run_scoped3A, %dma_start3A] : memref<5x128xi32, #tpu.memory_space<vmem>> -> memref<1x128xi32, #tpu.memory_space<vmem>>
      %dma_start3A_55 = tpu.memref_squeeze %dma_start3A_54 : memref<1x128xi32, #tpu.memory_space<vmem>> -> memref<128xi32, #tpu.memory_space<vmem>>
      %dma_start3A_56 = arith.constant 0 : i32
      %dma_start3A_57 = arith.constant 0 : i32
      %dma_start3A_58 = tpu.memref_slice %arg14[%dma_start3A_56, %dma_start3A_57] : memref<10240x128xf32, #tpu.memory_space<vmem_shared>> -> memref<10240x128xf32, #tpu.memory_space<vmem_shared>>
      tpu.enqueue_indirect_dma source(%arg10 : memref<128x128xf32, #tpu.memory_space<vmem>>) target(%dma_start3A_58 : memref<10240x128xf32, #tpu.memory_space<vmem_shared>>) offsets(%dma_start3A_55 : memref<128xi32, #tpu.memory_space<vmem>>) semaphore(%run_scoped3A_53 : memref<!tpu.dma_semaphore, #tpu.memory_space<semaphore_mem>>)
      %dma_wait3A = arith.constant 0 : i32
      %dma_wait3A_59 = tpu.memref_slice %arg9[%run_scoped3A, %dma_wait3A] : memref<5x128xi32, #tpu.memory_space<vmem>> -> memref<1x128xi32, #tpu.memory_space<vmem>>
      %dma_wait3A_60 = tpu.memref_squeeze %dma_wait3A_59 : memref<1x128xi32, #tpu.memory_space<vmem>> -> memref<128xi32, #tpu.memory_space<vmem>>
      %dma_wait3A_61 = arith.constant 0 : i32
      %dma_wait3A_62 = arith.constant 0 : i32
      %dma_wait3A_63 = tpu.memref_slice %arg14[%dma_wait3A_61, %dma_wait3A_62] : memref<10240x128xf32, #tpu.memory_space<vmem_shared>> -> memref<10240x128xf32, #tpu.memory_space<vmem_shared>>
      tpu.wait_indirect_dma semaphore(%run_scoped3A_53 : memref<!tpu.dma_semaphore, #tpu.memory_space<semaphore_mem>>) src(%arg10 : memref<128x128xf32, #tpu.memory_space<vmem>>) dst(%dma_wait3A_63 : memref<10240x128xf32, #tpu.memory_space<vmem_shared>>)
      tpu.yield
    }) : () -> ()
    %run_scoped3A_3 = arith.constant 1 : i32
    "tpu.region"() ({
      %run_scoped3A_53 = tpu.sem_alloc : memref<!tpu.dma_semaphore, #tpu.memory_space<semaphore_mem>>
      %dma_start3A = arith.constant 0 : i32
      %dma_start3A_54 = tpu.memref_slice %arg9[%run_scoped3A_3, %dma_start3A] : memref<5x128xi32, #tpu.memory_space<vmem>> -> memref<1x128xi32, #tpu.memory_space<vmem>>
      %dma_start3A_55 = tpu.memref_squeeze %dma_start3A_54 : memref<1x128xi32, #tpu.memory_space<vmem>> -> memref<128xi32, #tpu.memory_space<vmem>>
      %dma_start3A_56 = arith.constant 0 : i32
      %dma_start3A_57 = arith.constant 0 : i32
      %dma_start3A_58 = tpu.memref_slice %arg14[%dma_start3A_56, %dma_start3A_57] : memref<10240x128xf32, #tpu.memory_space<vmem_shared>> -> memref<10240x128xf32, #tpu.memory_space<vmem_shared>>
      tpu.enqueue_indirect_dma source(%arg10 : memref<128x128xf32, #tpu.memory_space<vmem>>) target(%dma_start3A_58 : memref<10240x128xf32, #tpu.memory_space<vmem_shared>>) offsets(%dma_start3A_55 : memref<128xi32, #tpu.memory_space<vmem>>) semaphore(%run_scoped3A_53 : memref<!tpu.dma_semaphore, #tpu.memory_space<semaphore_mem>>)
      %dma_wait3A = arith.constant 0 : i32
      %dma_wait3A_59 = tpu.memref_slice %arg9[%run_scoped3A_3, %dma_wait3A] : memref<5x128xi32, #tpu.memory_space<vmem>> -> memref<1x128xi32, #tpu.memory_space<vmem>>
      %dma_wait3A_60 = tpu.memref_squeeze %dma_wait3A_59 : memref<1x128xi32, #tpu.memory_space<vmem>> -> memref<128xi32, #tpu.memory_space<vmem>>
      %dma_wait3A_61 = arith.constant 0 : i32
      %dma_wait3A_62 = arith.constant 0 : i32
      %dma_wait3A_63 = tpu.memref_slice %arg14[%dma_wait3A_61, %dma_wait3A_62] : memref<10240x128xf32, #tpu.memory_space<vmem_shared>> -> memref<10240x128xf32, #tpu.memory_space<vmem_shared>>
      tpu.wait_indirect_dma semaphore(%run_scoped3A_53 : memref<!tpu.dma_semaphore, #tpu.memory_space<semaphore_mem>>) src(%arg10 : memref<128x128xf32, #tpu.memory_space<vmem>>) dst(%dma_wait3A_63 : memref<10240x128xf32, #tpu.memory_space<vmem_shared>>)
      tpu.yield
    }) : () -> ()
    %run_scoped3A_4 = arith.constant 2 : i32
    "tpu.region"() ({
      %run_scoped3A_53 = tpu.sem_alloc : memref<!tpu.dma_semaphore, #tpu.memory_space<semaphore_mem>>
      %dma_start3A = arith.constant 0 : i32
      %dma_start3A_54 = tpu.memref_slice %arg9[%run_scoped3A_4, %dma_start3A] : memref<5x128xi32, #tpu.memory_space<vmem>> -> memref<1x128xi32, #tpu.memory_space<vmem>>
      %dma_start3A_55 = tpu.memref_squeeze %dma_start3A_54 : memref<1x128xi32, #tpu.memory_space<vmem>> -> memref<128xi32, #tpu.memory_space<vmem>>
      %dma_start3A_56 = arith.constant 0 : i32
      %dma_start3A_57 = arith.constant 0 : i32
      %dma_start3A_58 = tpu.memref_slice %arg14[%dma_start3A_56, %dma_start3A_57] : memref<10240x128xf32, #tpu.memory_space<vmem_shared>> -> memref<10240x128xf32, #tpu.memory_space<vmem_shared>>
      tpu.enqueue_indirect_dma source(%arg10 : memref<128x128xf32, #tpu.memory_space<vmem>>) target(%dma_start3A_58 : memref<10240x128xf32, #tpu.memory_space<vmem_shared>>) offsets(%dma_start3A_55 : memref<128xi32, #tpu.memory_space<vmem>>) semaphore(%run_scoped3A_53 : memref<!tpu.dma_semaphore, #tpu.memory_space<semaphore_mem>>)
      %dma_wait3A = arith.constant 0 : i32
      %dma_wait3A_59 = tpu.memref_slice %arg9[%run_scoped3A_4, %dma_wait3A] : memref<5x128xi32, #tpu.memory_space<vmem>> -> memref<1x128xi32, #tpu.memory_space<vmem>>
      %dma_wait3A_60 = tpu.memref_squeeze %dma_wait3A_59 : memref<1x128xi32, #tpu.memory_space<vmem>> -> memref<128xi32, #tpu.memory_space<vmem>>
      %dma_wait3A_61 = arith.constant 0 : i32
      %dma_wait3A_62 = arith.constant 0 : i32
      %dma_wait3A_63 = tpu.memref_slice %arg14[%dma_wait3A_61, %dma_wait3A_62] : memref<10240x128xf32, #tpu.memory_space<vmem_shared>> -> memref<10240x128xf32, #tpu.memory_space<vmem_shared>>
      tpu.wait_indirect_dma semaphore(%run_scoped3A_53 : memref<!tpu.dma_semaphore, #tpu.memory_space<semaphore_mem>>) src(%arg10 : memref<128x128xf32, #tpu.memory_space<vmem>>) dst(%dma_wait3A_63 : memref<10240x128xf32, #tpu.memory_space<vmem_shared>>)
      tpu.yield
    }) : () -> ()
    %run_scoped3A_5 = arith.constant 3 : i32
    "tpu.region"() ({
      %run_scoped3A_53 = tpu.sem_alloc : memref<!tpu.dma_semaphore, #tpu.memory_space<semaphore_mem>>
      %dma_start3A = arith.constant 0 : i32
      %dma_start3A_54 = tpu.memref_slice %arg9[%run_scoped3A_5, %dma_start3A] : memref<5x128xi32, #tpu.memory_space<vmem>> -> memref<1x128xi32, #tpu.memory_space<vmem>>
      %dma_start3A_55 = tpu.memref_squeeze %dma_start3A_54 : memref<1x128xi32, #tpu.memory_space<vmem>> -> memref<128xi32, #tpu.memory_space<vmem>>
      %dma_start3A_56 = arith.constant 0 : i32
      %dma_start3A_57 = arith.constant 0 : i32
      %dma_start3A_58 = tpu.memref_slice %arg14[%dma_start3A_56, %dma_start3A_57] : memref<10240x128xf32, #tpu.memory_space<vmem_shared>> -> memref<10240x128xf32, #tpu.memory_space<vmem_shared>>
      tpu.enqueue_indirect_dma source(%arg10 : memref<128x128xf32, #tpu.memory_space<vmem>>) target(%dma_start3A_58 : memref<10240x128xf32, #tpu.memory_space<vmem_shared>>) offsets(%dma_start3A_55 : memref<128xi32, #tpu.memory_space<vmem>>) semaphore(%run_scoped3A_53 : memref<!tpu.dma_semaphore, #tpu.memory_space<semaphore_mem>>)
      %dma_wait3A = arith.constant 0 : i32
      %dma_wait3A_59 = tpu.memref_slice %arg9[%run_scoped3A_5, %dma_wait3A] : memref<5x128xi32, #tpu.memory_space<vmem>> -> memref<1x128xi32, #tpu.memory_space<vmem>>
      %dma_wait3A_60 = tpu.memref_squeeze %dma_wait3A_59 : memref<1x128xi32, #tpu.memory_space<vmem>> -> memref<128xi32, #tpu.memory_space<vmem>>
      %dma_wait3A_61 = arith.constant 0 : i32
      %dma_wait3A_62 = arith.constant 0 : i32
      %dma_wait3A_63 = tpu.memref_slice %arg14[%dma_wait3A_61, %dma_wait3A_62] : memref<10240x128xf32, #tpu.memory_space<vmem_shared>> -> memref<10240x128xf32, #tpu.memory_space<vmem_shared>>
      tpu.wait_indirect_dma semaphore(%run_scoped3A_53 : memref<!tpu.dma_semaphore, #tpu.memory_space<semaphore_mem>>) src(%arg10 : memref<128x128xf32, #tpu.memory_space<vmem>>) dst(%dma_wait3A_63 : memref<10240x128xf32, #tpu.memory_space<vmem_shared>>)
      tpu.yield
    }) : () -> ()
    %run_scoped3A_6 = arith.constant 4 : i32
    "tpu.region"() ({
      %run_scoped3A_53 = tpu.sem_alloc : memref<!tpu.dma_semaphore, #tpu.memory_space<semaphore_mem>>
      %dma_start3A = arith.constant 0 : i32
      %dma_start3A_54 = tpu.memref_slice %arg9[%run_scoped3A_6, %dma_start3A] : memref<5x128xi32, #tpu.memory_space<vmem>> -> memref<1x128xi32, #tpu.memory_space<vmem>>
      %dma_start3A_55 = tpu.memref_squeeze %dma_start3A_54 : memref<1x128xi32, #tpu.memory_space<vmem>> -> memref<128xi32, #tpu.memory_space<vmem>>
      %dma_start3A_56 = arith.constant 0 : i32
      %dma_start3A_57 = arith.constant 0 : i32
      %dma_start3A_58 = tpu.memref_slice %arg14[%dma_start3A_56, %dma_start3A_57] : memref<10240x128xf32, #tpu.memory_space<vmem_shared>> -> memref<10240x128xf32, #tpu.memory_space<vmem_shared>>
      tpu.enqueue_indirect_dma source(%arg10 : memref<128x128xf32, #tpu.memory_space<vmem>>) target(%dma_start3A_58 : memref<10240x128xf32, #tpu.memory_space<vmem_shared>>) offsets(%dma_start3A_55 : memref<128xi32, #tpu.memory_space<vmem>>) semaphore(%run_scoped3A_53 : memref<!tpu.dma_semaphore, #tpu.memory_space<semaphore_mem>>)
      %dma_wait3A = arith.constant 0 : i32
      %dma_wait3A_59 = tpu.memref_slice %arg9[%run_scoped3A_6, %dma_wait3A] : memref<5x128xi32, #tpu.memory_space<vmem>> -> memref<1x128xi32, #tpu.memory_space<vmem>>
      %dma_wait3A_60 = tpu.memref_squeeze %dma_wait3A_59 : memref<1x128xi32, #tpu.memory_space<vmem>> -> memref<128xi32, #tpu.memory_space<vmem>>
      %dma_wait3A_61 = arith.constant 0 : i32
      %dma_wait3A_62 = arith.constant 0 : i32
      %dma_wait3A_63 = tpu.memref_slice %arg14[%dma_wait3A_61, %dma_wait3A_62] : memref<10240x128xf32, #tpu.memory_space<vmem_shared>> -> memref<10240x128xf32, #tpu.memory_space<vmem_shared>>
      tpu.wait_indirect_dma semaphore(%run_scoped3A_53 : memref<!tpu.dma_semaphore, #tpu.memory_space<semaphore_mem>>) src(%arg10 : memref<128x128xf32, #tpu.memory_space<vmem>>) dst(%dma_wait3A_63 : memref<10240x128xf32, #tpu.memory_space<vmem_shared>>)
      tpu.yield
    }) : () -> ()
    %barrier3A = arith.constant 0 : index
    tpu.barrier barrier_id(%barrier3A)
    %scan3A = arith.constant 0 : i32
    %scan3A_7 = arith.constant 0 : i32
    %scan3A_8 = arith.constant 40 : i32
    %scan3A_9 = arith.addi %scan3A_7, %scan3A_8 : i32
    %scan3A_10 = arith.constant 1 : i32
    scf.for %scan3A_53 = %scan3A_7 to %scan3A_9 step %scan3A_10  : i32 {
      %mul3A_54 = arith.constant 2 : i32
      %mul3A_55 = arith.muli %scan3A_53, %mul3A_54 : i32
      %add3A_56 = arith.constant 0 : i32
      %add3A_57 = arith.addi %mul3A_55, %add3A_56 : i32
      %dma_start3A = arith.constant 0 : i32
      %dma_start3A_58 = tpu.memref_slice %arg8[%add3A_57, %dma_start3A] : memref<80x128xi32, #tpu.memory_space<vmem>> -> memref<1x128xi32, #tpu.memory_space<vmem>>
      %dma_start3A_59 = tpu.memref_squeeze %dma_start3A_58 : memref<1x128xi32, #tpu.memory_space<vmem>> -> memref<128xi32, #tpu.memory_space<vmem>>
      %dma_start3A_60 = arith.constant 0 : i32
      %dma_start3A_61 = arith.constant 0 : i32
      %dma_start3A_62 = tpu.memref_slice %arg2[%dma_start3A_60, %dma_start3A_61] : memref<10000x128xf32, #tpu.memory_space<hbm>> -> memref<10000x128xf32, #tpu.memory_space<hbm>>
      tpu.enqueue_indirect_dma source(%dma_start3A_62 : memref<10000x128xf32, #tpu.memory_space<hbm>>) target(%arg10 : memref<128x128xf32, #tpu.memory_space<vmem>>) offsets(%dma_start3A_59 : memref<128xi32, #tpu.memory_space<vmem>>) semaphore(%arg15 : memref<!tpu.dma_semaphore, #tpu.memory_space<semaphore_mem>>)
      %mul3A_63 = arith.constant 80 : i32
      %mul3A_64 = arith.muli %add3A, %mul3A_63 : i32
      %add3A_65 = arith.addi %mul3A_64, %mul3A_55 : i32
      %add3A_66 = arith.constant 0 : i32
      %add3A_67 = arith.addi %add3A_65, %add3A_66 : i32
      %dma_start3A_68 = arith.constant 0 : i32
      %dma_start3A_69 = arith.constant 0 : i32
      %dma_start3A_70 = tpu.memref_slice %arg4[%add3A_67, %dma_start3A_68, %dma_start3A_69] : memref<2560x1x128xi32, #tpu.memory_space<hbm>> -> memref<1x1x128xi32, #tpu.memory_space<hbm>>
      %dma_start3A_71 = tpu.memref_squeeze %dma_start3A_70 : memref<1x1x128xi32, #tpu.memory_space<hbm>> -> memref<1x128xi32, #tpu.memory_space<hbm>>
      %dma_start3A_72 = arith.constant 0 : i32
      %dma_start3A_73 = arith.constant 0 : i32
      %dma_start3A_74 = tpu.memref_slice %arg4[%add3A_67, %dma_start3A_72, %dma_start3A_73] : memref<2560x1x128xi32, #tpu.memory_space<hbm>> -> memref<1x1x128xi32, #tpu.memory_space<hbm>>
      %dma_start3A_75 = tpu.memref_squeeze %dma_start3A_74 : memref<1x1x128xi32, #tpu.memory_space<hbm>> -> memref<1x128xi32, #tpu.memory_space<hbm>>
      tpu.enqueue_dma source(%dma_start3A_75 : memref<1x128xi32, #tpu.memory_space<hbm>>) target(%arg12 : memref<1x128xi32, #tpu.memory_space<vmem>>) target_semaphore(%arg16 : memref<!tpu.dma_semaphore, #tpu.memory_space<semaphore_mem>>)
      %add3A_76 = arith.constant 1 : i32
      %add3A_77 = arith.addi %mul3A_55, %add3A_76 : i32
      %dma_start3A_78 = arith.constant 0 : i32
      %dma_start3A_79 = tpu.memref_slice %arg8[%add3A_77, %dma_start3A_78] : memref<80x128xi32, #tpu.memory_space<vmem>> -> memref<1x128xi32, #tpu.memory_space<vmem>>
      %dma_start3A_80 = tpu.memref_squeeze %dma_start3A_79 : memref<1x128xi32, #tpu.memory_space<vmem>> -> memref<128xi32, #tpu.memory_space<vmem>>
      %dma_start3A_81 = arith.constant 0 : i32
      %dma_start3A_82 = arith.constant 0 : i32
      %dma_start3A_83 = tpu.memref_slice %arg2[%dma_start3A_81, %dma_start3A_82] : memref<10000x128xf32, #tpu.memory_space<hbm>> -> memref<10000x128xf32, #tpu.memory_space<hbm>>
      tpu.enqueue_indirect_dma source(%dma_start3A_83 : memref<10000x128xf32, #tpu.memory_space<hbm>>) target(%arg11 : memref<128x128xf32, #tpu.memory_space<vmem>>) offsets(%dma_start3A_80 : memref<128xi32, #tpu.memory_space<vmem>>) semaphore(%arg15 : memref<!tpu.dma_semaphore, #tpu.memory_space<semaphore_mem>>)
      %mul3A_84 = arith.constant 80 : i32
      %mul3A_85 = arith.muli %add3A, %mul3A_84 : i32
      %add3A_86 = arith.addi %mul3A_85, %mul3A_55 : i32
      %add3A_87 = arith.constant 1 : i32
      %add3A_88 = arith.addi %add3A_86, %add3A_87 : i32
      %dma_start3A_89 = arith.constant 0 : i32
      %dma_start3A_90 = arith.constant 0 : i32
      %dma_start3A_91 = tpu.memref_slice %arg4[%add3A_88, %dma_start3A_89, %dma_start3A_90] : memref<2560x1x128xi32, #tpu.memory_space<hbm>> -> memref<1x1x128xi32, #tpu.memory_space<hbm>>
      %dma_start3A_92 = tpu.memref_squeeze %dma_start3A_91 : memref<1x1x128xi32, #tpu.memory_space<hbm>> -> memref<1x128xi32, #tpu.memory_space<hbm>>
      %dma_start3A_93 = arith.constant 0 : i32
      %dma_start3A_94 = arith.constant 0 : i32
      %dma_start3A_95 = tpu.memref_slice %arg4[%add3A_88, %dma_start3A_93, %dma_start3A_94] : memref<2560x1x128xi32, #tpu.memory_space<hbm>> -> memref<1x1x128xi32, #tpu.memory_space<hbm>>
      %dma_start3A_96 = tpu.memref_squeeze %dma_start3A_95 : memref<1x1x128xi32, #tpu.memory_space<hbm>> -> memref<1x128xi32, #tpu.memory_space<hbm>>
      tpu.enqueue_dma source(%dma_start3A_96 : memref<1x128xi32, #tpu.memory_space<hbm>>) target(%arg13 : memref<1x128xi32, #tpu.memory_space<vmem>>) target_semaphore(%arg16 : memref<!tpu.dma_semaphore, #tpu.memory_space<semaphore_mem>>)
      %dma_wait3A = arith.constant 0 : i32
      %dma_wait3A_97 = tpu.memref_slice %arg8[%add3A_57, %dma_wait3A] : memref<80x128xi32, #tpu.memory_space<vmem>> -> memref<1x128xi32, #tpu.memory_space<vmem>>
      %dma_wait3A_98 = tpu.memref_squeeze %dma_wait3A_97 : memref<1x128xi32, #tpu.memory_space<vmem>> -> memref<128xi32, #tpu.memory_space<vmem>>
      %dma_wait3A_99 = arith.constant 0 : i32
      %dma_wait3A_100 = arith.constant 0 : i32
      %dma_wait3A_101 = tpu.memref_slice %arg2[%dma_wait3A_99, %dma_wait3A_100] : memref<10000x128xf32, #tpu.memory_space<hbm>> -> memref<10000x128xf32, #tpu.memory_space<hbm>>
      tpu.wait_indirect_dma semaphore(%arg15 : memref<!tpu.dma_semaphore, #tpu.memory_space<semaphore_mem>>) src(%dma_wait3A_101 : memref<10000x128xf32, #tpu.memory_space<hbm>>) dst(%arg10 : memref<128x128xf32, #tpu.memory_space<vmem>>)
      %dma_wait3A_102 = arith.constant 0 : i32
      %dma_wait3A_103 = arith.constant 0 : i32
      %dma_wait3A_104 = tpu.memref_slice %arg4[%add3A_67, %dma_wait3A_102, %dma_wait3A_103] : memref<2560x1x128xi32, #tpu.memory_space<hbm>> -> memref<1x1x128xi32, #tpu.memory_space<hbm>>
      %dma_wait3A_105 = tpu.memref_squeeze %dma_wait3A_104 : memref<1x1x128xi32, #tpu.memory_space<hbm>> -> memref<1x128xi32, #tpu.memory_space<hbm>>
      %dma_wait3A_106 = arith.constant 0 : i32
      %dma_wait3A_107 = arith.constant 0 : i32
      %dma_wait3A_108 = tpu.memref_slice %arg4[%add3A_67, %dma_wait3A_106, %dma_wait3A_107] : memref<2560x1x128xi32, #tpu.memory_space<hbm>> -> memref<1x1x128xi32, #tpu.memory_space<hbm>>
      %dma_wait3A_109 = tpu.memref_squeeze %dma_wait3A_108 : memref<1x1x128xi32, #tpu.memory_space<hbm>> -> memref<1x128xi32, #tpu.memory_space<hbm>>
      tpu.wait_dma2 semaphore(%arg16 : memref<!tpu.dma_semaphore, #tpu.memory_space<semaphore_mem>>) src(%dma_wait3A_109 : memref<1x128xi32, #tpu.memory_space<hbm>>) dst(%arg12 : memref<1x128xi32, #tpu.memory_space<vmem>>)
      %run_scoped3A_110 = arith.constant 0 : i32
      "tpu.region"() ({
        %run_scoped3A_126 = tpu.sem_alloc : memref<!tpu.dma_semaphore, #tpu.memory_space<semaphore_mem>>
        %dma_start3A_127 = arith.constant 0 : i32
        %dma_start3A_128 = tpu.memref_slice %arg12[%run_scoped3A_110, %dma_start3A_127] : memref<1x128xi32, #tpu.memory_space<vmem>> -> memref<1x128xi32, #tpu.memory_space<vmem>>
        %dma_start3A_129 = tpu.memref_squeeze %dma_start3A_128 : memref<1x128xi32, #tpu.memory_space<vmem>> -> memref<128xi32, #tpu.memory_space<vmem>>
        %dma_start3A_130 = arith.constant 0 : i32
        %dma_start3A_131 = arith.constant 0 : i32
        %dma_start3A_132 = tpu.memref_slice %arg14[%dma_start3A_130, %dma_start3A_131] : memref<10240x128xf32, #tpu.memory_space<vmem_shared>> -> memref<10240x128xf32, #tpu.memory_space<vmem_shared>>
        tpu.enqueue_indirect_dma source(%arg10 : memref<128x128xf32, #tpu.memory_space<vmem>>) target(%dma_start3A_132 : memref<10240x128xf32, #tpu.memory_space<vmem_shared>>) offsets(%dma_start3A_129 : memref<128xi32, #tpu.memory_space<vmem>>) semaphore(%run_scoped3A_126 : memref<!tpu.dma_semaphore, #tpu.memory_space<semaphore_mem>>) {add = true}
        %dma_wait3A_133 = arith.constant 0 : i32
        %dma_wait3A_134 = tpu.memref_slice %arg12[%run_scoped3A_110, %dma_wait3A_133] : memref<1x128xi32, #tpu.memory_space<vmem>> -> memref<1x128xi32, #tpu.memory_space<vmem>>
        %dma_wait3A_135 = tpu.memref_squeeze %dma_wait3A_134 : memref<1x128xi32, #tpu.memory_space<vmem>> -> memref<128xi32, #tpu.memory_space<vmem>>
        %dma_wait3A_136 = arith.constant 0 : i32
        %dma_wait3A_137 = arith.constant 0 : i32
        %dma_wait3A_138 = tpu.memref_slice %arg14[%dma_wait3A_136, %dma_wait3A_137] : memref<10240x128xf32, #tpu.memory_space<vmem_shared>> -> memref<10240x128xf32, #tpu.memory_space<vmem_shared>>
        tpu.wait_indirect_dma semaphore(%run_scoped3A_126 : memref<!tpu.dma_semaphore, #tpu.memory_space<semaphore_mem>>) src(%arg10 : memref<128x128xf32, #tpu.memory_space<vmem>>) dst(%dma_wait3A_138 : memref<10240x128xf32, #tpu.memory_space<vmem_shared>>)
        tpu.yield
      }) : () -> ()
      %dma_wait3A_111 = arith.constant 0 : i32
      %dma_wait3A_112 = tpu.memref_slice %arg8[%add3A_77, %dma_wait3A_111] : memref<80x128xi32, #tpu.memory_space<vmem>> -> memref<1x128xi32, #tpu.memory_space<vmem>>
      %dma_wait3A_113 = tpu.memref_squeeze %dma_wait3A_112 : memref<1x128xi32, #tpu.memory_space<vmem>> -> memref<128xi32, #tpu.memory_space<vmem>>
      %dma_wait3A_114 = arith.constant 0 : i32
      %dma_wait3A_115 = arith.constant 0 : i32
      %dma_wait3A_116 = tpu.memref_slice %arg2[%dma_wait3A_114, %dma_wait3A_115] : memref<10000x128xf32, #tpu.memory_space<hbm>> -> memref<10000x128xf32, #tpu.memory_space<hbm>>
      tpu.wait_indirect_dma semaphore(%arg15 : memref<!tpu.dma_semaphore, #tpu.memory_space<semaphore_mem>>) src(%dma_wait3A_116 : memref<10000x128xf32, #tpu.memory_space<hbm>>) dst(%arg11 : memref<128x128xf32, #tpu.memory_space<vmem>>)
      %dma_wait3A_117 = arith.constant 0 : i32
      %dma_wait3A_118 = arith.constant 0 : i32
      %dma_wait3A_119 = tpu.memref_slice %arg4[%add3A_88, %dma_wait3A_117, %dma_wait3A_118] : memref<2560x1x128xi32, #tpu.memory_space<hbm>> -> memref<1x1x128xi32, #tpu.memory_space<hbm>>
      %dma_wait3A_120 = tpu.memref_squeeze %dma_wait3A_119 : memref<1x1x128xi32, #tpu.memory_space<hbm>> -> memref<1x128xi32, #tpu.memory_space<hbm>>
      %dma_wait3A_121 = arith.constant 0 : i32
      %dma_wait3A_122 = arith.constant 0 : i32
      %dma_wait3A_123 = tpu.memref_slice %arg4[%add3A_88, %dma_wait3A_121, %dma_wait3A_122] : memref<2560x1x128xi32, #tpu.memory_space<hbm>> -> memref<1x1x128xi32, #tpu.memory_space<hbm>>
      %dma_wait3A_124 = tpu.memref_squeeze %dma_wait3A_123 : memref<1x1x128xi32, #tpu.memory_space<hbm>> -> memref<1x128xi32, #tpu.memory_space<hbm>>
      tpu.wait_dma2 semaphore(%arg16 : memref<!tpu.dma_semaphore, #tpu.memory_space<semaphore_mem>>) src(%dma_wait3A_124 : memref<1x128xi32, #tpu.memory_space<hbm>>) dst(%arg13 : memref<1x128xi32, #tpu.memory_space<vmem>>)
      %run_scoped3A_125 = arith.constant 0 : i32
      "tpu.region"() ({
        %run_scoped3A_126 = tpu.sem_alloc : memref<!tpu.dma_semaphore, #tpu.memory_space<semaphore_mem>>
        %dma_start3A_127 = arith.constant 0 : i32
        %dma_start3A_128 = tpu.memref_slice %arg13[%run_scoped3A_125, %dma_start3A_127] : memref<1x128xi32, #tpu.memory_space<vmem>> -> memref<1x128xi32, #tpu.memory_space<vmem>>
        %dma_start3A_129 = tpu.memref_squeeze %dma_start3A_128 : memref<1x128xi32, #tpu.memory_space<vmem>> -> memref<128xi32, #tpu.memory_space<vmem>>
        %dma_start3A_130 = arith.constant 0 : i32
        %dma_start3A_131 = arith.constant 0 : i32
        %dma_start3A_132 = tpu.memref_slice %arg14[%dma_start3A_130, %dma_start3A_131] : memref<10240x128xf32, #tpu.memory_space<vmem_shared>> -> memref<10240x128xf32, #tpu.memory_space<vmem_shared>>
        tpu.enqueue_indirect_dma source(%arg11 : memref<128x128xf32, #tpu.memory_space<vmem>>) target(%dma_start3A_132 : memref<10240x128xf32, #tpu.memory_space<vmem_shared>>) offsets(%dma_start3A_129 : memref<128xi32, #tpu.memory_space<vmem>>) semaphore(%run_scoped3A_126 : memref<!tpu.dma_semaphore, #tpu.memory_space<semaphore_mem>>) {add = true}
        %dma_wait3A_133 = arith.constant 0 : i32
        %dma_wait3A_134 = tpu.memref_slice %arg13[%run_scoped3A_125, %dma_wait3A_133] : memref<1x128xi32, #tpu.memory_space<vmem>> -> memref<1x128xi32, #tpu.memory_space<vmem>>
        %dma_wait3A_135 = tpu.memref_squeeze %dma_wait3A_134 : memref<1x128xi32, #tpu.memory_space<vmem>> -> memref<128xi32, #tpu.memory_space<vmem>>
        %dma_wait3A_136 = arith.constant 0 : i32
        %dma_wait3A_137 = arith.constant 0 : i32
        %dma_wait3A_138 = tpu.memref_slice %arg14[%dma_wait3A_136, %dma_wait3A_137] : memref<10240x128xf32, #tpu.memory_space<vmem_shared>> -> memref<10240x128xf32, #tpu.memory_space<vmem_shared>>
        tpu.wait_indirect_dma semaphore(%run_scoped3A_126 : memref<!tpu.dma_semaphore, #tpu.memory_space<semaphore_mem>>) src(%arg11 : memref<128x128xf32, #tpu.memory_space<vmem>>) dst(%dma_wait3A_138 : memref<10240x128xf32, #tpu.memory_space<vmem_shared>>)
        tpu.yield
      }) : () -> ()
    }
    %scan3A_11 = arith.constant 40 : i32
    %barrier3A_12 = arith.constant 0 : index
    tpu.barrier barrier_id(%barrier3A_12)
    %run_scoped3A_13 = arith.constant 0 : i32
    "tpu.region"() ({
      %run_scoped3A_53 = tpu.sem_alloc : memref<!tpu.dma_semaphore, #tpu.memory_space<semaphore_mem>>
      %dma_start3A = arith.constant 0 : i32
      %dma_start3A_54 = tpu.memref_slice %arg9[%run_scoped3A_13, %dma_start3A] : memref<5x128xi32, #tpu.memory_space<vmem>> -> memref<1x128xi32, #tpu.memory_space<vmem>>
      %dma_start3A_55 = tpu.memref_squeeze %dma_start3A_54 : memref<1x128xi32, #tpu.memory_space<vmem>> -> memref<128xi32, #tpu.memory_space<vmem>>
      %dma_start3A_56 = arith.constant 0 : i32
      %dma_start3A_57 = arith.constant 0 : i32
      %dma_start3A_58 = tpu.memref_slice %arg14[%dma_start3A_56, %dma_start3A_57] : memref<10240x128xf32, #tpu.memory_space<vmem_shared>> -> memref<10240x128xf32, #tpu.memory_space<vmem_shared>>
      tpu.enqueue_indirect_dma source(%dma_start3A_58 : memref<10240x128xf32, #tpu.memory_space<vmem_shared>>) target(%arg10 : memref<128x128xf32, #tpu.memory_space<vmem>>) offsets(%dma_start3A_55 : memref<128xi32, #tpu.memory_space<vmem>>) semaphore(%run_scoped3A_53 : memref<!tpu.dma_semaphore, #tpu.memory_space<semaphore_mem>>)
      %dma_wait3A = arith.constant 0 : i32
      %dma_wait3A_59 = tpu.memref_slice %arg9[%run_scoped3A_13, %dma_wait3A] : memref<5x128xi32, #tpu.memory_space<vmem>> -> memref<1x128xi32, #tpu.memory_space<vmem>>
      %dma_wait3A_60 = tpu.memref_squeeze %dma_wait3A_59 : memref<1x128xi32, #tpu.memory_space<vmem>> -> memref<128xi32, #tpu.memory_space<vmem>>
      %dma_wait3A_61 = arith.constant 0 : i32
      %dma_wait3A_62 = arith.constant 0 : i32
      %dma_wait3A_63 = tpu.memref_slice %arg14[%dma_wait3A_61, %dma_wait3A_62] : memref<10240x128xf32, #tpu.memory_space<vmem_shared>> -> memref<10240x128xf32, #tpu.memory_space<vmem_shared>>
      tpu.wait_indirect_dma semaphore(%run_scoped3A_53 : memref<!tpu.dma_semaphore, #tpu.memory_space<semaphore_mem>>) src(%dma_wait3A_63 : memref<10240x128xf32, #tpu.memory_space<vmem_shared>>) dst(%arg10 : memref<128x128xf32, #tpu.memory_space<vmem>>)
      tpu.yield
    }) : () -> ()
    %mul3A_14 = arith.constant 10240 : i32
    %mul3A_15 = arith.muli %arg0, %mul3A_14 : i32
    %mul3A_16 = arith.constant 640 : i32
    %mul3A_17 = arith.muli %arg1, %mul3A_16 : i32
    %add3A_18 = arith.addi %mul3A_15, %mul3A_17 : i32
    %add3A_19 = arith.constant 0 : i32
    %add3A_20 = arith.addi %add3A_18, %add3A_19 : i32
    "tpu.region"() ({
      %run_scoped3A_53 = tpu.sem_alloc : memref<!tpu.dma_semaphore, #tpu.memory_space<semaphore_mem>>
      %dma_start3A = arith.constant 0 : i32
      %dma_start3A_54 = tpu.memref_slice %arg7[%add3A_20, %dma_start3A] : memref<20480x128xf32, #tpu.memory_space<hbm>> -> memref<128x128xf32, #tpu.memory_space<hbm>>
      %dma_start3A_55 = arith.constant 0 : i32
      %dma_start3A_56 = tpu.memref_slice %arg7[%add3A_20, %dma_start3A_55] : memref<20480x128xf32, #tpu.memory_space<hbm>> -> memref<128x128xf32, #tpu.memory_space<hbm>>
      tpu.enqueue_dma source(%arg10 : memref<128x128xf32, #tpu.memory_space<vmem>>) target(%dma_start3A_56 : memref<128x128xf32, #tpu.memory_space<hbm>>) target_semaphore(%run_scoped3A_53 : memref<!tpu.dma_semaphore, #tpu.memory_space<semaphore_mem>>)
      %dma_wait3A = arith.constant 0 : i32
      %dma_wait3A_57 = tpu.memref_slice %arg7[%add3A_20, %dma_wait3A] : memref<20480x128xf32, #tpu.memory_space<hbm>> -> memref<128x128xf32, #tpu.memory_space<hbm>>
      %dma_wait3A_58 = arith.constant 0 : i32
      %dma_wait3A_59 = tpu.memref_slice %arg7[%add3A_20, %dma_wait3A_58] : memref<20480x128xf32, #tpu.memory_space<hbm>> -> memref<128x128xf32, #tpu.memory_space<hbm>>
      tpu.wait_dma2 semaphore(%run_scoped3A_53 : memref<!tpu.dma_semaphore, #tpu.memory_space<semaphore_mem>>) src(%arg10 : memref<128x128xf32, #tpu.memory_space<vmem>>) dst(%dma_wait3A_59 : memref<128x128xf32, #tpu.memory_space<hbm>>)
      tpu.yield
    }) : () -> ()
    %run_scoped3A_21 = arith.constant 1 : i32
    "tpu.region"() ({
      %run_scoped3A_53 = tpu.sem_alloc : memref<!tpu.dma_semaphore, #tpu.memory_space<semaphore_mem>>
      %dma_start3A = arith.constant 0 : i32
      %dma_start3A_54 = tpu.memref_slice %arg9[%run_scoped3A_21, %dma_start3A] : memref<5x128xi32, #tpu.memory_space<vmem>> -> memref<1x128xi32, #tpu.memory_space<vmem>>
      %dma_start3A_55 = tpu.memref_squeeze %dma_start3A_54 : memref<1x128xi32, #tpu.memory_space<vmem>> -> memref<128xi32, #tpu.memory_space<vmem>>
      %dma_start3A_56 = arith.constant 0 : i32
      %dma_start3A_57 = arith.constant 0 : i32
      %dma_start3A_58 = tpu.memref_slice %arg14[%dma_start3A_56, %dma_start3A_57] : memref<10240x128xf32, #tpu.memory_space<vmem_shared>> -> memref<10240x128xf32, #tpu.memory_space<vmem_shared>>
      tpu.enqueue_indirect_dma source(%dma_start3A_58 : memref<10240x128xf32, #tpu.memory_space<vmem_shared>>) target(%arg11 : memref<128x128xf32, #tpu.memory_space<vmem>>) offsets(%dma_start3A_55 : memref<128xi32, #tpu.memory_space<vmem>>) semaphore(%run_scoped3A_53 : memref<!tpu.dma_semaphore, #tpu.memory_space<semaphore_mem>>)
      %dma_wait3A = arith.constant 0 : i32
      %dma_wait3A_59 = tpu.memref_slice %arg9[%run_scoped3A_21, %dma_wait3A] : memref<5x128xi32, #tpu.memory_space<vmem>> -> memref<1x128xi32, #tpu.memory_space<vmem>>
      %dma_wait3A_60 = tpu.memref_squeeze %dma_wait3A_59 : memref<1x128xi32, #tpu.memory_space<vmem>> -> memref<128xi32, #tpu.memory_space<vmem>>
      %dma_wait3A_61 = arith.constant 0 : i32
      %dma_wait3A_62 = arith.constant 0 : i32
      %dma_wait3A_63 = tpu.memref_slice %arg14[%dma_wait3A_61, %dma_wait3A_62] : memref<10240x128xf32, #tpu.memory_space<vmem_shared>> -> memref<10240x128xf32, #tpu.memory_space<vmem_shared>>
      tpu.wait_indirect_dma semaphore(%run_scoped3A_53 : memref<!tpu.dma_semaphore, #tpu.memory_space<semaphore_mem>>) src(%dma_wait3A_63 : memref<10240x128xf32, #tpu.memory_space<vmem_shared>>) dst(%arg11 : memref<128x128xf32, #tpu.memory_space<vmem>>)
      tpu.yield
    }) : () -> ()
    %mul3A_22 = arith.constant 10240 : i32
    %mul3A_23 = arith.muli %arg0, %mul3A_22 : i32
    %mul3A_24 = arith.constant 640 : i32
    %mul3A_25 = arith.muli %arg1, %mul3A_24 : i32
    %add3A_26 = arith.addi %mul3A_23, %mul3A_25 : i32
    %add3A_27 = arith.constant 128 : i32
    %add3A_28 = arith.addi %add3A_26, %add3A_27 : i32
    "tpu.region"() ({
      %run_scoped3A_53 = tpu.sem_alloc : memref<!tpu.dma_semaphore, #tpu.memory_space<semaphore_mem>>
      %dma_start3A = arith.constant 0 : i32
      %dma_start3A_54 = tpu.memref_slice %arg7[%add3A_28, %dma_start3A] : memref<20480x128xf32, #tpu.memory_space<hbm>> -> memref<128x128xf32, #tpu.memory_space<hbm>>
      %dma_start3A_55 = arith.constant 0 : i32
      %dma_start3A_56 = tpu.memref_slice %arg7[%add3A_28, %dma_start3A_55] : memref<20480x128xf32, #tpu.memory_space<hbm>> -> memref<128x128xf32, #tpu.memory_space<hbm>>
      tpu.enqueue_dma source(%arg11 : memref<128x128xf32, #tpu.memory_space<vmem>>) target(%dma_start3A_56 : memref<128x128xf32, #tpu.memory_space<hbm>>) target_semaphore(%run_scoped3A_53 : memref<!tpu.dma_semaphore, #tpu.memory_space<semaphore_mem>>)
      %dma_wait3A = arith.constant 0 : i32
      %dma_wait3A_57 = tpu.memref_slice %arg7[%add3A_28, %dma_wait3A] : memref<20480x128xf32, #tpu.memory_space<hbm>> -> memref<128x128xf32, #tpu.memory_space<hbm>>
      %dma_wait3A_58 = arith.constant 0 : i32
      %dma_wait3A_59 = tpu.memref_slice %arg7[%add3A_28, %dma_wait3A_58] : memref<20480x128xf32, #tpu.memory_space<hbm>> -> memref<128x128xf32, #tpu.memory_space<hbm>>
      tpu.wait_dma2 semaphore(%run_scoped3A_53 : memref<!tpu.dma_semaphore, #tpu.memory_space<semaphore_mem>>) src(%arg11 : memref<128x128xf32, #tpu.memory_space<vmem>>) dst(%dma_wait3A_59 : memref<128x128xf32, #tpu.memory_space<hbm>>)
      tpu.yield
    }) : () -> ()
    %run_scoped3A_29 = arith.constant 2 : i32
    "tpu.region"() ({
      %run_scoped3A_53 = tpu.sem_alloc : memref<!tpu.dma_semaphore, #tpu.memory_space<semaphore_mem>>
      %dma_start3A = arith.constant 0 : i32
      %dma_start3A_54 = tpu.memref_slice %arg9[%run_scoped3A_29, %dma_start3A] : memref<5x128xi32, #tpu.memory_space<vmem>> -> memref<1x128xi32, #tpu.memory_space<vmem>>
      %dma_start3A_55 = tpu.memref_squeeze %dma_start3A_54 : memref<1x128xi32, #tpu.memory_space<vmem>> -> memref<128xi32, #tpu.memory_space<vmem>>
      %dma_start3A_56 = arith.constant 0 : i32
      %dma_start3A_57 = arith.constant 0 : i32
      %dma_start3A_58 = tpu.memref_slice %arg14[%dma_start3A_56, %dma_start3A_57] : memref<10240x128xf32, #tpu.memory_space<vmem_shared>> -> memref<10240x128xf32, #tpu.memory_space<vmem_shared>>
      tpu.enqueue_indirect_dma source(%dma_start3A_58 : memref<10240x128xf32, #tpu.memory_space<vmem_shared>>) target(%arg10 : memref<128x128xf32, #tpu.memory_space<vmem>>) offsets(%dma_start3A_55 : memref<128xi32, #tpu.memory_space<vmem>>) semaphore(%run_scoped3A_53 : memref<!tpu.dma_semaphore, #tpu.memory_space<semaphore_mem>>)
      %dma_wait3A = arith.constant 0 : i32
      %dma_wait3A_59 = tpu.memref_slice %arg9[%run_scoped3A_29, %dma_wait3A] : memref<5x128xi32, #tpu.memory_space<vmem>> -> memref<1x128xi32, #tpu.memory_space<vmem>>
      %dma_wait3A_60 = tpu.memref_squeeze %dma_wait3A_59 : memref<1x128xi32, #tpu.memory_space<vmem>> -> memref<128xi32, #tpu.memory_space<vmem>>
      %dma_wait3A_61 = arith.constant 0 : i32
      %dma_wait3A_62 = arith.constant 0 : i32
      %dma_wait3A_63 = tpu.memref_slice %arg14[%dma_wait3A_61, %dma_wait3A_62] : memref<10240x128xf32, #tpu.memory_space<vmem_shared>> -> memref<10240x128xf32, #tpu.memory_space<vmem_shared>>
      tpu.wait_indirect_dma semaphore(%run_scoped3A_53 : memref<!tpu.dma_semaphore, #tpu.memory_space<semaphore_mem>>) src(%dma_wait3A_63 : memref<10240x128xf32, #tpu.memory_space<vmem_shared>>) dst(%arg10 : memref<128x128xf32, #tpu.memory_space<vmem>>)
      tpu.yield
    }) : () -> ()
    %mul3A_30 = arith.constant 10240 : i32
    %mul3A_31 = arith.muli %arg0, %mul3A_30 : i32
    %mul3A_32 = arith.constant 640 : i32
    %mul3A_33 = arith.muli %arg1, %mul3A_32 : i32
    %add3A_34 = arith.addi %mul3A_31, %mul3A_33 : i32
    %add3A_35 = arith.constant 256 : i32
    %add3A_36 = arith.addi %add3A_34, %add3A_35 : i32
    "tpu.region"() ({
      %run_scoped3A_53 = tpu.sem_alloc : memref<!tpu.dma_semaphore, #tpu.memory_space<semaphore_mem>>
      %dma_start3A = arith.constant 0 : i32
      %dma_start3A_54 = tpu.memref_slice %arg7[%add3A_36, %dma_start3A] : memref<20480x128xf32, #tpu.memory_space<hbm>> -> memref<128x128xf32, #tpu.memory_space<hbm>>
      %dma_start3A_55 = arith.constant 0 : i32
      %dma_start3A_56 = tpu.memref_slice %arg7[%add3A_36, %dma_start3A_55] : memref<20480x128xf32, #tpu.memory_space<hbm>> -> memref<128x128xf32, #tpu.memory_space<hbm>>
      tpu.enqueue_dma source(%arg10 : memref<128x128xf32, #tpu.memory_space<vmem>>) target(%dma_start3A_56 : memref<128x128xf32, #tpu.memory_space<hbm>>) target_semaphore(%run_scoped3A_53 : memref<!tpu.dma_semaphore, #tpu.memory_space<semaphore_mem>>)
      %dma_wait3A = arith.constant 0 : i32
      %dma_wait3A_57 = tpu.memref_slice %arg7[%add3A_36, %dma_wait3A] : memref<20480x128xf32, #tpu.memory_space<hbm>> -> memref<128x128xf32, #tpu.memory_space<hbm>>
      %dma_wait3A_58 = arith.constant 0 : i32
      %dma_wait3A_59 = tpu.memref_slice %arg7[%add3A_36, %dma_wait3A_58] : memref<20480x128xf32, #tpu.memory_space<hbm>> -> memref<128x128xf32, #tpu.memory_space<hbm>>
      tpu.wait_dma2 semaphore(%run_scoped3A_53 : memref<!tpu.dma_semaphore, #tpu.memory_space<semaphore_mem>>) src(%arg10 : memref<128x128xf32, #tpu.memory_space<vmem>>) dst(%dma_wait3A_59 : memref<128x128xf32, #tpu.memory_space<hbm>>)
      tpu.yield
    }) : () -> ()
    %run_scoped3A_37 = arith.constant 3 : i32
    "tpu.region"() ({
      %run_scoped3A_53 = tpu.sem_alloc : memref<!tpu.dma_semaphore, #tpu.memory_space<semaphore_mem>>
      %dma_start3A = arith.constant 0 : i32
      %dma_start3A_54 = tpu.memref_slice %arg9[%run_scoped3A_37, %dma_start3A] : memref<5x128xi32, #tpu.memory_space<vmem>> -> memref<1x128xi32, #tpu.memory_space<vmem>>
      %dma_start3A_55 = tpu.memref_squeeze %dma_start3A_54 : memref<1x128xi32, #tpu.memory_space<vmem>> -> memref<128xi32, #tpu.memory_space<vmem>>
      %dma_start3A_56 = arith.constant 0 : i32
      %dma_start3A_57 = arith.constant 0 : i32
      %dma_start3A_58 = tpu.memref_slice %arg14[%dma_start3A_56, %dma_start3A_57] : memref<10240x128xf32, #tpu.memory_space<vmem_shared>> -> memref<10240x128xf32, #tpu.memory_space<vmem_shared>>
      tpu.enqueue_indirect_dma source(%dma_start3A_58 : memref<10240x128xf32, #tpu.memory_space<vmem_shared>>) target(%arg11 : memref<128x128xf32, #tpu.memory_space<vmem>>) offsets(%dma_start3A_55 : memref<128xi32, #tpu.memory_space<vmem>>) semaphore(%run_scoped3A_53 : memref<!tpu.dma_semaphore, #tpu.memory_space<semaphore_mem>>)
      %dma_wait3A = arith.constant 0 : i32
      %dma_wait3A_59 = tpu.memref_slice %arg9[%run_scoped3A_37, %dma_wait3A] : memref<5x128xi32, #tpu.memory_space<vmem>> -> memref<1x128xi32, #tpu.memory_space<vmem>>
      %dma_wait3A_60 = tpu.memref_squeeze %dma_wait3A_59 : memref<1x128xi32, #tpu.memory_space<vmem>> -> memref<128xi32, #tpu.memory_space<vmem>>
      %dma_wait3A_61 = arith.constant 0 : i32
      %dma_wait3A_62 = arith.constant 0 : i32
      %dma_wait3A_63 = tpu.memref_slice %arg14[%dma_wait3A_61, %dma_wait3A_62] : memref<10240x128xf32, #tpu.memory_space<vmem_shared>> -> memref<10240x128xf32, #tpu.memory_space<vmem_shared>>
      tpu.wait_indirect_dma semaphore(%run_scoped3A_53 : memref<!tpu.dma_semaphore, #tpu.memory_space<semaphore_mem>>) src(%dma_wait3A_63 : memref<10240x128xf32, #tpu.memory_space<vmem_shared>>) dst(%arg11 : memref<128x128xf32, #tpu.memory_space<vmem>>)
      tpu.yield
    }) : () -> ()
    %mul3A_38 = arith.constant 10240 : i32
    %mul3A_39 = arith.muli %arg0, %mul3A_38 : i32
    %mul3A_40 = arith.constant 640 : i32
    %mul3A_41 = arith.muli %arg1, %mul3A_40 : i32
    %add3A_42 = arith.addi %mul3A_39, %mul3A_41 : i32
    %add3A_43 = arith.constant 384 : i32
    %add3A_44 = arith.addi %add3A_42, %add3A_43 : i32
    "tpu.region"() ({
      %run_scoped3A_53 = tpu.sem_alloc : memref<!tpu.dma_semaphore, #tpu.memory_space<semaphore_mem>>
      %dma_start3A = arith.constant 0 : i32
      %dma_start3A_54 = tpu.memref_slice %arg7[%add3A_44, %dma_start3A] : memref<20480x128xf32, #tpu.memory_space<hbm>> -> memref<128x128xf32, #tpu.memory_space<hbm>>
      %dma_start3A_55 = arith.constant 0 : i32
      %dma_start3A_56 = tpu.memref_slice %arg7[%add3A_44, %dma_start3A_55] : memref<20480x128xf32, #tpu.memory_space<hbm>> -> memref<128x128xf32, #tpu.memory_space<hbm>>
      tpu.enqueue_dma source(%arg11 : memref<128x128xf32, #tpu.memory_space<vmem>>) target(%dma_start3A_56 : memref<128x128xf32, #tpu.memory_space<hbm>>) target_semaphore(%run_scoped3A_53 : memref<!tpu.dma_semaphore, #tpu.memory_space<semaphore_mem>>)
      %dma_wait3A = arith.constant 0 : i32
      %dma_wait3A_57 = tpu.memref_slice %arg7[%add3A_44, %dma_wait3A] : memref<20480x128xf32, #tpu.memory_space<hbm>> -> memref<128x128xf32, #tpu.memory_space<hbm>>
      %dma_wait3A_58 = arith.constant 0 : i32
      %dma_wait3A_59 = tpu.memref_slice %arg7[%add3A_44, %dma_wait3A_58] : memref<20480x128xf32, #tpu.memory_space<hbm>> -> memref<128x128xf32, #tpu.memory_space<hbm>>
      tpu.wait_dma2 semaphore(%run_scoped3A_53 : memref<!tpu.dma_semaphore, #tpu.memory_space<semaphore_mem>>) src(%arg11 : memref<128x128xf32, #tpu.memory_space<vmem>>) dst(%dma_wait3A_59 : memref<128x128xf32, #tpu.memory_space<hbm>>)
      tpu.yield
    }) : () -> ()
    %run_scoped3A_45 = arith.constant 4 : i32
    "tpu.region"() ({
      %run_scoped3A_53 = tpu.sem_alloc : memref<!tpu.dma_semaphore, #tpu.memory_space<semaphore_mem>>
      %dma_start3A = arith.constant 0 : i32
      %dma_start3A_54 = tpu.memref_slice %arg9[%run_scoped3A_45, %dma_start3A] : memref<5x128xi32, #tpu.memory_space<vmem>> -> memref<1x128xi32, #tpu.memory_space<vmem>>
      %dma_start3A_55 = tpu.memref_squeeze %dma_start3A_54 : memref<1x128xi32, #tpu.memory_space<vmem>> -> memref<128xi32, #tpu.memory_space<vmem>>
      %dma_start3A_56 = arith.constant 0 : i32
      %dma_start3A_57 = arith.constant 0 : i32
      %dma_start3A_58 = tpu.memref_slice %arg14[%dma_start3A_56, %dma_start3A_57] : memref<10240x128xf32, #tpu.memory_space<vmem_shared>> -> memref<10240x128xf32, #tpu.memory_space<vmem_shared>>
      tpu.enqueue_indirect_dma source(%dma_start3A_58 : memref<10240x128xf32, #tpu.memory_space<vmem_shared>>) target(%arg10 : memref<128x128xf32, #tpu.memory_space<vmem>>) offsets(%dma_start3A_55 : memref<128xi32, #tpu.memory_space<vmem>>) semaphore(%run_scoped3A_53 : memref<!tpu.dma_semaphore, #tpu.memory_space<semaphore_mem>>)
      %dma_wait3A = arith.constant 0 : i32
      %dma_wait3A_59 = tpu.memref_slice %arg9[%run_scoped3A_45, %dma_wait3A] : memref<5x128xi32, #tpu.memory_space<vmem>> -> memref<1x128xi32, #tpu.memory_space<vmem>>
      %dma_wait3A_60 = tpu.memref_squeeze %dma_wait3A_59 : memref<1x128xi32, #tpu.memory_space<vmem>> -> memref<128xi32, #tpu.memory_space<vmem>>
      %dma_wait3A_61 = arith.constant 0 : i32
      %dma_wait3A_62 = arith.constant 0 : i32
      %dma_wait3A_63 = tpu.memref_slice %arg14[%dma_wait3A_61, %dma_wait3A_62] : memref<10240x128xf32, #tpu.memory_space<vmem_shared>> -> memref<10240x128xf32, #tpu.memory_space<vmem_shared>>
      tpu.wait_indirect_dma semaphore(%run_scoped3A_53 : memref<!tpu.dma_semaphore, #tpu.memory_space<semaphore_mem>>) src(%dma_wait3A_63 : memref<10240x128xf32, #tpu.memory_space<vmem_shared>>) dst(%arg10 : memref<128x128xf32, #tpu.memory_space<vmem>>)
      tpu.yield
    }) : () -> ()
    %mul3A_46 = arith.constant 10240 : i32
    %mul3A_47 = arith.muli %arg0, %mul3A_46 : i32
    %mul3A_48 = arith.constant 640 : i32
    %mul3A_49 = arith.muli %arg1, %mul3A_48 : i32
    %add3A_50 = arith.addi %mul3A_47, %mul3A_49 : i32
    %add3A_51 = arith.constant 512 : i32
    %add3A_52 = arith.addi %add3A_50, %add3A_51 : i32
    "tpu.region"() ({
      %run_scoped3A_53 = tpu.sem_alloc : memref<!tpu.dma_semaphore, #tpu.memory_space<semaphore_mem>>
      %dma_start3A = arith.constant 0 : i32
      %dma_start3A_54 = tpu.memref_slice %arg7[%add3A_52, %dma_start3A] : memref<20480x128xf32, #tpu.memory_space<hbm>> -> memref<128x128xf32, #tpu.memory_space<hbm>>
      %dma_start3A_55 = arith.constant 0 : i32
      %dma_start3A_56 = tpu.memref_slice %arg7[%add3A_52, %dma_start3A_55] : memref<20480x128xf32, #tpu.memory_space<hbm>> -> memref<128x128xf32, #tpu.memory_space<hbm>>
      tpu.enqueue_dma source(%arg10 : memref<128x128xf32, #tpu.memory_space<vmem>>) target(%dma_start3A_56 : memref<128x128xf32, #tpu.memory_space<hbm>>) target_semaphore(%run_scoped3A_53 : memref<!tpu.dma_semaphore, #tpu.memory_space<semaphore_mem>>)
      %dma_wait3A = arith.constant 0 : i32
      %dma_wait3A_57 = tpu.memref_slice %arg7[%add3A_52, %dma_wait3A] : memref<20480x128xf32, #tpu.memory_space<hbm>> -> memref<128x128xf32, #tpu.memory_space<hbm>>
      %dma_wait3A_58 = arith.constant 0 : i32
      %dma_wait3A_59 = tpu.memref_slice %arg7[%add3A_52, %dma_wait3A_58] : memref<20480x128xf32, #tpu.memory_space<hbm>> -> memref<128x128xf32, #tpu.memory_space<hbm>>
      tpu.wait_dma2 semaphore(%run_scoped3A_53 : memref<!tpu.dma_semaphore, #tpu.memory_space<semaphore_mem>>) src(%arg10 : memref<128x128xf32, #tpu.memory_space<vmem>>) dst(%dma_wait3A_59 : memref<128x128xf32, #tpu.memory_space<hbm>>)
      tpu.yield
    }) : () -> ()
    return
  }
}

#map = affine_map<(d0, d1) -> (0, 0)>
#map1 = affine_map<(d0, d1) -> (0, 0, 0)>
module attributes {stable_mosaic.version = 14 : i64} {
  func.func @_sc_layer_body(%arg0: i32, %arg1: i32, %arg2: memref<10000x128xf32, #tpu.memory_space<hbm>>, %arg3: memref<2560x128xi32, #tpu.memory_space<hbm>>, %arg4: memref<2560x1x128xi32, #tpu.memory_space<hbm>>, %arg5: memref<128x128xf32, #tpu.memory_space<hbm>>, %arg6: memref<16x5x128xi32, #tpu.memory_space<hbm>>, %arg7: memref<20480x128xf32, #tpu.memory_space<hbm>>, %arg8: memref<80x128xi32, #tpu.memory_space<vmem>>, %arg9: memref<5x128xi32, #tpu.memory_space<vmem>>, %arg10: memref<128x128xf32, #tpu.memory_space<vmem>>, %arg11: memref<128x128xf32, #tpu.memory_space<vmem>>, %arg12: memref<1x128xi32, #tpu.memory_space<vmem>>, %arg13: memref<1x128xi32, #tpu.memory_space<vmem>>, %arg14: memref<10240x128xf32, #tpu.memory_space<vmem_shared>>, %arg15: memref<!tpu.dma_semaphore, #tpu.memory_space<semaphore_mem>>, %arg16: memref<!tpu.dma_semaphore, #tpu.memory_space<semaphore_mem>>) attributes {dimension_semantics = [#tpu.dimension_semantics<core_parallel>, #tpu.dimension_semantics<subcore_parallel>], iteration_bounds = array<i64: 2, 16>, scalar_prefetch = 0 : i64, scratch_operands = 9 : i64, tpu.core_type = #tpu.core_type<sc_vector_subcore>, window_params = [{transform_indices = #map}, {transform_indices = #map}, {transform_indices = #map1}, {transform_indices = #map}, {transform_indices = #map1}, {transform_indices = #map}]} {
    %mul3A = arith.constant 2 : i32
    %mul3A_0 = arith.muli %arg1, %mul3A : i32
    %add3A = arith.addi %mul3A_0, %arg0 : i32
    %mul3A_1 = arith.constant 80 : i32
    %mul3A_2 = arith.muli %add3A, %mul3A_1 : i32
    "tpu.region"() ({
      %run_scoped3A_53 = tpu.sem_alloc : memref<!tpu.dma_semaphore, #tpu.memory_space<semaphore_mem>>
      %dma_start3A = arith.constant 0 : i32
      %dma_start3A_54 = tpu.memref_slice %arg3[%mul3A_2, %dma_start3A] : memref<2560x128xi32, #tpu.memory_space<hbm>> -> memref<80x128xi32, #tpu.memory_space<hbm>>
      %dma_start3A_55 = arith.constant 0 : i32
      %dma_start3A_56 = tpu.memref_slice %arg3[%mul3A_2, %dma_start3A_55] : memref<2560x128xi32, #tpu.memory_space<hbm>> -> memref<80x128xi32, #tpu.memory_space<hbm>>
      tpu.enqueue_dma source(%dma_start3A_56 : memref<80x128xi32, #tpu.memory_space<hbm>>) target(%arg8 : memref<80x128xi32, #tpu.memory_space<vmem>>) target_semaphore(%run_scoped3A_53 : memref<!tpu.dma_semaphore, #tpu.memory_space<semaphore_mem>>)
      %dma_wait3A = arith.constant 0 : i32
      %dma_wait3A_57 = tpu.memref_slice %arg3[%mul3A_2, %dma_wait3A] : memref<2560x128xi32, #tpu.memory_space<hbm>> -> memref<80x128xi32, #tpu.memory_space<hbm>>
      %dma_wait3A_58 = arith.constant 0 : i32
      %dma_wait3A_59 = tpu.memref_slice %arg3[%mul3A_2, %dma_wait3A_58] : memref<2560x128xi32, #tpu.memory_space<hbm>> -> memref<80x128xi32, #tpu.memory_space<hbm>>
      tpu.wait_dma2 semaphore(%run_scoped3A_53 : memref<!tpu.dma_semaphore, #tpu.memory_space<semaphore_mem>>) src(%dma_wait3A_59 : memref<80x128xi32, #tpu.memory_space<hbm>>) dst(%arg8 : memref<80x128xi32, #tpu.memory_space<vmem>>)
      tpu.yield
    }) : () -> ()
    "tpu.region"() ({
      %run_scoped3A_53 = tpu.sem_alloc : memref<!tpu.dma_semaphore, #tpu.memory_space<semaphore_mem>>
      %dma_start3A = arith.constant 0 : i32
      %dma_start3A_54 = arith.constant 0 : i32
      %dma_start3A_55 = tpu.memref_slice %arg6[%arg1, %dma_start3A, %dma_start3A_54] : memref<16x5x128xi32, #tpu.memory_space<hbm>> -> memref<1x5x128xi32, #tpu.memory_space<hbm>>
      %dma_start3A_56 = tpu.memref_squeeze %dma_start3A_55 : memref<1x5x128xi32, #tpu.memory_space<hbm>> -> memref<5x128xi32, #tpu.memory_space<hbm>>
      %dma_start3A_57 = arith.constant 0 : i32
      %dma_start3A_58 = arith.constant 0 : i32
      %dma_start3A_59 = tpu.memref_slice %arg6[%arg1, %dma_start3A_57, %dma_start3A_58] : memref<16x5x128xi32, #tpu.memory_space<hbm>> -> memref<1x5x128xi32, #tpu.memory_space<hbm>>
      %dma_start3A_60 = tpu.memref_squeeze %dma_start3A_59 : memref<1x5x128xi32, #tpu.memory_space<hbm>> -> memref<5x128xi32, #tpu.memory_space<hbm>>
      tpu.enqueue_dma source(%dma_start3A_60 : memref<5x128xi32, #tpu.memory_space<hbm>>) target(%arg9 : memref<5x128xi32, #tpu.memory_space<vmem>>) target_semaphore(%run_scoped3A_53 : memref<!tpu.dma_semaphore, #tpu.memory_space<semaphore_mem>>)
      %dma_wait3A = arith.constant 0 : i32
      %dma_wait3A_61 = arith.constant 0 : i32
      %dma_wait3A_62 = tpu.memref_slice %arg6[%arg1, %dma_wait3A, %dma_wait3A_61] : memref<16x5x128xi32, #tpu.memory_space<hbm>> -> memref<1x5x128xi32, #tpu.memory_space<hbm>>
      %dma_wait3A_63 = tpu.memref_squeeze %dma_wait3A_62 : memref<1x5x128xi32, #tpu.memory_space<hbm>> -> memref<5x128xi32, #tpu.memory_space<hbm>>
      %dma_wait3A_64 = arith.constant 0 : i32
      %dma_wait3A_65 = arith.constant 0 : i32
      %dma_wait3A_66 = tpu.memref_slice %arg6[%arg1, %dma_wait3A_64, %dma_wait3A_65] : memref<16x5x128xi32, #tpu.memory_space<hbm>> -> memref<1x5x128xi32, #tpu.memory_space<hbm>>
      %dma_wait3A_67 = tpu.memref_squeeze %dma_wait3A_66 : memref<1x5x128xi32, #tpu.memory_space<hbm>> -> memref<5x128xi32, #tpu.memory_space<hbm>>
      tpu.wait_dma2 semaphore(%run_scoped3A_53 : memref<!tpu.dma_semaphore, #tpu.memory_space<semaphore_mem>>) src(%dma_wait3A_67 : memref<5x128xi32, #tpu.memory_space<hbm>>) dst(%arg9 : memref<5x128xi32, #tpu.memory_space<vmem>>)
      tpu.yield
    }) : () -> ()
    "tpu.region"() ({
      %run_scoped3A_53 = tpu.sem_alloc : memref<!tpu.dma_semaphore, #tpu.memory_space<semaphore_mem>>
      tpu.enqueue_dma source(%arg5 : memref<128x128xf32, #tpu.memory_space<hbm>>) target(%arg10 : memref<128x128xf32, #tpu.memory_space<vmem>>) target_semaphore(%run_scoped3A_53 : memref<!tpu.dma_semaphore, #tpu.memory_space<semaphore_mem>>)
      tpu.wait_dma2 semaphore(%run_scoped3A_53 : memref<!tpu.dma_semaphore, #tpu.memory_space<semaphore_mem>>) src(%arg5 : memref<128x128xf32, #tpu.memory_space<hbm>>) dst(%arg10 : memref<128x128xf32, #tpu.memory_space<vmem>>)
      tpu.yield
    }) : () -> ()
    %run_scoped3A = arith.constant 0 : i32
    "tpu.region"() ({
      %run_scoped3A_53 = tpu.sem_alloc : memref<!tpu.dma_semaphore, #tpu.memory_space<semaphore_mem>>
      %dma_start3A = arith.constant 0 : i32
      %dma_start3A_54 = tpu.memref_slice %arg9[%run_scoped3A, %dma_start3A] : memref<5x128xi32, #tpu.memory_space<vmem>> -> memref<1x128xi32, #tpu.memory_space<vmem>>
      %dma_start3A_55 = tpu.memref_squeeze %dma_start3A_54 : memref<1x128xi32, #tpu.memory_space<vmem>> -> memref<128xi32, #tpu.memory_space<vmem>>
      %dma_start3A_56 = arith.constant 0 : i32
      %dma_start3A_57 = arith.constant 0 : i32
      %dma_start3A_58 = tpu.memref_slice %arg14[%dma_start3A_56, %dma_start3A_57] : memref<10240x128xf32, #tpu.memory_space<vmem_shared>> -> memref<10240x128xf32, #tpu.memory_space<vmem_shared>>
      tpu.enqueue_indirect_dma source(%arg10 : memref<128x128xf32, #tpu.memory_space<vmem>>) target(%dma_start3A_58 : memref<10240x128xf32, #tpu.memory_space<vmem_shared>>) offsets(%dma_start3A_55 : memref<128xi32, #tpu.memory_space<vmem>>) semaphore(%run_scoped3A_53 : memref<!tpu.dma_semaphore, #tpu.memory_space<semaphore_mem>>)
      %dma_wait3A = arith.constant 0 : i32
      %dma_wait3A_59 = tpu.memref_slice %arg9[%run_scoped3A, %dma_wait3A] : memref<5x128xi32, #tpu.memory_space<vmem>> -> memref<1x128xi32, #tpu.memory_space<vmem>>
      %dma_wait3A_60 = tpu.memref_squeeze %dma_wait3A_59 : memref<1x128xi32, #tpu.memory_space<vmem>> -> memref<128xi32, #tpu.memory_space<vmem>>
      %dma_wait3A_61 = arith.constant 0 : i32
      %dma_wait3A_62 = arith.constant 0 : i32
      %dma_wait3A_63 = tpu.memref_slice %arg14[%dma_wait3A_61, %dma_wait3A_62] : memref<10240x128xf32, #tpu.memory_space<vmem_shared>> -> memref<10240x128xf32, #tpu.memory_space<vmem_shared>>
      tpu.wait_indirect_dma semaphore(%run_scoped3A_53 : memref<!tpu.dma_semaphore, #tpu.memory_space<semaphore_mem>>) src(%arg10 : memref<128x128xf32, #tpu.memory_space<vmem>>) dst(%dma_wait3A_63 : memref<10240x128xf32, #tpu.memory_space<vmem_shared>>)
      tpu.yield
    }) : () -> ()
    %run_scoped3A_3 = arith.constant 1 : i32
    "tpu.region"() ({
      %run_scoped3A_53 = tpu.sem_alloc : memref<!tpu.dma_semaphore, #tpu.memory_space<semaphore_mem>>
      %dma_start3A = arith.constant 0 : i32
      %dma_start3A_54 = tpu.memref_slice %arg9[%run_scoped3A_3, %dma_start3A] : memref<5x128xi32, #tpu.memory_space<vmem>> -> memref<1x128xi32, #tpu.memory_space<vmem>>
      %dma_start3A_55 = tpu.memref_squeeze %dma_start3A_54 : memref<1x128xi32, #tpu.memory_space<vmem>> -> memref<128xi32, #tpu.memory_space<vmem>>
      %dma_start3A_56 = arith.constant 0 : i32
      %dma_start3A_57 = arith.constant 0 : i32
      %dma_start3A_58 = tpu.memref_slice %arg14[%dma_start3A_56, %dma_start3A_57] : memref<10240x128xf32, #tpu.memory_space<vmem_shared>> -> memref<10240x128xf32, #tpu.memory_space<vmem_shared>>
      tpu.enqueue_indirect_dma source(%arg10 : memref<128x128xf32, #tpu.memory_space<vmem>>) target(%dma_start3A_58 : memref<10240x128xf32, #tpu.memory_space<vmem_shared>>) offsets(%dma_start3A_55 : memref<128xi32, #tpu.memory_space<vmem>>) semaphore(%run_scoped3A_53 : memref<!tpu.dma_semaphore, #tpu.memory_space<semaphore_mem>>)
      %dma_wait3A = arith.constant 0 : i32
      %dma_wait3A_59 = tpu.memref_slice %arg9[%run_scoped3A_3, %dma_wait3A] : memref<5x128xi32, #tpu.memory_space<vmem>> -> memref<1x128xi32, #tpu.memory_space<vmem>>
      %dma_wait3A_60 = tpu.memref_squeeze %dma_wait3A_59 : memref<1x128xi32, #tpu.memory_space<vmem>> -> memref<128xi32, #tpu.memory_space<vmem>>
      %dma_wait3A_61 = arith.constant 0 : i32
      %dma_wait3A_62 = arith.constant 0 : i32
      %dma_wait3A_63 = tpu.memref_slice %arg14[%dma_wait3A_61, %dma_wait3A_62] : memref<10240x128xf32, #tpu.memory_space<vmem_shared>> -> memref<10240x128xf32, #tpu.memory_space<vmem_shared>>
      tpu.wait_indirect_dma semaphore(%run_scoped3A_53 : memref<!tpu.dma_semaphore, #tpu.memory_space<semaphore_mem>>) src(%arg10 : memref<128x128xf32, #tpu.memory_space<vmem>>) dst(%dma_wait3A_63 : memref<10240x128xf32, #tpu.memory_space<vmem_shared>>)
      tpu.yield
    }) : () -> ()
    %run_scoped3A_4 = arith.constant 2 : i32
    "tpu.region"() ({
      %run_scoped3A_53 = tpu.sem_alloc : memref<!tpu.dma_semaphore, #tpu.memory_space<semaphore_mem>>
      %dma_start3A = arith.constant 0 : i32
      %dma_start3A_54 = tpu.memref_slice %arg9[%run_scoped3A_4, %dma_start3A] : memref<5x128xi32, #tpu.memory_space<vmem>> -> memref<1x128xi32, #tpu.memory_space<vmem>>
      %dma_start3A_55 = tpu.memref_squeeze %dma_start3A_54 : memref<1x128xi32, #tpu.memory_space<vmem>> -> memref<128xi32, #tpu.memory_space<vmem>>
      %dma_start3A_56 = arith.constant 0 : i32
      %dma_start3A_57 = arith.constant 0 : i32
      %dma_start3A_58 = tpu.memref_slice %arg14[%dma_start3A_56, %dma_start3A_57] : memref<10240x128xf32, #tpu.memory_space<vmem_shared>> -> memref<10240x128xf32, #tpu.memory_space<vmem_shared>>
      tpu.enqueue_indirect_dma source(%arg10 : memref<128x128xf32, #tpu.memory_space<vmem>>) target(%dma_start3A_58 : memref<10240x128xf32, #tpu.memory_space<vmem_shared>>) offsets(%dma_start3A_55 : memref<128xi32, #tpu.memory_space<vmem>>) semaphore(%run_scoped3A_53 : memref<!tpu.dma_semaphore, #tpu.memory_space<semaphore_mem>>)
      %dma_wait3A = arith.constant 0 : i32
      %dma_wait3A_59 = tpu.memref_slice %arg9[%run_scoped3A_4, %dma_wait3A] : memref<5x128xi32, #tpu.memory_space<vmem>> -> memref<1x128xi32, #tpu.memory_space<vmem>>
      %dma_wait3A_60 = tpu.memref_squeeze %dma_wait3A_59 : memref<1x128xi32, #tpu.memory_space<vmem>> -> memref<128xi32, #tpu.memory_space<vmem>>
      %dma_wait3A_61 = arith.constant 0 : i32
      %dma_wait3A_62 = arith.constant 0 : i32
      %dma_wait3A_63 = tpu.memref_slice %arg14[%dma_wait3A_61, %dma_wait3A_62] : memref<10240x128xf32, #tpu.memory_space<vmem_shared>> -> memref<10240x128xf32, #tpu.memory_space<vmem_shared>>
      tpu.wait_indirect_dma semaphore(%run_scoped3A_53 : memref<!tpu.dma_semaphore, #tpu.memory_space<semaphore_mem>>) src(%arg10 : memref<128x128xf32, #tpu.memory_space<vmem>>) dst(%dma_wait3A_63 : memref<10240x128xf32, #tpu.memory_space<vmem_shared>>)
      tpu.yield
    }) : () -> ()
    %run_scoped3A_5 = arith.constant 3 : i32
    "tpu.region"() ({
      %run_scoped3A_53 = tpu.sem_alloc : memref<!tpu.dma_semaphore, #tpu.memory_space<semaphore_mem>>
      %dma_start3A = arith.constant 0 : i32
      %dma_start3A_54 = tpu.memref_slice %arg9[%run_scoped3A_5, %dma_start3A] : memref<5x128xi32, #tpu.memory_space<vmem>> -> memref<1x128xi32, #tpu.memory_space<vmem>>
      %dma_start3A_55 = tpu.memref_squeeze %dma_start3A_54 : memref<1x128xi32, #tpu.memory_space<vmem>> -> memref<128xi32, #tpu.memory_space<vmem>>
      %dma_start3A_56 = arith.constant 0 : i32
      %dma_start3A_57 = arith.constant 0 : i32
      %dma_start3A_58 = tpu.memref_slice %arg14[%dma_start3A_56, %dma_start3A_57] : memref<10240x128xf32, #tpu.memory_space<vmem_shared>> -> memref<10240x128xf32, #tpu.memory_space<vmem_shared>>
      tpu.enqueue_indirect_dma source(%arg10 : memref<128x128xf32, #tpu.memory_space<vmem>>) target(%dma_start3A_58 : memref<10240x128xf32, #tpu.memory_space<vmem_shared>>) offsets(%dma_start3A_55 : memref<128xi32, #tpu.memory_space<vmem>>) semaphore(%run_scoped3A_53 : memref<!tpu.dma_semaphore, #tpu.memory_space<semaphore_mem>>)
      %dma_wait3A = arith.constant 0 : i32
      %dma_wait3A_59 = tpu.memref_slice %arg9[%run_scoped3A_5, %dma_wait3A] : memref<5x128xi32, #tpu.memory_space<vmem>> -> memref<1x128xi32, #tpu.memory_space<vmem>>
      %dma_wait3A_60 = tpu.memref_squeeze %dma_wait3A_59 : memref<1x128xi32, #tpu.memory_space<vmem>> -> memref<128xi32, #tpu.memory_space<vmem>>
      %dma_wait3A_61 = arith.constant 0 : i32
      %dma_wait3A_62 = arith.constant 0 : i32
      %dma_wait3A_63 = tpu.memref_slice %arg14[%dma_wait3A_61, %dma_wait3A_62] : memref<10240x128xf32, #tpu.memory_space<vmem_shared>> -> memref<10240x128xf32, #tpu.memory_space<vmem_shared>>
      tpu.wait_indirect_dma semaphore(%run_scoped3A_53 : memref<!tpu.dma_semaphore, #tpu.memory_space<semaphore_mem>>) src(%arg10 : memref<128x128xf32, #tpu.memory_space<vmem>>) dst(%dma_wait3A_63 : memref<10240x128xf32, #tpu.memory_space<vmem_shared>>)
      tpu.yield
    }) : () -> ()
    %run_scoped3A_6 = arith.constant 4 : i32
    "tpu.region"() ({
      %run_scoped3A_53 = tpu.sem_alloc : memref<!tpu.dma_semaphore, #tpu.memory_space<semaphore_mem>>
      %dma_start3A = arith.constant 0 : i32
      %dma_start3A_54 = tpu.memref_slice %arg9[%run_scoped3A_6, %dma_start3A] : memref<5x128xi32, #tpu.memory_space<vmem>> -> memref<1x128xi32, #tpu.memory_space<vmem>>
      %dma_start3A_55 = tpu.memref_squeeze %dma_start3A_54 : memref<1x128xi32, #tpu.memory_space<vmem>> -> memref<128xi32, #tpu.memory_space<vmem>>
      %dma_start3A_56 = arith.constant 0 : i32
      %dma_start3A_57 = arith.constant 0 : i32
      %dma_start3A_58 = tpu.memref_slice %arg14[%dma_start3A_56, %dma_start3A_57] : memref<10240x128xf32, #tpu.memory_space<vmem_shared>> -> memref<10240x128xf32, #tpu.memory_space<vmem_shared>>
      tpu.enqueue_indirect_dma source(%arg10 : memref<128x128xf32, #tpu.memory_space<vmem>>) target(%dma_start3A_58 : memref<10240x128xf32, #tpu.memory_space<vmem_shared>>) offsets(%dma_start3A_55 : memref<128xi32, #tpu.memory_space<vmem>>) semaphore(%run_scoped3A_53 : memref<!tpu.dma_semaphore, #tpu.memory_space<semaphore_mem>>)
      %dma_wait3A = arith.constant 0 : i32
      %dma_wait3A_59 = tpu.memref_slice %arg9[%run_scoped3A_6, %dma_wait3A] : memref<5x128xi32, #tpu.memory_space<vmem>> -> memref<1x128xi32, #tpu.memory_space<vmem>>
      %dma_wait3A_60 = tpu.memref_squeeze %dma_wait3A_59 : memref<1x128xi32, #tpu.memory_space<vmem>> -> memref<128xi32, #tpu.memory_space<vmem>>
      %dma_wait3A_61 = arith.constant 0 : i32
      %dma_wait3A_62 = arith.constant 0 : i32
      %dma_wait3A_63 = tpu.memref_slice %arg14[%dma_wait3A_61, %dma_wait3A_62] : memref<10240x128xf32, #tpu.memory_space<vmem_shared>> -> memref<10240x128xf32, #tpu.memory_space<vmem_shared>>
      tpu.wait_indirect_dma semaphore(%run_scoped3A_53 : memref<!tpu.dma_semaphore, #tpu.memory_space<semaphore_mem>>) src(%arg10 : memref<128x128xf32, #tpu.memory_space<vmem>>) dst(%dma_wait3A_63 : memref<10240x128xf32, #tpu.memory_space<vmem_shared>>)
      tpu.yield
    }) : () -> ()
    %barrier3A = arith.constant 0 : index
    tpu.barrier barrier_id(%barrier3A)
    %scan3A = arith.constant 0 : i32
    %scan3A_7 = arith.constant 0 : i32
    %scan3A_8 = arith.constant 40 : i32
    %scan3A_9 = arith.addi %scan3A_7, %scan3A_8 : i32
    %scan3A_10 = arith.constant 1 : i32
    scf.for %scan3A_53 = %scan3A_7 to %scan3A_9 step %scan3A_10  : i32 {
      %mul3A_54 = arith.constant 2 : i32
      %mul3A_55 = arith.muli %scan3A_53, %mul3A_54 : i32
      %add3A_56 = arith.constant 0 : i32
      %add3A_57 = arith.addi %mul3A_55, %add3A_56 : i32
      %dma_start3A = arith.constant 0 : i32
      %dma_start3A_58 = tpu.memref_slice %arg8[%add3A_57, %dma_start3A] : memref<80x128xi32, #tpu.memory_space<vmem>> -> memref<1x128xi32, #tpu.memory_space<vmem>>
      %dma_start3A_59 = tpu.memref_squeeze %dma_start3A_58 : memref<1x128xi32, #tpu.memory_space<vmem>> -> memref<128xi32, #tpu.memory_space<vmem>>
      %dma_start3A_60 = arith.constant 0 : i32
      %dma_start3A_61 = arith.constant 0 : i32
      %dma_start3A_62 = tpu.memref_slice %arg2[%dma_start3A_60, %dma_start3A_61] : memref<10000x128xf32, #tpu.memory_space<hbm>> -> memref<10000x128xf32, #tpu.memory_space<hbm>>
      tpu.enqueue_indirect_dma source(%dma_start3A_62 : memref<10000x128xf32, #tpu.memory_space<hbm>>) target(%arg10 : memref<128x128xf32, #tpu.memory_space<vmem>>) offsets(%dma_start3A_59 : memref<128xi32, #tpu.memory_space<vmem>>) semaphore(%arg15 : memref<!tpu.dma_semaphore, #tpu.memory_space<semaphore_mem>>)
      %mul3A_63 = arith.constant 80 : i32
      %mul3A_64 = arith.muli %add3A, %mul3A_63 : i32
      %add3A_65 = arith.addi %mul3A_64, %mul3A_55 : i32
      %add3A_66 = arith.constant 0 : i32
      %add3A_67 = arith.addi %add3A_65, %add3A_66 : i32
      %dma_start3A_68 = arith.constant 0 : i32
      %dma_start3A_69 = arith.constant 0 : i32
      %dma_start3A_70 = tpu.memref_slice %arg4[%add3A_67, %dma_start3A_68, %dma_start3A_69] : memref<2560x1x128xi32, #tpu.memory_space<hbm>> -> memref<1x1x128xi32, #tpu.memory_space<hbm>>
      %dma_start3A_71 = tpu.memref_squeeze %dma_start3A_70 : memref<1x1x128xi32, #tpu.memory_space<hbm>> -> memref<1x128xi32, #tpu.memory_space<hbm>>
      %dma_start3A_72 = arith.constant 0 : i32
      %dma_start3A_73 = arith.constant 0 : i32
      %dma_start3A_74 = tpu.memref_slice %arg4[%add3A_67, %dma_start3A_72, %dma_start3A_73] : memref<2560x1x128xi32, #tpu.memory_space<hbm>> -> memref<1x1x128xi32, #tpu.memory_space<hbm>>
      %dma_start3A_75 = tpu.memref_squeeze %dma_start3A_74 : memref<1x1x128xi32, #tpu.memory_space<hbm>> -> memref<1x128xi32, #tpu.memory_space<hbm>>
      tpu.enqueue_dma source(%dma_start3A_75 : memref<1x128xi32, #tpu.memory_space<hbm>>) target(%arg12 : memref<1x128xi32, #tpu.memory_space<vmem>>) target_semaphore(%arg16 : memref<!tpu.dma_semaphore, #tpu.memory_space<semaphore_mem>>)
      %add3A_76 = arith.constant 1 : i32
      %add3A_77 = arith.addi %mul3A_55, %add3A_76 : i32
      %dma_start3A_78 = arith.constant 0 : i32
      %dma_start3A_79 = tpu.memref_slice %arg8[%add3A_77, %dma_start3A_78] : memref<80x128xi32, #tpu.memory_space<vmem>> -> memref<1x128xi32, #tpu.memory_space<vmem>>
      %dma_start3A_80 = tpu.memref_squeeze %dma_start3A_79 : memref<1x128xi32, #tpu.memory_space<vmem>> -> memref<128xi32, #tpu.memory_space<vmem>>
      %dma_start3A_81 = arith.constant 0 : i32
      %dma_start3A_82 = arith.constant 0 : i32
      %dma_start3A_83 = tpu.memref_slice %arg2[%dma_start3A_81, %dma_start3A_82] : memref<10000x128xf32, #tpu.memory_space<hbm>> -> memref<10000x128xf32, #tpu.memory_space<hbm>>
      tpu.enqueue_indirect_dma source(%dma_start3A_83 : memref<10000x128xf32, #tpu.memory_space<hbm>>) target(%arg11 : memref<128x128xf32, #tpu.memory_space<vmem>>) offsets(%dma_start3A_80 : memref<128xi32, #tpu.memory_space<vmem>>) semaphore(%arg15 : memref<!tpu.dma_semaphore, #tpu.memory_space<semaphore_mem>>)
      %mul3A_84 = arith.constant 80 : i32
      %mul3A_85 = arith.muli %add3A, %mul3A_84 : i32
      %add3A_86 = arith.addi %mul3A_85, %mul3A_55 : i32
      %add3A_87 = arith.constant 1 : i32
      %add3A_88 = arith.addi %add3A_86, %add3A_87 : i32
      %dma_start3A_89 = arith.constant 0 : i32
      %dma_start3A_90 = arith.constant 0 : i32
      %dma_start3A_91 = tpu.memref_slice %arg4[%add3A_88, %dma_start3A_89, %dma_start3A_90] : memref<2560x1x128xi32, #tpu.memory_space<hbm>> -> memref<1x1x128xi32, #tpu.memory_space<hbm>>
      %dma_start3A_92 = tpu.memref_squeeze %dma_start3A_91 : memref<1x1x128xi32, #tpu.memory_space<hbm>> -> memref<1x128xi32, #tpu.memory_space<hbm>>
      %dma_start3A_93 = arith.constant 0 : i32
      %dma_start3A_94 = arith.constant 0 : i32
      %dma_start3A_95 = tpu.memref_slice %arg4[%add3A_88, %dma_start3A_93, %dma_start3A_94] : memref<2560x1x128xi32, #tpu.memory_space<hbm>> -> memref<1x1x128xi32, #tpu.memory_space<hbm>>
      %dma_start3A_96 = tpu.memref_squeeze %dma_start3A_95 : memref<1x1x128xi32, #tpu.memory_space<hbm>> -> memref<1x128xi32, #tpu.memory_space<hbm>>
      tpu.enqueue_dma source(%dma_start3A_96 : memref<1x128xi32, #tpu.memory_space<hbm>>) target(%arg13 : memref<1x128xi32, #tpu.memory_space<vmem>>) target_semaphore(%arg16 : memref<!tpu.dma_semaphore, #tpu.memory_space<semaphore_mem>>)
      %dma_wait3A = arith.constant 0 : i32
      %dma_wait3A_97 = tpu.memref_slice %arg8[%add3A_57, %dma_wait3A] : memref<80x128xi32, #tpu.memory_space<vmem>> -> memref<1x128xi32, #tpu.memory_space<vmem>>
      %dma_wait3A_98 = tpu.memref_squeeze %dma_wait3A_97 : memref<1x128xi32, #tpu.memory_space<vmem>> -> memref<128xi32, #tpu.memory_space<vmem>>
      %dma_wait3A_99 = arith.constant 0 : i32
      %dma_wait3A_100 = arith.constant 0 : i32
      %dma_wait3A_101 = tpu.memref_slice %arg2[%dma_wait3A_99, %dma_wait3A_100] : memref<10000x128xf32, #tpu.memory_space<hbm>> -> memref<10000x128xf32, #tpu.memory_space<hbm>>
      tpu.wait_indirect_dma semaphore(%arg15 : memref<!tpu.dma_semaphore, #tpu.memory_space<semaphore_mem>>) src(%dma_wait3A_101 : memref<10000x128xf32, #tpu.memory_space<hbm>>) dst(%arg10 : memref<128x128xf32, #tpu.memory_space<vmem>>)
      %dma_wait3A_102 = arith.constant 0 : i32
      %dma_wait3A_103 = arith.constant 0 : i32
      %dma_wait3A_104 = tpu.memref_slice %arg4[%add3A_67, %dma_wait3A_102, %dma_wait3A_103] : memref<2560x1x128xi32, #tpu.memory_space<hbm>> -> memref<1x1x128xi32, #tpu.memory_space<hbm>>
      %dma_wait3A_105 = tpu.memref_squeeze %dma_wait3A_104 : memref<1x1x128xi32, #tpu.memory_space<hbm>> -> memref<1x128xi32, #tpu.memory_space<hbm>>
      %dma_wait3A_106 = arith.constant 0 : i32
      %dma_wait3A_107 = arith.constant 0 : i32
      %dma_wait3A_108 = tpu.memref_slice %arg4[%add3A_67, %dma_wait3A_106, %dma_wait3A_107] : memref<2560x1x128xi32, #tpu.memory_space<hbm>> -> memref<1x1x128xi32, #tpu.memory_space<hbm>>
      %dma_wait3A_109 = tpu.memref_squeeze %dma_wait3A_108 : memref<1x1x128xi32, #tpu.memory_space<hbm>> -> memref<1x128xi32, #tpu.memory_space<hbm>>
      tpu.wait_dma2 semaphore(%arg16 : memref<!tpu.dma_semaphore, #tpu.memory_space<semaphore_mem>>) src(%dma_wait3A_109 : memref<1x128xi32, #tpu.memory_space<hbm>>) dst(%arg12 : memref<1x128xi32, #tpu.memory_space<vmem>>)
      %run_scoped3A_110 = arith.constant 0 : i32
      "tpu.region"() ({
        %run_scoped3A_126 = tpu.sem_alloc : memref<!tpu.dma_semaphore, #tpu.memory_space<semaphore_mem>>
        %dma_start3A_127 = arith.constant 0 : i32
        %dma_start3A_128 = tpu.memref_slice %arg12[%run_scoped3A_110, %dma_start3A_127] : memref<1x128xi32, #tpu.memory_space<vmem>> -> memref<1x128xi32, #tpu.memory_space<vmem>>
        %dma_start3A_129 = tpu.memref_squeeze %dma_start3A_128 : memref<1x128xi32, #tpu.memory_space<vmem>> -> memref<128xi32, #tpu.memory_space<vmem>>
        %dma_start3A_130 = arith.constant 0 : i32
        %dma_start3A_131 = arith.constant 0 : i32
        %dma_start3A_132 = tpu.memref_slice %arg14[%dma_start3A_130, %dma_start3A_131] : memref<10240x128xf32, #tpu.memory_space<vmem_shared>> -> memref<10240x128xf32, #tpu.memory_space<vmem_shared>>
        tpu.enqueue_indirect_dma source(%arg10 : memref<128x128xf32, #tpu.memory_space<vmem>>) target(%dma_start3A_132 : memref<10240x128xf32, #tpu.memory_space<vmem_shared>>) offsets(%dma_start3A_129 : memref<128xi32, #tpu.memory_space<vmem>>) semaphore(%run_scoped3A_126 : memref<!tpu.dma_semaphore, #tpu.memory_space<semaphore_mem>>) {add = true}
        %dma_wait3A_133 = arith.constant 0 : i32
        %dma_wait3A_134 = tpu.memref_slice %arg12[%run_scoped3A_110, %dma_wait3A_133] : memref<1x128xi32, #tpu.memory_space<vmem>> -> memref<1x128xi32, #tpu.memory_space<vmem>>
        %dma_wait3A_135 = tpu.memref_squeeze %dma_wait3A_134 : memref<1x128xi32, #tpu.memory_space<vmem>> -> memref<128xi32, #tpu.memory_space<vmem>>
        %dma_wait3A_136 = arith.constant 0 : i32
        %dma_wait3A_137 = arith.constant 0 : i32
        %dma_wait3A_138 = tpu.memref_slice %arg14[%dma_wait3A_136, %dma_wait3A_137] : memref<10240x128xf32, #tpu.memory_space<vmem_shared>> -> memref<10240x128xf32, #tpu.memory_space<vmem_shared>>
        tpu.wait_indirect_dma semaphore(%run_scoped3A_126 : memref<!tpu.dma_semaphore, #tpu.memory_space<semaphore_mem>>) src(%arg10 : memref<128x128xf32, #tpu.memory_space<vmem>>) dst(%dma_wait3A_138 : memref<10240x128xf32, #tpu.memory_space<vmem_shared>>)
        tpu.yield
      }) : () -> ()
      %dma_wait3A_111 = arith.constant 0 : i32
      %dma_wait3A_112 = tpu.memref_slice %arg8[%add3A_77, %dma_wait3A_111] : memref<80x128xi32, #tpu.memory_space<vmem>> -> memref<1x128xi32, #tpu.memory_space<vmem>>
      %dma_wait3A_113 = tpu.memref_squeeze %dma_wait3A_112 : memref<1x128xi32, #tpu.memory_space<vmem>> -> memref<128xi32, #tpu.memory_space<vmem>>
      %dma_wait3A_114 = arith.constant 0 : i32
      %dma_wait3A_115 = arith.constant 0 : i32
      %dma_wait3A_116 = tpu.memref_slice %arg2[%dma_wait3A_114, %dma_wait3A_115] : memref<10000x128xf32, #tpu.memory_space<hbm>> -> memref<10000x128xf32, #tpu.memory_space<hbm>>
      tpu.wait_indirect_dma semaphore(%arg15 : memref<!tpu.dma_semaphore, #tpu.memory_space<semaphore_mem>>) src(%dma_wait3A_116 : memref<10000x128xf32, #tpu.memory_space<hbm>>) dst(%arg11 : memref<128x128xf32, #tpu.memory_space<vmem>>)
      %dma_wait3A_117 = arith.constant 0 : i32
      %dma_wait3A_118 = arith.constant 0 : i32
      %dma_wait3A_119 = tpu.memref_slice %arg4[%add3A_88, %dma_wait3A_117, %dma_wait3A_118] : memref<2560x1x128xi32, #tpu.memory_space<hbm>> -> memref<1x1x128xi32, #tpu.memory_space<hbm>>
      %dma_wait3A_120 = tpu.memref_squeeze %dma_wait3A_119 : memref<1x1x128xi32, #tpu.memory_space<hbm>> -> memref<1x128xi32, #tpu.memory_space<hbm>>
      %dma_wait3A_121 = arith.constant 0 : i32
      %dma_wait3A_122 = arith.constant 0 : i32
      %dma_wait3A_123 = tpu.memref_slice %arg4[%add3A_88, %dma_wait3A_121, %dma_wait3A_122] : memref<2560x1x128xi32, #tpu.memory_space<hbm>> -> memref<1x1x128xi32, #tpu.memory_space<hbm>>
      %dma_wait3A_124 = tpu.memref_squeeze %dma_wait3A_123 : memref<1x1x128xi32, #tpu.memory_space<hbm>> -> memref<1x128xi32, #tpu.memory_space<hbm>>
      tpu.wait_dma2 semaphore(%arg16 : memref<!tpu.dma_semaphore, #tpu.memory_space<semaphore_mem>>) src(%dma_wait3A_124 : memref<1x128xi32, #tpu.memory_space<hbm>>) dst(%arg13 : memref<1x128xi32, #tpu.memory_space<vmem>>)
      %run_scoped3A_125 = arith.constant 0 : i32
      "tpu.region"() ({
        %run_scoped3A_126 = tpu.sem_alloc : memref<!tpu.dma_semaphore, #tpu.memory_space<semaphore_mem>>
        %dma_start3A_127 = arith.constant 0 : i32
        %dma_start3A_128 = tpu.memref_slice %arg13[%run_scoped3A_125, %dma_start3A_127] : memref<1x128xi32, #tpu.memory_space<vmem>> -> memref<1x128xi32, #tpu.memory_space<vmem>>
        %dma_start3A_129 = tpu.memref_squeeze %dma_start3A_128 : memref<1x128xi32, #tpu.memory_space<vmem>> -> memref<128xi32, #tpu.memory_space<vmem>>
        %dma_start3A_130 = arith.constant 0 : i32
        %dma_start3A_131 = arith.constant 0 : i32
        %dma_start3A_132 = tpu.memref_slice %arg14[%dma_start3A_130, %dma_start3A_131] : memref<10240x128xf32, #tpu.memory_space<vmem_shared>> -> memref<10240x128xf32, #tpu.memory_space<vmem_shared>>
        tpu.enqueue_indirect_dma source(%arg11 : memref<128x128xf32, #tpu.memory_space<vmem>>) target(%dma_start3A_132 : memref<10240x128xf32, #tpu.memory_space<vmem_shared>>) offsets(%dma_start3A_129 : memref<128xi32, #tpu.memory_space<vmem>>) semaphore(%run_scoped3A_126 : memref<!tpu.dma_semaphore, #tpu.memory_space<semaphore_mem>>) {add = true}
        %dma_wait3A_133 = arith.constant 0 : i32
        %dma_wait3A_134 = tpu.memref_slice %arg13[%run_scoped3A_125, %dma_wait3A_133] : memref<1x128xi32, #tpu.memory_space<vmem>> -> memref<1x128xi32, #tpu.memory_space<vmem>>
        %dma_wait3A_135 = tpu.memref_squeeze %dma_wait3A_134 : memref<1x128xi32, #tpu.memory_space<vmem>> -> memref<128xi32, #tpu.memory_space<vmem>>
        %dma_wait3A_136 = arith.constant 0 : i32
        %dma_wait3A_137 = arith.constant 0 : i32
        %dma_wait3A_138 = tpu.memref_slice %arg14[%dma_wait3A_136, %dma_wait3A_137] : memref<10240x128xf32, #tpu.memory_space<vmem_shared>> -> memref<10240x128xf32, #tpu.memory_space<vmem_shared>>
        tpu.wait_indirect_dma semaphore(%run_scoped3A_126 : memref<!tpu.dma_semaphore, #tpu.memory_space<semaphore_mem>>) src(%arg11 : memref<128x128xf32, #tpu.memory_space<vmem>>) dst(%dma_wait3A_138 : memref<10240x128xf32, #tpu.memory_space<vmem_shared>>)
        tpu.yield
      }) : () -> ()
    }
    %scan3A_11 = arith.constant 40 : i32
    %barrier3A_12 = arith.constant 0 : index
    tpu.barrier barrier_id(%barrier3A_12)
    %run_scoped3A_13 = arith.constant 0 : i32
    "tpu.region"() ({
      %run_scoped3A_53 = tpu.sem_alloc : memref<!tpu.dma_semaphore, #tpu.memory_space<semaphore_mem>>
      %dma_start3A = arith.constant 0 : i32
      %dma_start3A_54 = tpu.memref_slice %arg9[%run_scoped3A_13, %dma_start3A] : memref<5x128xi32, #tpu.memory_space<vmem>> -> memref<1x128xi32, #tpu.memory_space<vmem>>
      %dma_start3A_55 = tpu.memref_squeeze %dma_start3A_54 : memref<1x128xi32, #tpu.memory_space<vmem>> -> memref<128xi32, #tpu.memory_space<vmem>>
      %dma_start3A_56 = arith.constant 0 : i32
      %dma_start3A_57 = arith.constant 0 : i32
      %dma_start3A_58 = tpu.memref_slice %arg14[%dma_start3A_56, %dma_start3A_57] : memref<10240x128xf32, #tpu.memory_space<vmem_shared>> -> memref<10240x128xf32, #tpu.memory_space<vmem_shared>>
      tpu.enqueue_indirect_dma source(%dma_start3A_58 : memref<10240x128xf32, #tpu.memory_space<vmem_shared>>) target(%arg10 : memref<128x128xf32, #tpu.memory_space<vmem>>) offsets(%dma_start3A_55 : memref<128xi32, #tpu.memory_space<vmem>>) semaphore(%run_scoped3A_53 : memref<!tpu.dma_semaphore, #tpu.memory_space<semaphore_mem>>)
      %dma_wait3A = arith.constant 0 : i32
      %dma_wait3A_59 = tpu.memref_slice %arg9[%run_scoped3A_13, %dma_wait3A] : memref<5x128xi32, #tpu.memory_space<vmem>> -> memref<1x128xi32, #tpu.memory_space<vmem>>
      %dma_wait3A_60 = tpu.memref_squeeze %dma_wait3A_59 : memref<1x128xi32, #tpu.memory_space<vmem>> -> memref<128xi32, #tpu.memory_space<vmem>>
      %dma_wait3A_61 = arith.constant 0 : i32
      %dma_wait3A_62 = arith.constant 0 : i32
      %dma_wait3A_63 = tpu.memref_slice %arg14[%dma_wait3A_61, %dma_wait3A_62] : memref<10240x128xf32, #tpu.memory_space<vmem_shared>> -> memref<10240x128xf32, #tpu.memory_space<vmem_shared>>
      tpu.wait_indirect_dma semaphore(%run_scoped3A_53 : memref<!tpu.dma_semaphore, #tpu.memory_space<semaphore_mem>>) src(%dma_wait3A_63 : memref<10240x128xf32, #tpu.memory_space<vmem_shared>>) dst(%arg10 : memref<128x128xf32, #tpu.memory_space<vmem>>)
      tpu.yield
    }) : () -> ()
    %mul3A_14 = arith.constant 10240 : i32
    %mul3A_15 = arith.muli %arg0, %mul3A_14 : i32
    %mul3A_16 = arith.constant 640 : i32
    %mul3A_17 = arith.muli %arg1, %mul3A_16 : i32
    %add3A_18 = arith.addi %mul3A_15, %mul3A_17 : i32
    %add3A_19 = arith.constant 0 : i32
    %add3A_20 = arith.addi %add3A_18, %add3A_19 : i32
    "tpu.region"() ({
      %run_scoped3A_53 = tpu.sem_alloc : memref<!tpu.dma_semaphore, #tpu.memory_space<semaphore_mem>>
      %dma_start3A = arith.constant 0 : i32
      %dma_start3A_54 = tpu.memref_slice %arg7[%add3A_20, %dma_start3A] : memref<20480x128xf32, #tpu.memory_space<hbm>> -> memref<128x128xf32, #tpu.memory_space<hbm>>
      %dma_start3A_55 = arith.constant 0 : i32
      %dma_start3A_56 = tpu.memref_slice %arg7[%add3A_20, %dma_start3A_55] : memref<20480x128xf32, #tpu.memory_space<hbm>> -> memref<128x128xf32, #tpu.memory_space<hbm>>
      tpu.enqueue_dma source(%arg10 : memref<128x128xf32, #tpu.memory_space<vmem>>) target(%dma_start3A_56 : memref<128x128xf32, #tpu.memory_space<hbm>>) target_semaphore(%run_scoped3A_53 : memref<!tpu.dma_semaphore, #tpu.memory_space<semaphore_mem>>)
      %dma_wait3A = arith.constant 0 : i32
      %dma_wait3A_57 = tpu.memref_slice %arg7[%add3A_20, %dma_wait3A] : memref<20480x128xf32, #tpu.memory_space<hbm>> -> memref<128x128xf32, #tpu.memory_space<hbm>>
      %dma_wait3A_58 = arith.constant 0 : i32
      %dma_wait3A_59 = tpu.memref_slice %arg7[%add3A_20, %dma_wait3A_58] : memref<20480x128xf32, #tpu.memory_space<hbm>> -> memref<128x128xf32, #tpu.memory_space<hbm>>
      tpu.wait_dma2 semaphore(%run_scoped3A_53 : memref<!tpu.dma_semaphore, #tpu.memory_space<semaphore_mem>>) src(%arg10 : memref<128x128xf32, #tpu.memory_space<vmem>>) dst(%dma_wait3A_59 : memref<128x128xf32, #tpu.memory_space<hbm>>)
      tpu.yield
    }) : () -> ()
    %run_scoped3A_21 = arith.constant 1 : i32
    "tpu.region"() ({
      %run_scoped3A_53 = tpu.sem_alloc : memref<!tpu.dma_semaphore, #tpu.memory_space<semaphore_mem>>
      %dma_start3A = arith.constant 0 : i32
      %dma_start3A_54 = tpu.memref_slice %arg9[%run_scoped3A_21, %dma_start3A] : memref<5x128xi32, #tpu.memory_space<vmem>> -> memref<1x128xi32, #tpu.memory_space<vmem>>
      %dma_start3A_55 = tpu.memref_squeeze %dma_start3A_54 : memref<1x128xi32, #tpu.memory_space<vmem>> -> memref<128xi32, #tpu.memory_space<vmem>>
      %dma_start3A_56 = arith.constant 0 : i32
      %dma_start3A_57 = arith.constant 0 : i32
      %dma_start3A_58 = tpu.memref_slice %arg14[%dma_start3A_56, %dma_start3A_57] : memref<10240x128xf32, #tpu.memory_space<vmem_shared>> -> memref<10240x128xf32, #tpu.memory_space<vmem_shared>>
      tpu.enqueue_indirect_dma source(%dma_start3A_58 : memref<10240x128xf32, #tpu.memory_space<vmem_shared>>) target(%arg11 : memref<128x128xf32, #tpu.memory_space<vmem>>) offsets(%dma_start3A_55 : memref<128xi32, #tpu.memory_space<vmem>>) semaphore(%run_scoped3A_53 : memref<!tpu.dma_semaphore, #tpu.memory_space<semaphore_mem>>)
      %dma_wait3A = arith.constant 0 : i32
      %dma_wait3A_59 = tpu.memref_slice %arg9[%run_scoped3A_21, %dma_wait3A] : memref<5x128xi32, #tpu.memory_space<vmem>> -> memref<1x128xi32, #tpu.memory_space<vmem>>
      %dma_wait3A_60 = tpu.memref_squeeze %dma_wait3A_59 : memref<1x128xi32, #tpu.memory_space<vmem>> -> memref<128xi32, #tpu.memory_space<vmem>>
      %dma_wait3A_61 = arith.constant 0 : i32
      %dma_wait3A_62 = arith.constant 0 : i32
      %dma_wait3A_63 = tpu.memref_slice %arg14[%dma_wait3A_61, %dma_wait3A_62] : memref<10240x128xf32, #tpu.memory_space<vmem_shared>> -> memref<10240x128xf32, #tpu.memory_space<vmem_shared>>
      tpu.wait_indirect_dma semaphore(%run_scoped3A_53 : memref<!tpu.dma_semaphore, #tpu.memory_space<semaphore_mem>>) src(%dma_wait3A_63 : memref<10240x128xf32, #tpu.memory_space<vmem_shared>>) dst(%arg11 : memref<128x128xf32, #tpu.memory_space<vmem>>)
      tpu.yield
    }) : () -> ()
    %mul3A_22 = arith.constant 10240 : i32
    %mul3A_23 = arith.muli %arg0, %mul3A_22 : i32
    %mul3A_24 = arith.constant 640 : i32
    %mul3A_25 = arith.muli %arg1, %mul3A_24 : i32
    %add3A_26 = arith.addi %mul3A_23, %mul3A_25 : i32
    %add3A_27 = arith.constant 128 : i32
    %add3A_28 = arith.addi %add3A_26, %add3A_27 : i32
    "tpu.region"() ({
      %run_scoped3A_53 = tpu.sem_alloc : memref<!tpu.dma_semaphore, #tpu.memory_space<semaphore_mem>>
      %dma_start3A = arith.constant 0 : i32
      %dma_start3A_54 = tpu.memref_slice %arg7[%add3A_28, %dma_start3A] : memref<20480x128xf32, #tpu.memory_space<hbm>> -> memref<128x128xf32, #tpu.memory_space<hbm>>
      %dma_start3A_55 = arith.constant 0 : i32
      %dma_start3A_56 = tpu.memref_slice %arg7[%add3A_28, %dma_start3A_55] : memref<20480x128xf32, #tpu.memory_space<hbm>> -> memref<128x128xf32, #tpu.memory_space<hbm>>
      tpu.enqueue_dma source(%arg11 : memref<128x128xf32, #tpu.memory_space<vmem>>) target(%dma_start3A_56 : memref<128x128xf32, #tpu.memory_space<hbm>>) target_semaphore(%run_scoped3A_53 : memref<!tpu.dma_semaphore, #tpu.memory_space<semaphore_mem>>)
      %dma_wait3A = arith.constant 0 : i32
      %dma_wait3A_57 = tpu.memref_slice %arg7[%add3A_28, %dma_wait3A] : memref<20480x128xf32, #tpu.memory_space<hbm>> -> memref<128x128xf32, #tpu.memory_space<hbm>>
      %dma_wait3A_58 = arith.constant 0 : i32
      %dma_wait3A_59 = tpu.memref_slice %arg7[%add3A_28, %dma_wait3A_58] : memref<20480x128xf32, #tpu.memory_space<hbm>> -> memref<128x128xf32, #tpu.memory_space<hbm>>
      tpu.wait_dma2 semaphore(%run_scoped3A_53 : memref<!tpu.dma_semaphore, #tpu.memory_space<semaphore_mem>>) src(%arg11 : memref<128x128xf32, #tpu.memory_space<vmem>>) dst(%dma_wait3A_59 : memref<128x128xf32, #tpu.memory_space<hbm>>)
      tpu.yield
    }) : () -> ()
    %run_scoped3A_29 = arith.constant 2 : i32
    "tpu.region"() ({
      %run_scoped3A_53 = tpu.sem_alloc : memref<!tpu.dma_semaphore, #tpu.memory_space<semaphore_mem>>
      %dma_start3A = arith.constant 0 : i32
      %dma_start3A_54 = tpu.memref_slice %arg9[%run_scoped3A_29, %dma_start3A] : memref<5x128xi32, #tpu.memory_space<vmem>> -> memref<1x128xi32, #tpu.memory_space<vmem>>
      %dma_start3A_55 = tpu.memref_squeeze %dma_start3A_54 : memref<1x128xi32, #tpu.memory_space<vmem>> -> memref<128xi32, #tpu.memory_space<vmem>>
      %dma_start3A_56 = arith.constant 0 : i32
      %dma_start3A_57 = arith.constant 0 : i32
      %dma_start3A_58 = tpu.memref_slice %arg14[%dma_start3A_56, %dma_start3A_57] : memref<10240x128xf32, #tpu.memory_space<vmem_shared>> -> memref<10240x128xf32, #tpu.memory_space<vmem_shared>>
      tpu.enqueue_indirect_dma source(%dma_start3A_58 : memref<10240x128xf32, #tpu.memory_space<vmem_shared>>) target(%arg10 : memref<128x128xf32, #tpu.memory_space<vmem>>) offsets(%dma_start3A_55 : memref<128xi32, #tpu.memory_space<vmem>>) semaphore(%run_scoped3A_53 : memref<!tpu.dma_semaphore, #tpu.memory_space<semaphore_mem>>)
      %dma_wait3A = arith.constant 0 : i32
      %dma_wait3A_59 = tpu.memref_slice %arg9[%run_scoped3A_29, %dma_wait3A] : memref<5x128xi32, #tpu.memory_space<vmem>> -> memref<1x128xi32, #tpu.memory_space<vmem>>
      %dma_wait3A_60 = tpu.memref_squeeze %dma_wait3A_59 : memref<1x128xi32, #tpu.memory_space<vmem>> -> memref<128xi32, #tpu.memory_space<vmem>>
      %dma_wait3A_61 = arith.constant 0 : i32
      %dma_wait3A_62 = arith.constant 0 : i32
      %dma_wait3A_63 = tpu.memref_slice %arg14[%dma_wait3A_61, %dma_wait3A_62] : memref<10240x128xf32, #tpu.memory_space<vmem_shared>> -> memref<10240x128xf32, #tpu.memory_space<vmem_shared>>
      tpu.wait_indirect_dma semaphore(%run_scoped3A_53 : memref<!tpu.dma_semaphore, #tpu.memory_space<semaphore_mem>>) src(%dma_wait3A_63 : memref<10240x128xf32, #tpu.memory_space<vmem_shared>>) dst(%arg10 : memref<128x128xf32, #tpu.memory_space<vmem>>)
      tpu.yield
    }) : () -> ()
    %mul3A_30 = arith.constant 10240 : i32
    %mul3A_31 = arith.muli %arg0, %mul3A_30 : i32
    %mul3A_32 = arith.constant 640 : i32
    %mul3A_33 = arith.muli %arg1, %mul3A_32 : i32
    %add3A_34 = arith.addi %mul3A_31, %mul3A_33 : i32
    %add3A_35 = arith.constant 256 : i32
    %add3A_36 = arith.addi %add3A_34, %add3A_35 : i32
    "tpu.region"() ({
      %run_scoped3A_53 = tpu.sem_alloc : memref<!tpu.dma_semaphore, #tpu.memory_space<semaphore_mem>>
      %dma_start3A = arith.constant 0 : i32
      %dma_start3A_54 = tpu.memref_slice %arg7[%add3A_36, %dma_start3A] : memref<20480x128xf32, #tpu.memory_space<hbm>> -> memref<128x128xf32, #tpu.memory_space<hbm>>
      %dma_start3A_55 = arith.constant 0 : i32
      %dma_start3A_56 = tpu.memref_slice %arg7[%add3A_36, %dma_start3A_55] : memref<20480x128xf32, #tpu.memory_space<hbm>> -> memref<128x128xf32, #tpu.memory_space<hbm>>
      tpu.enqueue_dma source(%arg10 : memref<128x128xf32, #tpu.memory_space<vmem>>) target(%dma_start3A_56 : memref<128x128xf32, #tpu.memory_space<hbm>>) target_semaphore(%run_scoped3A_53 : memref<!tpu.dma_semaphore, #tpu.memory_space<semaphore_mem>>)
      %dma_wait3A = arith.constant 0 : i32
      %dma_wait3A_57 = tpu.memref_slice %arg7[%add3A_36, %dma_wait3A] : memref<20480x128xf32, #tpu.memory_space<hbm>> -> memref<128x128xf32, #tpu.memory_space<hbm>>
      %dma_wait3A_58 = arith.constant 0 : i32
      %dma_wait3A_59 = tpu.memref_slice %arg7[%add3A_36, %dma_wait3A_58] : memref<20480x128xf32, #tpu.memory_space<hbm>> -> memref<128x128xf32, #tpu.memory_space<hbm>>
      tpu.wait_dma2 semaphore(%run_scoped3A_53 : memref<!tpu.dma_semaphore, #tpu.memory_space<semaphore_mem>>) src(%arg10 : memref<128x128xf32, #tpu.memory_space<vmem>>) dst(%dma_wait3A_59 : memref<128x128xf32, #tpu.memory_space<hbm>>)
      tpu.yield
    }) : () -> ()
    %run_scoped3A_37 = arith.constant 3 : i32
    "tpu.region"() ({
      %run_scoped3A_53 = tpu.sem_alloc : memref<!tpu.dma_semaphore, #tpu.memory_space<semaphore_mem>>
      %dma_start3A = arith.constant 0 : i32
      %dma_start3A_54 = tpu.memref_slice %arg9[%run_scoped3A_37, %dma_start3A] : memref<5x128xi32, #tpu.memory_space<vmem>> -> memref<1x128xi32, #tpu.memory_space<vmem>>
      %dma_start3A_55 = tpu.memref_squeeze %dma_start3A_54 : memref<1x128xi32, #tpu.memory_space<vmem>> -> memref<128xi32, #tpu.memory_space<vmem>>
      %dma_start3A_56 = arith.constant 0 : i32
      %dma_start3A_57 = arith.constant 0 : i32
      %dma_start3A_58 = tpu.memref_slice %arg14[%dma_start3A_56, %dma_start3A_57] : memref<10240x128xf32, #tpu.memory_space<vmem_shared>> -> memref<10240x128xf32, #tpu.memory_space<vmem_shared>>
      tpu.enqueue_indirect_dma source(%dma_start3A_58 : memref<10240x128xf32, #tpu.memory_space<vmem_shared>>) target(%arg11 : memref<128x128xf32, #tpu.memory_space<vmem>>) offsets(%dma_start3A_55 : memref<128xi32, #tpu.memory_space<vmem>>) semaphore(%run_scoped3A_53 : memref<!tpu.dma_semaphore, #tpu.memory_space<semaphore_mem>>)
      %dma_wait3A = arith.constant 0 : i32
      %dma_wait3A_59 = tpu.memref_slice %arg9[%run_scoped3A_37, %dma_wait3A] : memref<5x128xi32, #tpu.memory_space<vmem>> -> memref<1x128xi32, #tpu.memory_space<vmem>>
      %dma_wait3A_60 = tpu.memref_squeeze %dma_wait3A_59 : memref<1x128xi32, #tpu.memory_space<vmem>> -> memref<128xi32, #tpu.memory_space<vmem>>
      %dma_wait3A_61 = arith.constant 0 : i32
      %dma_wait3A_62 = arith.constant 0 : i32
      %dma_wait3A_63 = tpu.memref_slice %arg14[%dma_wait3A_61, %dma_wait3A_62] : memref<10240x128xf32, #tpu.memory_space<vmem_shared>> -> memref<10240x128xf32, #tpu.memory_space<vmem_shared>>
      tpu.wait_indirect_dma semaphore(%run_scoped3A_53 : memref<!tpu.dma_semaphore, #tpu.memory_space<semaphore_mem>>) src(%dma_wait3A_63 : memref<10240x128xf32, #tpu.memory_space<vmem_shared>>) dst(%arg11 : memref<128x128xf32, #tpu.memory_space<vmem>>)
      tpu.yield
    }) : () -> ()
    %mul3A_38 = arith.constant 10240 : i32
    %mul3A_39 = arith.muli %arg0, %mul3A_38 : i32
    %mul3A_40 = arith.constant 640 : i32
    %mul3A_41 = arith.muli %arg1, %mul3A_40 : i32
    %add3A_42 = arith.addi %mul3A_39, %mul3A_41 : i32
    %add3A_43 = arith.constant 384 : i32
    %add3A_44 = arith.addi %add3A_42, %add3A_43 : i32
    "tpu.region"() ({
      %run_scoped3A_53 = tpu.sem_alloc : memref<!tpu.dma_semaphore, #tpu.memory_space<semaphore_mem>>
      %dma_start3A = arith.constant 0 : i32
      %dma_start3A_54 = tpu.memref_slice %arg7[%add3A_44, %dma_start3A] : memref<20480x128xf32, #tpu.memory_space<hbm>> -> memref<128x128xf32, #tpu.memory_space<hbm>>
      %dma_start3A_55 = arith.constant 0 : i32
      %dma_start3A_56 = tpu.memref_slice %arg7[%add3A_44, %dma_start3A_55] : memref<20480x128xf32, #tpu.memory_space<hbm>> -> memref<128x128xf32, #tpu.memory_space<hbm>>
      tpu.enqueue_dma source(%arg11 : memref<128x128xf32, #tpu.memory_space<vmem>>) target(%dma_start3A_56 : memref<128x128xf32, #tpu.memory_space<hbm>>) target_semaphore(%run_scoped3A_53 : memref<!tpu.dma_semaphore, #tpu.memory_space<semaphore_mem>>)
      %dma_wait3A = arith.constant 0 : i32
      %dma_wait3A_57 = tpu.memref_slice %arg7[%add3A_44, %dma_wait3A] : memref<20480x128xf32, #tpu.memory_space<hbm>> -> memref<128x128xf32, #tpu.memory_space<hbm>>
      %dma_wait3A_58 = arith.constant 0 : i32
      %dma_wait3A_59 = tpu.memref_slice %arg7[%add3A_44, %dma_wait3A_58] : memref<20480x128xf32, #tpu.memory_space<hbm>> -> memref<128x128xf32, #tpu.memory_space<hbm>>
      tpu.wait_dma2 semaphore(%run_scoped3A_53 : memref<!tpu.dma_semaphore, #tpu.memory_space<semaphore_mem>>) src(%arg11 : memref<128x128xf32, #tpu.memory_space<vmem>>) dst(%dma_wait3A_59 : memref<128x128xf32, #tpu.memory_space<hbm>>)
      tpu.yield
    }) : () -> ()
    %run_scoped3A_45 = arith.constant 4 : i32
    "tpu.region"() ({
      %run_scoped3A_53 = tpu.sem_alloc : memref<!tpu.dma_semaphore, #tpu.memory_space<semaphore_mem>>
      %dma_start3A = arith.constant 0 : i32
      %dma_start3A_54 = tpu.memref_slice %arg9[%run_scoped3A_45, %dma_start3A] : memref<5x128xi32, #tpu.memory_space<vmem>> -> memref<1x128xi32, #tpu.memory_space<vmem>>
      %dma_start3A_55 = tpu.memref_squeeze %dma_start3A_54 : memref<1x128xi32, #tpu.memory_space<vmem>> -> memref<128xi32, #tpu.memory_space<vmem>>
      %dma_start3A_56 = arith.constant 0 : i32
      %dma_start3A_57 = arith.constant 0 : i32
      %dma_start3A_58 = tpu.memref_slice %arg14[%dma_start3A_56, %dma_start3A_57] : memref<10240x128xf32, #tpu.memory_space<vmem_shared>> -> memref<10240x128xf32, #tpu.memory_space<vmem_shared>>
      tpu.enqueue_indirect_dma source(%dma_start3A_58 : memref<10240x128xf32, #tpu.memory_space<vmem_shared>>) target(%arg10 : memref<128x128xf32, #tpu.memory_space<vmem>>) offsets(%dma_start3A_55 : memref<128xi32, #tpu.memory_space<vmem>>) semaphore(%run_scoped3A_53 : memref<!tpu.dma_semaphore, #tpu.memory_space<semaphore_mem>>)
      %dma_wait3A = arith.constant 0 : i32
      %dma_wait3A_59 = tpu.memref_slice %arg9[%run_scoped3A_45, %dma_wait3A] : memref<5x128xi32, #tpu.memory_space<vmem>> -> memref<1x128xi32, #tpu.memory_space<vmem>>
      %dma_wait3A_60 = tpu.memref_squeeze %dma_wait3A_59 : memref<1x128xi32, #tpu.memory_space<vmem>> -> memref<128xi32, #tpu.memory_space<vmem>>
      %dma_wait3A_61 = arith.constant 0 : i32
      %dma_wait3A_62 = arith.constant 0 : i32
      %dma_wait3A_63 = tpu.memref_slice %arg14[%dma_wait3A_61, %dma_wait3A_62] : memref<10240x128xf32, #tpu.memory_space<vmem_shared>> -> memref<10240x128xf32, #tpu.memory_space<vmem_shared>>
      tpu.wait_indirect_dma semaphore(%run_scoped3A_53 : memref<!tpu.dma_semaphore, #tpu.memory_space<semaphore_mem>>) src(%dma_wait3A_63 : memref<10240x128xf32, #tpu.memory_space<vmem_shared>>) dst(%arg10 : memref<128x128xf32, #tpu.memory_space<vmem>>)
      tpu.yield
    }) : () -> ()
    %mul3A_46 = arith.constant 10240 : i32
    %mul3A_47 = arith.muli %arg0, %mul3A_46 : i32
    %mul3A_48 = arith.constant 640 : i32
    %mul3A_49 = arith.muli %arg1, %mul3A_48 : i32
    %add3A_50 = arith.addi %mul3A_47, %mul3A_49 : i32
    %add3A_51 = arith.constant 512 : i32
    %add3A_52 = arith.addi %add3A_50, %add3A_51 : i32
    "tpu.region"() ({
      %run_scoped3A_53 = tpu.sem_alloc : memref<!tpu.dma_semaphore, #tpu.memory_space<semaphore_mem>>
      %dma_start3A = arith.constant 0 : i32
      %dma_start3A_54 = tpu.memref_slice %arg7[%add3A_52, %dma_start3A] : memref<20480x128xf32, #tpu.memory_space<hbm>> -> memref<128x128xf32, #tpu.memory_space<hbm>>
      %dma_start3A_55 = arith.constant 0 : i32
      %dma_start3A_56 = tpu.memref_slice %arg7[%add3A_52, %dma_start3A_55] : memref<20480x128xf32, #tpu.memory_space<hbm>> -> memref<128x128xf32, #tpu.memory_space<hbm>>
      tpu.enqueue_dma source(%arg10 : memref<128x128xf32, #tpu.memory_space<vmem>>) target(%dma_start3A_56 : memref<128x128xf32, #tpu.memory_space<hbm>>) target_semaphore(%run_scoped3A_53 : memref<!tpu.dma_semaphore, #tpu.memory_space<semaphore_mem>>)
      %dma_wait3A = arith.constant 0 : i32
      %dma_wait3A_57 = tpu.memref_slice %arg7[%add3A_52, %dma_wait3A] : memref<20480x128xf32, #tpu.memory_space<hbm>> -> memref<128x128xf32, #tpu.memory_space<hbm>>
      %dma_wait3A_58 = arith.constant 0 : i32
      %dma_wait3A_59 = tpu.memref_slice %arg7[%add3A_52, %dma_wait3A_58] : memref<20480x128xf32, #tpu.memory_space<hbm>> -> memref<128x128xf32, #tpu.memory_space<hbm>>
      tpu.wait_dma2 semaphore(%run_scoped3A_53 : memref<!tpu.dma_semaphore, #tpu.memory_space<semaphore_mem>>) src(%arg10 : memref<128x128xf32, #tpu.memory_space<vmem>>) dst(%dma_wait3A_59 : memref<128x128xf32, #tpu.memory_space<hbm>>)
      tpu.yield
    }) : () -> ()
    return
  }
}

#map = affine_map<(d0, d1) -> (0, 0)>
#map1 = affine_map<(d0, d1) -> (0, 0, 0)>
module attributes {stable_mosaic.version = 14 : i64} {
  func.func @_sc_layer_body(%arg0: i32, %arg1: i32, %arg2: memref<10000x128xf32, #tpu.memory_space<hbm>>, %arg3: memref<2560x128xi32, #tpu.memory_space<hbm>>, %arg4: memref<2560x1x128xi32, #tpu.memory_space<hbm>>, %arg5: memref<128x128xf32, #tpu.memory_space<hbm>>, %arg6: memref<16x5x128xi32, #tpu.memory_space<hbm>>, %arg7: memref<20480x128xf32, #tpu.memory_space<hbm>>, %arg8: memref<80x128xi32, #tpu.memory_space<vmem>>, %arg9: memref<5x128xi32, #tpu.memory_space<vmem>>, %arg10: memref<128x128xf32, #tpu.memory_space<vmem>>, %arg11: memref<128x128xf32, #tpu.memory_space<vmem>>, %arg12: memref<1x128xi32, #tpu.memory_space<vmem>>, %arg13: memref<1x128xi32, #tpu.memory_space<vmem>>, %arg14: memref<10240x128xf32, #tpu.memory_space<vmem_shared>>, %arg15: memref<!tpu.dma_semaphore, #tpu.memory_space<semaphore_mem>>, %arg16: memref<!tpu.dma_semaphore, #tpu.memory_space<semaphore_mem>>) attributes {dimension_semantics = [#tpu.dimension_semantics<core_parallel>, #tpu.dimension_semantics<subcore_parallel>], iteration_bounds = array<i64: 2, 16>, scalar_prefetch = 0 : i64, scratch_operands = 9 : i64, tpu.core_type = #tpu.core_type<sc_vector_subcore>, window_params = [{transform_indices = #map}, {transform_indices = #map}, {transform_indices = #map1}, {transform_indices = #map}, {transform_indices = #map1}, {transform_indices = #map}]} {
    %mul3A = arith.constant 2 : i32
    %mul3A_0 = arith.muli %arg1, %mul3A : i32
    %add3A = arith.addi %mul3A_0, %arg0 : i32
    %mul3A_1 = arith.constant 80 : i32
    %mul3A_2 = arith.muli %add3A, %mul3A_1 : i32
    "tpu.region"() ({
      %run_scoped3A_53 = tpu.sem_alloc : memref<!tpu.dma_semaphore, #tpu.memory_space<semaphore_mem>>
      %dma_start3A = arith.constant 0 : i32
      %dma_start3A_54 = tpu.memref_slice %arg3[%mul3A_2, %dma_start3A] : memref<2560x128xi32, #tpu.memory_space<hbm>> -> memref<80x128xi32, #tpu.memory_space<hbm>>
      %dma_start3A_55 = arith.constant 0 : i32
      %dma_start3A_56 = tpu.memref_slice %arg3[%mul3A_2, %dma_start3A_55] : memref<2560x128xi32, #tpu.memory_space<hbm>> -> memref<80x128xi32, #tpu.memory_space<hbm>>
      tpu.enqueue_dma source(%dma_start3A_56 : memref<80x128xi32, #tpu.memory_space<hbm>>) target(%arg8 : memref<80x128xi32, #tpu.memory_space<vmem>>) target_semaphore(%run_scoped3A_53 : memref<!tpu.dma_semaphore, #tpu.memory_space<semaphore_mem>>)
      %dma_wait3A = arith.constant 0 : i32
      %dma_wait3A_57 = tpu.memref_slice %arg3[%mul3A_2, %dma_wait3A] : memref<2560x128xi32, #tpu.memory_space<hbm>> -> memref<80x128xi32, #tpu.memory_space<hbm>>
      %dma_wait3A_58 = arith.constant 0 : i32
      %dma_wait3A_59 = tpu.memref_slice %arg3[%mul3A_2, %dma_wait3A_58] : memref<2560x128xi32, #tpu.memory_space<hbm>> -> memref<80x128xi32, #tpu.memory_space<hbm>>
      tpu.wait_dma2 semaphore(%run_scoped3A_53 : memref<!tpu.dma_semaphore, #tpu.memory_space<semaphore_mem>>) src(%dma_wait3A_59 : memref<80x128xi32, #tpu.memory_space<hbm>>) dst(%arg8 : memref<80x128xi32, #tpu.memory_space<vmem>>)
      tpu.yield
    }) : () -> ()
    "tpu.region"() ({
      %run_scoped3A_53 = tpu.sem_alloc : memref<!tpu.dma_semaphore, #tpu.memory_space<semaphore_mem>>
      %dma_start3A = arith.constant 0 : i32
      %dma_start3A_54 = arith.constant 0 : i32
      %dma_start3A_55 = tpu.memref_slice %arg6[%arg1, %dma_start3A, %dma_start3A_54] : memref<16x5x128xi32, #tpu.memory_space<hbm>> -> memref<1x5x128xi32, #tpu.memory_space<hbm>>
      %dma_start3A_56 = tpu.memref_squeeze %dma_start3A_55 : memref<1x5x128xi32, #tpu.memory_space<hbm>> -> memref<5x128xi32, #tpu.memory_space<hbm>>
      %dma_start3A_57 = arith.constant 0 : i32
      %dma_start3A_58 = arith.constant 0 : i32
      %dma_start3A_59 = tpu.memref_slice %arg6[%arg1, %dma_start3A_57, %dma_start3A_58] : memref<16x5x128xi32, #tpu.memory_space<hbm>> -> memref<1x5x128xi32, #tpu.memory_space<hbm>>
      %dma_start3A_60 = tpu.memref_squeeze %dma_start3A_59 : memref<1x5x128xi32, #tpu.memory_space<hbm>> -> memref<5x128xi32, #tpu.memory_space<hbm>>
      tpu.enqueue_dma source(%dma_start3A_60 : memref<5x128xi32, #tpu.memory_space<hbm>>) target(%arg9 : memref<5x128xi32, #tpu.memory_space<vmem>>) target_semaphore(%run_scoped3A_53 : memref<!tpu.dma_semaphore, #tpu.memory_space<semaphore_mem>>)
      %dma_wait3A = arith.constant 0 : i32
      %dma_wait3A_61 = arith.constant 0 : i32
      %dma_wait3A_62 = tpu.memref_slice %arg6[%arg1, %dma_wait3A, %dma_wait3A_61] : memref<16x5x128xi32, #tpu.memory_space<hbm>> -> memref<1x5x128xi32, #tpu.memory_space<hbm>>
      %dma_wait3A_63 = tpu.memref_squeeze %dma_wait3A_62 : memref<1x5x128xi32, #tpu.memory_space<hbm>> -> memref<5x128xi32, #tpu.memory_space<hbm>>
      %dma_wait3A_64 = arith.constant 0 : i32
      %dma_wait3A_65 = arith.constant 0 : i32
      %dma_wait3A_66 = tpu.memref_slice %arg6[%arg1, %dma_wait3A_64, %dma_wait3A_65] : memref<16x5x128xi32, #tpu.memory_space<hbm>> -> memref<1x5x128xi32, #tpu.memory_space<hbm>>
      %dma_wait3A_67 = tpu.memref_squeeze %dma_wait3A_66 : memref<1x5x128xi32, #tpu.memory_space<hbm>> -> memref<5x128xi32, #tpu.memory_space<hbm>>
      tpu.wait_dma2 semaphore(%run_scoped3A_53 : memref<!tpu.dma_semaphore, #tpu.memory_space<semaphore_mem>>) src(%dma_wait3A_67 : memref<5x128xi32, #tpu.memory_space<hbm>>) dst(%arg9 : memref<5x128xi32, #tpu.memory_space<vmem>>)
      tpu.yield
    }) : () -> ()
    "tpu.region"() ({
      %run_scoped3A_53 = tpu.sem_alloc : memref<!tpu.dma_semaphore, #tpu.memory_space<semaphore_mem>>
      tpu.enqueue_dma source(%arg5 : memref<128x128xf32, #tpu.memory_space<hbm>>) target(%arg10 : memref<128x128xf32, #tpu.memory_space<vmem>>) target_semaphore(%run_scoped3A_53 : memref<!tpu.dma_semaphore, #tpu.memory_space<semaphore_mem>>)
      tpu.wait_dma2 semaphore(%run_scoped3A_53 : memref<!tpu.dma_semaphore, #tpu.memory_space<semaphore_mem>>) src(%arg5 : memref<128x128xf32, #tpu.memory_space<hbm>>) dst(%arg10 : memref<128x128xf32, #tpu.memory_space<vmem>>)
      tpu.yield
    }) : () -> ()
    %run_scoped3A = arith.constant 0 : i32
    "tpu.region"() ({
      %run_scoped3A_53 = tpu.sem_alloc : memref<!tpu.dma_semaphore, #tpu.memory_space<semaphore_mem>>
      %dma_start3A = arith.constant 0 : i32
      %dma_start3A_54 = tpu.memref_slice %arg9[%run_scoped3A, %dma_start3A] : memref<5x128xi32, #tpu.memory_space<vmem>> -> memref<1x128xi32, #tpu.memory_space<vmem>>
      %dma_start3A_55 = tpu.memref_squeeze %dma_start3A_54 : memref<1x128xi32, #tpu.memory_space<vmem>> -> memref<128xi32, #tpu.memory_space<vmem>>
      %dma_start3A_56 = arith.constant 0 : i32
      %dma_start3A_57 = arith.constant 0 : i32
      %dma_start3A_58 = tpu.memref_slice %arg14[%dma_start3A_56, %dma_start3A_57] : memref<10240x128xf32, #tpu.memory_space<vmem_shared>> -> memref<10240x128xf32, #tpu.memory_space<vmem_shared>>
      tpu.enqueue_indirect_dma source(%arg10 : memref<128x128xf32, #tpu.memory_space<vmem>>) target(%dma_start3A_58 : memref<10240x128xf32, #tpu.memory_space<vmem_shared>>) offsets(%dma_start3A_55 : memref<128xi32, #tpu.memory_space<vmem>>) semaphore(%run_scoped3A_53 : memref<!tpu.dma_semaphore, #tpu.memory_space<semaphore_mem>>)
      %dma_wait3A = arith.constant 0 : i32
      %dma_wait3A_59 = tpu.memref_slice %arg9[%run_scoped3A, %dma_wait3A] : memref<5x128xi32, #tpu.memory_space<vmem>> -> memref<1x128xi32, #tpu.memory_space<vmem>>
      %dma_wait3A_60 = tpu.memref_squeeze %dma_wait3A_59 : memref<1x128xi32, #tpu.memory_space<vmem>> -> memref<128xi32, #tpu.memory_space<vmem>>
      %dma_wait3A_61 = arith.constant 0 : i32
      %dma_wait3A_62 = arith.constant 0 : i32
      %dma_wait3A_63 = tpu.memref_slice %arg14[%dma_wait3A_61, %dma_wait3A_62] : memref<10240x128xf32, #tpu.memory_space<vmem_shared>> -> memref<10240x128xf32, #tpu.memory_space<vmem_shared>>
      tpu.wait_indirect_dma semaphore(%run_scoped3A_53 : memref<!tpu.dma_semaphore, #tpu.memory_space<semaphore_mem>>) src(%arg10 : memref<128x128xf32, #tpu.memory_space<vmem>>) dst(%dma_wait3A_63 : memref<10240x128xf32, #tpu.memory_space<vmem_shared>>)
      tpu.yield
    }) : () -> ()
    %run_scoped3A_3 = arith.constant 1 : i32
    "tpu.region"() ({
      %run_scoped3A_53 = tpu.sem_alloc : memref<!tpu.dma_semaphore, #tpu.memory_space<semaphore_mem>>
      %dma_start3A = arith.constant 0 : i32
      %dma_start3A_54 = tpu.memref_slice %arg9[%run_scoped3A_3, %dma_start3A] : memref<5x128xi32, #tpu.memory_space<vmem>> -> memref<1x128xi32, #tpu.memory_space<vmem>>
      %dma_start3A_55 = tpu.memref_squeeze %dma_start3A_54 : memref<1x128xi32, #tpu.memory_space<vmem>> -> memref<128xi32, #tpu.memory_space<vmem>>
      %dma_start3A_56 = arith.constant 0 : i32
      %dma_start3A_57 = arith.constant 0 : i32
      %dma_start3A_58 = tpu.memref_slice %arg14[%dma_start3A_56, %dma_start3A_57] : memref<10240x128xf32, #tpu.memory_space<vmem_shared>> -> memref<10240x128xf32, #tpu.memory_space<vmem_shared>>
      tpu.enqueue_indirect_dma source(%arg10 : memref<128x128xf32, #tpu.memory_space<vmem>>) target(%dma_start3A_58 : memref<10240x128xf32, #tpu.memory_space<vmem_shared>>) offsets(%dma_start3A_55 : memref<128xi32, #tpu.memory_space<vmem>>) semaphore(%run_scoped3A_53 : memref<!tpu.dma_semaphore, #tpu.memory_space<semaphore_mem>>)
      %dma_wait3A = arith.constant 0 : i32
      %dma_wait3A_59 = tpu.memref_slice %arg9[%run_scoped3A_3, %dma_wait3A] : memref<5x128xi32, #tpu.memory_space<vmem>> -> memref<1x128xi32, #tpu.memory_space<vmem>>
      %dma_wait3A_60 = tpu.memref_squeeze %dma_wait3A_59 : memref<1x128xi32, #tpu.memory_space<vmem>> -> memref<128xi32, #tpu.memory_space<vmem>>
      %dma_wait3A_61 = arith.constant 0 : i32
      %dma_wait3A_62 = arith.constant 0 : i32
      %dma_wait3A_63 = tpu.memref_slice %arg14[%dma_wait3A_61, %dma_wait3A_62] : memref<10240x128xf32, #tpu.memory_space<vmem_shared>> -> memref<10240x128xf32, #tpu.memory_space<vmem_shared>>
      tpu.wait_indirect_dma semaphore(%run_scoped3A_53 : memref<!tpu.dma_semaphore, #tpu.memory_space<semaphore_mem>>) src(%arg10 : memref<128x128xf32, #tpu.memory_space<vmem>>) dst(%dma_wait3A_63 : memref<10240x128xf32, #tpu.memory_space<vmem_shared>>)
      tpu.yield
    }) : () -> ()
    %run_scoped3A_4 = arith.constant 2 : i32
    "tpu.region"() ({
      %run_scoped3A_53 = tpu.sem_alloc : memref<!tpu.dma_semaphore, #tpu.memory_space<semaphore_mem>>
      %dma_start3A = arith.constant 0 : i32
      %dma_start3A_54 = tpu.memref_slice %arg9[%run_scoped3A_4, %dma_start3A] : memref<5x128xi32, #tpu.memory_space<vmem>> -> memref<1x128xi32, #tpu.memory_space<vmem>>
      %dma_start3A_55 = tpu.memref_squeeze %dma_start3A_54 : memref<1x128xi32, #tpu.memory_space<vmem>> -> memref<128xi32, #tpu.memory_space<vmem>>
      %dma_start3A_56 = arith.constant 0 : i32
      %dma_start3A_57 = arith.constant 0 : i32
      %dma_start3A_58 = tpu.memref_slice %arg14[%dma_start3A_56, %dma_start3A_57] : memref<10240x128xf32, #tpu.memory_space<vmem_shared>> -> memref<10240x128xf32, #tpu.memory_space<vmem_shared>>
      tpu.enqueue_indirect_dma source(%arg10 : memref<128x128xf32, #tpu.memory_space<vmem>>) target(%dma_start3A_58 : memref<10240x128xf32, #tpu.memory_space<vmem_shared>>) offsets(%dma_start3A_55 : memref<128xi32, #tpu.memory_space<vmem>>) semaphore(%run_scoped3A_53 : memref<!tpu.dma_semaphore, #tpu.memory_space<semaphore_mem>>)
      %dma_wait3A = arith.constant 0 : i32
      %dma_wait3A_59 = tpu.memref_slice %arg9[%run_scoped3A_4, %dma_wait3A] : memref<5x128xi32, #tpu.memory_space<vmem>> -> memref<1x128xi32, #tpu.memory_space<vmem>>
      %dma_wait3A_60 = tpu.memref_squeeze %dma_wait3A_59 : memref<1x128xi32, #tpu.memory_space<vmem>> -> memref<128xi32, #tpu.memory_space<vmem>>
      %dma_wait3A_61 = arith.constant 0 : i32
      %dma_wait3A_62 = arith.constant 0 : i32
      %dma_wait3A_63 = tpu.memref_slice %arg14[%dma_wait3A_61, %dma_wait3A_62] : memref<10240x128xf32, #tpu.memory_space<vmem_shared>> -> memref<10240x128xf32, #tpu.memory_space<vmem_shared>>
      tpu.wait_indirect_dma semaphore(%run_scoped3A_53 : memref<!tpu.dma_semaphore, #tpu.memory_space<semaphore_mem>>) src(%arg10 : memref<128x128xf32, #tpu.memory_space<vmem>>) dst(%dma_wait3A_63 : memref<10240x128xf32, #tpu.memory_space<vmem_shared>>)
      tpu.yield
    }) : () -> ()
    %run_scoped3A_5 = arith.constant 3 : i32
    "tpu.region"() ({
      %run_scoped3A_53 = tpu.sem_alloc : memref<!tpu.dma_semaphore, #tpu.memory_space<semaphore_mem>>
      %dma_start3A = arith.constant 0 : i32
      %dma_start3A_54 = tpu.memref_slice %arg9[%run_scoped3A_5, %dma_start3A] : memref<5x128xi32, #tpu.memory_space<vmem>> -> memref<1x128xi32, #tpu.memory_space<vmem>>
      %dma_start3A_55 = tpu.memref_squeeze %dma_start3A_54 : memref<1x128xi32, #tpu.memory_space<vmem>> -> memref<128xi32, #tpu.memory_space<vmem>>
      %dma_start3A_56 = arith.constant 0 : i32
      %dma_start3A_57 = arith.constant 0 : i32
      %dma_start3A_58 = tpu.memref_slice %arg14[%dma_start3A_56, %dma_start3A_57] : memref<10240x128xf32, #tpu.memory_space<vmem_shared>> -> memref<10240x128xf32, #tpu.memory_space<vmem_shared>>
      tpu.enqueue_indirect_dma source(%arg10 : memref<128x128xf32, #tpu.memory_space<vmem>>) target(%dma_start3A_58 : memref<10240x128xf32, #tpu.memory_space<vmem_shared>>) offsets(%dma_start3A_55 : memref<128xi32, #tpu.memory_space<vmem>>) semaphore(%run_scoped3A_53 : memref<!tpu.dma_semaphore, #tpu.memory_space<semaphore_mem>>)
      %dma_wait3A = arith.constant 0 : i32
      %dma_wait3A_59 = tpu.memref_slice %arg9[%run_scoped3A_5, %dma_wait3A] : memref<5x128xi32, #tpu.memory_space<vmem>> -> memref<1x128xi32, #tpu.memory_space<vmem>>
      %dma_wait3A_60 = tpu.memref_squeeze %dma_wait3A_59 : memref<1x128xi32, #tpu.memory_space<vmem>> -> memref<128xi32, #tpu.memory_space<vmem>>
      %dma_wait3A_61 = arith.constant 0 : i32
      %dma_wait3A_62 = arith.constant 0 : i32
      %dma_wait3A_63 = tpu.memref_slice %arg14[%dma_wait3A_61, %dma_wait3A_62] : memref<10240x128xf32, #tpu.memory_space<vmem_shared>> -> memref<10240x128xf32, #tpu.memory_space<vmem_shared>>
      tpu.wait_indirect_dma semaphore(%run_scoped3A_53 : memref<!tpu.dma_semaphore, #tpu.memory_space<semaphore_mem>>) src(%arg10 : memref<128x128xf32, #tpu.memory_space<vmem>>) dst(%dma_wait3A_63 : memref<10240x128xf32, #tpu.memory_space<vmem_shared>>)
      tpu.yield
    }) : () -> ()
    %run_scoped3A_6 = arith.constant 4 : i32
    "tpu.region"() ({
      %run_scoped3A_53 = tpu.sem_alloc : memref<!tpu.dma_semaphore, #tpu.memory_space<semaphore_mem>>
      %dma_start3A = arith.constant 0 : i32
      %dma_start3A_54 = tpu.memref_slice %arg9[%run_scoped3A_6, %dma_start3A] : memref<5x128xi32, #tpu.memory_space<vmem>> -> memref<1x128xi32, #tpu.memory_space<vmem>>
      %dma_start3A_55 = tpu.memref_squeeze %dma_start3A_54 : memref<1x128xi32, #tpu.memory_space<vmem>> -> memref<128xi32, #tpu.memory_space<vmem>>
      %dma_start3A_56 = arith.constant 0 : i32
      %dma_start3A_57 = arith.constant 0 : i32
      %dma_start3A_58 = tpu.memref_slice %arg14[%dma_start3A_56, %dma_start3A_57] : memref<10240x128xf32, #tpu.memory_space<vmem_shared>> -> memref<10240x128xf32, #tpu.memory_space<vmem_shared>>
      tpu.enqueue_indirect_dma source(%arg10 : memref<128x128xf32, #tpu.memory_space<vmem>>) target(%dma_start3A_58 : memref<10240x128xf32, #tpu.memory_space<vmem_shared>>) offsets(%dma_start3A_55 : memref<128xi32, #tpu.memory_space<vmem>>) semaphore(%run_scoped3A_53 : memref<!tpu.dma_semaphore, #tpu.memory_space<semaphore_mem>>)
      %dma_wait3A = arith.constant 0 : i32
      %dma_wait3A_59 = tpu.memref_slice %arg9[%run_scoped3A_6, %dma_wait3A] : memref<5x128xi32, #tpu.memory_space<vmem>> -> memref<1x128xi32, #tpu.memory_space<vmem>>
      %dma_wait3A_60 = tpu.memref_squeeze %dma_wait3A_59 : memref<1x128xi32, #tpu.memory_space<vmem>> -> memref<128xi32, #tpu.memory_space<vmem>>
      %dma_wait3A_61 = arith.constant 0 : i32
      %dma_wait3A_62 = arith.constant 0 : i32
      %dma_wait3A_63 = tpu.memref_slice %arg14[%dma_wait3A_61, %dma_wait3A_62] : memref<10240x128xf32, #tpu.memory_space<vmem_shared>> -> memref<10240x128xf32, #tpu.memory_space<vmem_shared>>
      tpu.wait_indirect_dma semaphore(%run_scoped3A_53 : memref<!tpu.dma_semaphore, #tpu.memory_space<semaphore_mem>>) src(%arg10 : memref<128x128xf32, #tpu.memory_space<vmem>>) dst(%dma_wait3A_63 : memref<10240x128xf32, #tpu.memory_space<vmem_shared>>)
      tpu.yield
    }) : () -> ()
    %barrier3A = arith.constant 0 : index
    tpu.barrier barrier_id(%barrier3A)
    %scan3A = arith.constant 0 : i32
    %scan3A_7 = arith.constant 0 : i32
    %scan3A_8 = arith.constant 40 : i32
    %scan3A_9 = arith.addi %scan3A_7, %scan3A_8 : i32
    %scan3A_10 = arith.constant 1 : i32
    scf.for %scan3A_53 = %scan3A_7 to %scan3A_9 step %scan3A_10  : i32 {
      %mul3A_54 = arith.constant 2 : i32
      %mul3A_55 = arith.muli %scan3A_53, %mul3A_54 : i32
      %add3A_56 = arith.constant 0 : i32
      %add3A_57 = arith.addi %mul3A_55, %add3A_56 : i32
      %dma_start3A = arith.constant 0 : i32
      %dma_start3A_58 = tpu.memref_slice %arg8[%add3A_57, %dma_start3A] : memref<80x128xi32, #tpu.memory_space<vmem>> -> memref<1x128xi32, #tpu.memory_space<vmem>>
      %dma_start3A_59 = tpu.memref_squeeze %dma_start3A_58 : memref<1x128xi32, #tpu.memory_space<vmem>> -> memref<128xi32, #tpu.memory_space<vmem>>
      %dma_start3A_60 = arith.constant 0 : i32
      %dma_start3A_61 = arith.constant 0 : i32
      %dma_start3A_62 = tpu.memref_slice %arg2[%dma_start3A_60, %dma_start3A_61] : memref<10000x128xf32, #tpu.memory_space<hbm>> -> memref<10000x128xf32, #tpu.memory_space<hbm>>
      tpu.enqueue_indirect_dma source(%dma_start3A_62 : memref<10000x128xf32, #tpu.memory_space<hbm>>) target(%arg10 : memref<128x128xf32, #tpu.memory_space<vmem>>) offsets(%dma_start3A_59 : memref<128xi32, #tpu.memory_space<vmem>>) semaphore(%arg15 : memref<!tpu.dma_semaphore, #tpu.memory_space<semaphore_mem>>)
      %mul3A_63 = arith.constant 80 : i32
      %mul3A_64 = arith.muli %add3A, %mul3A_63 : i32
      %add3A_65 = arith.addi %mul3A_64, %mul3A_55 : i32
      %add3A_66 = arith.constant 0 : i32
      %add3A_67 = arith.addi %add3A_65, %add3A_66 : i32
      %dma_start3A_68 = arith.constant 0 : i32
      %dma_start3A_69 = arith.constant 0 : i32
      %dma_start3A_70 = tpu.memref_slice %arg4[%add3A_67, %dma_start3A_68, %dma_start3A_69] : memref<2560x1x128xi32, #tpu.memory_space<hbm>> -> memref<1x1x128xi32, #tpu.memory_space<hbm>>
      %dma_start3A_71 = tpu.memref_squeeze %dma_start3A_70 : memref<1x1x128xi32, #tpu.memory_space<hbm>> -> memref<1x128xi32, #tpu.memory_space<hbm>>
      %dma_start3A_72 = arith.constant 0 : i32
      %dma_start3A_73 = arith.constant 0 : i32
      %dma_start3A_74 = tpu.memref_slice %arg4[%add3A_67, %dma_start3A_72, %dma_start3A_73] : memref<2560x1x128xi32, #tpu.memory_space<hbm>> -> memref<1x1x128xi32, #tpu.memory_space<hbm>>
      %dma_start3A_75 = tpu.memref_squeeze %dma_start3A_74 : memref<1x1x128xi32, #tpu.memory_space<hbm>> -> memref<1x128xi32, #tpu.memory_space<hbm>>
      tpu.enqueue_dma source(%dma_start3A_75 : memref<1x128xi32, #tpu.memory_space<hbm>>) target(%arg12 : memref<1x128xi32, #tpu.memory_space<vmem>>) target_semaphore(%arg16 : memref<!tpu.dma_semaphore, #tpu.memory_space<semaphore_mem>>)
      %add3A_76 = arith.constant 1 : i32
      %add3A_77 = arith.addi %mul3A_55, %add3A_76 : i32
      %dma_start3A_78 = arith.constant 0 : i32
      %dma_start3A_79 = tpu.memref_slice %arg8[%add3A_77, %dma_start3A_78] : memref<80x128xi32, #tpu.memory_space<vmem>> -> memref<1x128xi32, #tpu.memory_space<vmem>>
      %dma_start3A_80 = tpu.memref_squeeze %dma_start3A_79 : memref<1x128xi32, #tpu.memory_space<vmem>> -> memref<128xi32, #tpu.memory_space<vmem>>
      %dma_start3A_81 = arith.constant 0 : i32
      %dma_start3A_82 = arith.constant 0 : i32
      %dma_start3A_83 = tpu.memref_slice %arg2[%dma_start3A_81, %dma_start3A_82] : memref<10000x128xf32, #tpu.memory_space<hbm>> -> memref<10000x128xf32, #tpu.memory_space<hbm>>
      tpu.enqueue_indirect_dma source(%dma_start3A_83 : memref<10000x128xf32, #tpu.memory_space<hbm>>) target(%arg11 : memref<128x128xf32, #tpu.memory_space<vmem>>) offsets(%dma_start3A_80 : memref<128xi32, #tpu.memory_space<vmem>>) semaphore(%arg15 : memref<!tpu.dma_semaphore, #tpu.memory_space<semaphore_mem>>)
      %mul3A_84 = arith.constant 80 : i32
      %mul3A_85 = arith.muli %add3A, %mul3A_84 : i32
      %add3A_86 = arith.addi %mul3A_85, %mul3A_55 : i32
      %add3A_87 = arith.constant 1 : i32
      %add3A_88 = arith.addi %add3A_86, %add3A_87 : i32
      %dma_start3A_89 = arith.constant 0 : i32
      %dma_start3A_90 = arith.constant 0 : i32
      %dma_start3A_91 = tpu.memref_slice %arg4[%add3A_88, %dma_start3A_89, %dma_start3A_90] : memref<2560x1x128xi32, #tpu.memory_space<hbm>> -> memref<1x1x128xi32, #tpu.memory_space<hbm>>
      %dma_start3A_92 = tpu.memref_squeeze %dma_start3A_91 : memref<1x1x128xi32, #tpu.memory_space<hbm>> -> memref<1x128xi32, #tpu.memory_space<hbm>>
      %dma_start3A_93 = arith.constant 0 : i32
      %dma_start3A_94 = arith.constant 0 : i32
      %dma_start3A_95 = tpu.memref_slice %arg4[%add3A_88, %dma_start3A_93, %dma_start3A_94] : memref<2560x1x128xi32, #tpu.memory_space<hbm>> -> memref<1x1x128xi32, #tpu.memory_space<hbm>>
      %dma_start3A_96 = tpu.memref_squeeze %dma_start3A_95 : memref<1x1x128xi32, #tpu.memory_space<hbm>> -> memref<1x128xi32, #tpu.memory_space<hbm>>
      tpu.enqueue_dma source(%dma_start3A_96 : memref<1x128xi32, #tpu.memory_space<hbm>>) target(%arg13 : memref<1x128xi32, #tpu.memory_space<vmem>>) target_semaphore(%arg16 : memref<!tpu.dma_semaphore, #tpu.memory_space<semaphore_mem>>)
      %dma_wait3A = arith.constant 0 : i32
      %dma_wait3A_97 = tpu.memref_slice %arg8[%add3A_57, %dma_wait3A] : memref<80x128xi32, #tpu.memory_space<vmem>> -> memref<1x128xi32, #tpu.memory_space<vmem>>
      %dma_wait3A_98 = tpu.memref_squeeze %dma_wait3A_97 : memref<1x128xi32, #tpu.memory_space<vmem>> -> memref<128xi32, #tpu.memory_space<vmem>>
      %dma_wait3A_99 = arith.constant 0 : i32
      %dma_wait3A_100 = arith.constant 0 : i32
      %dma_wait3A_101 = tpu.memref_slice %arg2[%dma_wait3A_99, %dma_wait3A_100] : memref<10000x128xf32, #tpu.memory_space<hbm>> -> memref<10000x128xf32, #tpu.memory_space<hbm>>
      tpu.wait_indirect_dma semaphore(%arg15 : memref<!tpu.dma_semaphore, #tpu.memory_space<semaphore_mem>>) src(%dma_wait3A_101 : memref<10000x128xf32, #tpu.memory_space<hbm>>) dst(%arg10 : memref<128x128xf32, #tpu.memory_space<vmem>>)
      %dma_wait3A_102 = arith.constant 0 : i32
      %dma_wait3A_103 = arith.constant 0 : i32
      %dma_wait3A_104 = tpu.memref_slice %arg4[%add3A_67, %dma_wait3A_102, %dma_wait3A_103] : memref<2560x1x128xi32, #tpu.memory_space<hbm>> -> memref<1x1x128xi32, #tpu.memory_space<hbm>>
      %dma_wait3A_105 = tpu.memref_squeeze %dma_wait3A_104 : memref<1x1x128xi32, #tpu.memory_space<hbm>> -> memref<1x128xi32, #tpu.memory_space<hbm>>
      %dma_wait3A_106 = arith.constant 0 : i32
      %dma_wait3A_107 = arith.constant 0 : i32
      %dma_wait3A_108 = tpu.memref_slice %arg4[%add3A_67, %dma_wait3A_106, %dma_wait3A_107] : memref<2560x1x128xi32, #tpu.memory_space<hbm>> -> memref<1x1x128xi32, #tpu.memory_space<hbm>>
      %dma_wait3A_109 = tpu.memref_squeeze %dma_wait3A_108 : memref<1x1x128xi32, #tpu.memory_space<hbm>> -> memref<1x128xi32, #tpu.memory_space<hbm>>
      tpu.wait_dma2 semaphore(%arg16 : memref<!tpu.dma_semaphore, #tpu.memory_space<semaphore_mem>>) src(%dma_wait3A_109 : memref<1x128xi32, #tpu.memory_space<hbm>>) dst(%arg12 : memref<1x128xi32, #tpu.memory_space<vmem>>)
      %run_scoped3A_110 = arith.constant 0 : i32
      "tpu.region"() ({
        %run_scoped3A_126 = tpu.sem_alloc : memref<!tpu.dma_semaphore, #tpu.memory_space<semaphore_mem>>
        %dma_start3A_127 = arith.constant 0 : i32
        %dma_start3A_128 = tpu.memref_slice %arg12[%run_scoped3A_110, %dma_start3A_127] : memref<1x128xi32, #tpu.memory_space<vmem>> -> memref<1x128xi32, #tpu.memory_space<vmem>>
        %dma_start3A_129 = tpu.memref_squeeze %dma_start3A_128 : memref<1x128xi32, #tpu.memory_space<vmem>> -> memref<128xi32, #tpu.memory_space<vmem>>
        %dma_start3A_130 = arith.constant 0 : i32
        %dma_start3A_131 = arith.constant 0 : i32
        %dma_start3A_132 = tpu.memref_slice %arg14[%dma_start3A_130, %dma_start3A_131] : memref<10240x128xf32, #tpu.memory_space<vmem_shared>> -> memref<10240x128xf32, #tpu.memory_space<vmem_shared>>
        tpu.enqueue_indirect_dma source(%arg10 : memref<128x128xf32, #tpu.memory_space<vmem>>) target(%dma_start3A_132 : memref<10240x128xf32, #tpu.memory_space<vmem_shared>>) offsets(%dma_start3A_129 : memref<128xi32, #tpu.memory_space<vmem>>) semaphore(%run_scoped3A_126 : memref<!tpu.dma_semaphore, #tpu.memory_space<semaphore_mem>>) {add = true}
        %dma_wait3A_133 = arith.constant 0 : i32
        %dma_wait3A_134 = tpu.memref_slice %arg12[%run_scoped3A_110, %dma_wait3A_133] : memref<1x128xi32, #tpu.memory_space<vmem>> -> memref<1x128xi32, #tpu.memory_space<vmem>>
        %dma_wait3A_135 = tpu.memref_squeeze %dma_wait3A_134 : memref<1x128xi32, #tpu.memory_space<vmem>> -> memref<128xi32, #tpu.memory_space<vmem>>
        %dma_wait3A_136 = arith.constant 0 : i32
        %dma_wait3A_137 = arith.constant 0 : i32
        %dma_wait3A_138 = tpu.memref_slice %arg14[%dma_wait3A_136, %dma_wait3A_137] : memref<10240x128xf32, #tpu.memory_space<vmem_shared>> -> memref<10240x128xf32, #tpu.memory_space<vmem_shared>>
        tpu.wait_indirect_dma semaphore(%run_scoped3A_126 : memref<!tpu.dma_semaphore, #tpu.memory_space<semaphore_mem>>) src(%arg10 : memref<128x128xf32, #tpu.memory_space<vmem>>) dst(%dma_wait3A_138 : memref<10240x128xf32, #tpu.memory_space<vmem_shared>>)
        tpu.yield
      }) : () -> ()
      %dma_wait3A_111 = arith.constant 0 : i32
      %dma_wait3A_112 = tpu.memref_slice %arg8[%add3A_77, %dma_wait3A_111] : memref<80x128xi32, #tpu.memory_space<vmem>> -> memref<1x128xi32, #tpu.memory_space<vmem>>
      %dma_wait3A_113 = tpu.memref_squeeze %dma_wait3A_112 : memref<1x128xi32, #tpu.memory_space<vmem>> -> memref<128xi32, #tpu.memory_space<vmem>>
      %dma_wait3A_114 = arith.constant 0 : i32
      %dma_wait3A_115 = arith.constant 0 : i32
      %dma_wait3A_116 = tpu.memref_slice %arg2[%dma_wait3A_114, %dma_wait3A_115] : memref<10000x128xf32, #tpu.memory_space<hbm>> -> memref<10000x128xf32, #tpu.memory_space<hbm>>
      tpu.wait_indirect_dma semaphore(%arg15 : memref<!tpu.dma_semaphore, #tpu.memory_space<semaphore_mem>>) src(%dma_wait3A_116 : memref<10000x128xf32, #tpu.memory_space<hbm>>) dst(%arg11 : memref<128x128xf32, #tpu.memory_space<vmem>>)
      %dma_wait3A_117 = arith.constant 0 : i32
      %dma_wait3A_118 = arith.constant 0 : i32
      %dma_wait3A_119 = tpu.memref_slice %arg4[%add3A_88, %dma_wait3A_117, %dma_wait3A_118] : memref<2560x1x128xi32, #tpu.memory_space<hbm>> -> memref<1x1x128xi32, #tpu.memory_space<hbm>>
      %dma_wait3A_120 = tpu.memref_squeeze %dma_wait3A_119 : memref<1x1x128xi32, #tpu.memory_space<hbm>> -> memref<1x128xi32, #tpu.memory_space<hbm>>
      %dma_wait3A_121 = arith.constant 0 : i32
      %dma_wait3A_122 = arith.constant 0 : i32
      %dma_wait3A_123 = tpu.memref_slice %arg4[%add3A_88, %dma_wait3A_121, %dma_wait3A_122] : memref<2560x1x128xi32, #tpu.memory_space<hbm>> -> memref<1x1x128xi32, #tpu.memory_space<hbm>>
      %dma_wait3A_124 = tpu.memref_squeeze %dma_wait3A_123 : memref<1x1x128xi32, #tpu.memory_space<hbm>> -> memref<1x128xi32, #tpu.memory_space<hbm>>
      tpu.wait_dma2 semaphore(%arg16 : memref<!tpu.dma_semaphore, #tpu.memory_space<semaphore_mem>>) src(%dma_wait3A_124 : memref<1x128xi32, #tpu.memory_space<hbm>>) dst(%arg13 : memref<1x128xi32, #tpu.memory_space<vmem>>)
      %run_scoped3A_125 = arith.constant 0 : i32
      "tpu.region"() ({
        %run_scoped3A_126 = tpu.sem_alloc : memref<!tpu.dma_semaphore, #tpu.memory_space<semaphore_mem>>
        %dma_start3A_127 = arith.constant 0 : i32
        %dma_start3A_128 = tpu.memref_slice %arg13[%run_scoped3A_125, %dma_start3A_127] : memref<1x128xi32, #tpu.memory_space<vmem>> -> memref<1x128xi32, #tpu.memory_space<vmem>>
        %dma_start3A_129 = tpu.memref_squeeze %dma_start3A_128 : memref<1x128xi32, #tpu.memory_space<vmem>> -> memref<128xi32, #tpu.memory_space<vmem>>
        %dma_start3A_130 = arith.constant 0 : i32
        %dma_start3A_131 = arith.constant 0 : i32
        %dma_start3A_132 = tpu.memref_slice %arg14[%dma_start3A_130, %dma_start3A_131] : memref<10240x128xf32, #tpu.memory_space<vmem_shared>> -> memref<10240x128xf32, #tpu.memory_space<vmem_shared>>
        tpu.enqueue_indirect_dma source(%arg11 : memref<128x128xf32, #tpu.memory_space<vmem>>) target(%dma_start3A_132 : memref<10240x128xf32, #tpu.memory_space<vmem_shared>>) offsets(%dma_start3A_129 : memref<128xi32, #tpu.memory_space<vmem>>) semaphore(%run_scoped3A_126 : memref<!tpu.dma_semaphore, #tpu.memory_space<semaphore_mem>>) {add = true}
        %dma_wait3A_133 = arith.constant 0 : i32
        %dma_wait3A_134 = tpu.memref_slice %arg13[%run_scoped3A_125, %dma_wait3A_133] : memref<1x128xi32, #tpu.memory_space<vmem>> -> memref<1x128xi32, #tpu.memory_space<vmem>>
        %dma_wait3A_135 = tpu.memref_squeeze %dma_wait3A_134 : memref<1x128xi32, #tpu.memory_space<vmem>> -> memref<128xi32, #tpu.memory_space<vmem>>
        %dma_wait3A_136 = arith.constant 0 : i32
        %dma_wait3A_137 = arith.constant 0 : i32
        %dma_wait3A_138 = tpu.memref_slice %arg14[%dma_wait3A_136, %dma_wait3A_137] : memref<10240x128xf32, #tpu.memory_space<vmem_shared>> -> memref<10240x128xf32, #tpu.memory_space<vmem_shared>>
        tpu.wait_indirect_dma semaphore(%run_scoped3A_126 : memref<!tpu.dma_semaphore, #tpu.memory_space<semaphore_mem>>) src(%arg11 : memref<128x128xf32, #tpu.memory_space<vmem>>) dst(%dma_wait3A_138 : memref<10240x128xf32, #tpu.memory_space<vmem_shared>>)
        tpu.yield
      }) : () -> ()
    }
    %scan3A_11 = arith.constant 40 : i32
    %barrier3A_12 = arith.constant 0 : index
    tpu.barrier barrier_id(%barrier3A_12)
    %run_scoped3A_13 = arith.constant 0 : i32
    "tpu.region"() ({
      %run_scoped3A_53 = tpu.sem_alloc : memref<!tpu.dma_semaphore, #tpu.memory_space<semaphore_mem>>
      %dma_start3A = arith.constant 0 : i32
      %dma_start3A_54 = tpu.memref_slice %arg9[%run_scoped3A_13, %dma_start3A] : memref<5x128xi32, #tpu.memory_space<vmem>> -> memref<1x128xi32, #tpu.memory_space<vmem>>
      %dma_start3A_55 = tpu.memref_squeeze %dma_start3A_54 : memref<1x128xi32, #tpu.memory_space<vmem>> -> memref<128xi32, #tpu.memory_space<vmem>>
      %dma_start3A_56 = arith.constant 0 : i32
      %dma_start3A_57 = arith.constant 0 : i32
      %dma_start3A_58 = tpu.memref_slice %arg14[%dma_start3A_56, %dma_start3A_57] : memref<10240x128xf32, #tpu.memory_space<vmem_shared>> -> memref<10240x128xf32, #tpu.memory_space<vmem_shared>>
      tpu.enqueue_indirect_dma source(%dma_start3A_58 : memref<10240x128xf32, #tpu.memory_space<vmem_shared>>) target(%arg10 : memref<128x128xf32, #tpu.memory_space<vmem>>) offsets(%dma_start3A_55 : memref<128xi32, #tpu.memory_space<vmem>>) semaphore(%run_scoped3A_53 : memref<!tpu.dma_semaphore, #tpu.memory_space<semaphore_mem>>)
      %dma_wait3A = arith.constant 0 : i32
      %dma_wait3A_59 = tpu.memref_slice %arg9[%run_scoped3A_13, %dma_wait3A] : memref<5x128xi32, #tpu.memory_space<vmem>> -> memref<1x128xi32, #tpu.memory_space<vmem>>
      %dma_wait3A_60 = tpu.memref_squeeze %dma_wait3A_59 : memref<1x128xi32, #tpu.memory_space<vmem>> -> memref<128xi32, #tpu.memory_space<vmem>>
      %dma_wait3A_61 = arith.constant 0 : i32
      %dma_wait3A_62 = arith.constant 0 : i32
      %dma_wait3A_63 = tpu.memref_slice %arg14[%dma_wait3A_61, %dma_wait3A_62] : memref<10240x128xf32, #tpu.memory_space<vmem_shared>> -> memref<10240x128xf32, #tpu.memory_space<vmem_shared>>
      tpu.wait_indirect_dma semaphore(%run_scoped3A_53 : memref<!tpu.dma_semaphore, #tpu.memory_space<semaphore_mem>>) src(%dma_wait3A_63 : memref<10240x128xf32, #tpu.memory_space<vmem_shared>>) dst(%arg10 : memref<128x128xf32, #tpu.memory_space<vmem>>)
      tpu.yield
    }) : () -> ()
    %mul3A_14 = arith.constant 10240 : i32
    %mul3A_15 = arith.muli %arg0, %mul3A_14 : i32
    %mul3A_16 = arith.constant 640 : i32
    %mul3A_17 = arith.muli %arg1, %mul3A_16 : i32
    %add3A_18 = arith.addi %mul3A_15, %mul3A_17 : i32
    %add3A_19 = arith.constant 0 : i32
    %add3A_20 = arith.addi %add3A_18, %add3A_19 : i32
    "tpu.region"() ({
      %run_scoped3A_53 = tpu.sem_alloc : memref<!tpu.dma_semaphore, #tpu.memory_space<semaphore_mem>>
      %dma_start3A = arith.constant 0 : i32
      %dma_start3A_54 = tpu.memref_slice %arg7[%add3A_20, %dma_start3A] : memref<20480x128xf32, #tpu.memory_space<hbm>> -> memref<128x128xf32, #tpu.memory_space<hbm>>
      %dma_start3A_55 = arith.constant 0 : i32
      %dma_start3A_56 = tpu.memref_slice %arg7[%add3A_20, %dma_start3A_55] : memref<20480x128xf32, #tpu.memory_space<hbm>> -> memref<128x128xf32, #tpu.memory_space<hbm>>
      tpu.enqueue_dma source(%arg10 : memref<128x128xf32, #tpu.memory_space<vmem>>) target(%dma_start3A_56 : memref<128x128xf32, #tpu.memory_space<hbm>>) target_semaphore(%run_scoped3A_53 : memref<!tpu.dma_semaphore, #tpu.memory_space<semaphore_mem>>)
      %dma_wait3A = arith.constant 0 : i32
      %dma_wait3A_57 = tpu.memref_slice %arg7[%add3A_20, %dma_wait3A] : memref<20480x128xf32, #tpu.memory_space<hbm>> -> memref<128x128xf32, #tpu.memory_space<hbm>>
      %dma_wait3A_58 = arith.constant 0 : i32
      %dma_wait3A_59 = tpu.memref_slice %arg7[%add3A_20, %dma_wait3A_58] : memref<20480x128xf32, #tpu.memory_space<hbm>> -> memref<128x128xf32, #tpu.memory_space<hbm>>
      tpu.wait_dma2 semaphore(%run_scoped3A_53 : memref<!tpu.dma_semaphore, #tpu.memory_space<semaphore_mem>>) src(%arg10 : memref<128x128xf32, #tpu.memory_space<vmem>>) dst(%dma_wait3A_59 : memref<128x128xf32, #tpu.memory_space<hbm>>)
      tpu.yield
    }) : () -> ()
    %run_scoped3A_21 = arith.constant 1 : i32
    "tpu.region"() ({
      %run_scoped3A_53 = tpu.sem_alloc : memref<!tpu.dma_semaphore, #tpu.memory_space<semaphore_mem>>
      %dma_start3A = arith.constant 0 : i32
      %dma_start3A_54 = tpu.memref_slice %arg9[%run_scoped3A_21, %dma_start3A] : memref<5x128xi32, #tpu.memory_space<vmem>> -> memref<1x128xi32, #tpu.memory_space<vmem>>
      %dma_start3A_55 = tpu.memref_squeeze %dma_start3A_54 : memref<1x128xi32, #tpu.memory_space<vmem>> -> memref<128xi32, #tpu.memory_space<vmem>>
      %dma_start3A_56 = arith.constant 0 : i32
      %dma_start3A_57 = arith.constant 0 : i32
      %dma_start3A_58 = tpu.memref_slice %arg14[%dma_start3A_56, %dma_start3A_57] : memref<10240x128xf32, #tpu.memory_space<vmem_shared>> -> memref<10240x128xf32, #tpu.memory_space<vmem_shared>>
      tpu.enqueue_indirect_dma source(%dma_start3A_58 : memref<10240x128xf32, #tpu.memory_space<vmem_shared>>) target(%arg11 : memref<128x128xf32, #tpu.memory_space<vmem>>) offsets(%dma_start3A_55 : memref<128xi32, #tpu.memory_space<vmem>>) semaphore(%run_scoped3A_53 : memref<!tpu.dma_semaphore, #tpu.memory_space<semaphore_mem>>)
      %dma_wait3A = arith.constant 0 : i32
      %dma_wait3A_59 = tpu.memref_slice %arg9[%run_scoped3A_21, %dma_wait3A] : memref<5x128xi32, #tpu.memory_space<vmem>> -> memref<1x128xi32, #tpu.memory_space<vmem>>
      %dma_wait3A_60 = tpu.memref_squeeze %dma_wait3A_59 : memref<1x128xi32, #tpu.memory_space<vmem>> -> memref<128xi32, #tpu.memory_space<vmem>>
      %dma_wait3A_61 = arith.constant 0 : i32
      %dma_wait3A_62 = arith.constant 0 : i32
      %dma_wait3A_63 = tpu.memref_slice %arg14[%dma_wait3A_61, %dma_wait3A_62] : memref<10240x128xf32, #tpu.memory_space<vmem_shared>> -> memref<10240x128xf32, #tpu.memory_space<vmem_shared>>
      tpu.wait_indirect_dma semaphore(%run_scoped3A_53 : memref<!tpu.dma_semaphore, #tpu.memory_space<semaphore_mem>>) src(%dma_wait3A_63 : memref<10240x128xf32, #tpu.memory_space<vmem_shared>>) dst(%arg11 : memref<128x128xf32, #tpu.memory_space<vmem>>)
      tpu.yield
    }) : () -> ()
    %mul3A_22 = arith.constant 10240 : i32
    %mul3A_23 = arith.muli %arg0, %mul3A_22 : i32
    %mul3A_24 = arith.constant 640 : i32
    %mul3A_25 = arith.muli %arg1, %mul3A_24 : i32
    %add3A_26 = arith.addi %mul3A_23, %mul3A_25 : i32
    %add3A_27 = arith.constant 128 : i32
    %add3A_28 = arith.addi %add3A_26, %add3A_27 : i32
    "tpu.region"() ({
      %run_scoped3A_53 = tpu.sem_alloc : memref<!tpu.dma_semaphore, #tpu.memory_space<semaphore_mem>>
      %dma_start3A = arith.constant 0 : i32
      %dma_start3A_54 = tpu.memref_slice %arg7[%add3A_28, %dma_start3A] : memref<20480x128xf32, #tpu.memory_space<hbm>> -> memref<128x128xf32, #tpu.memory_space<hbm>>
      %dma_start3A_55 = arith.constant 0 : i32
      %dma_start3A_56 = tpu.memref_slice %arg7[%add3A_28, %dma_start3A_55] : memref<20480x128xf32, #tpu.memory_space<hbm>> -> memref<128x128xf32, #tpu.memory_space<hbm>>
      tpu.enqueue_dma source(%arg11 : memref<128x128xf32, #tpu.memory_space<vmem>>) target(%dma_start3A_56 : memref<128x128xf32, #tpu.memory_space<hbm>>) target_semaphore(%run_scoped3A_53 : memref<!tpu.dma_semaphore, #tpu.memory_space<semaphore_mem>>)
      %dma_wait3A = arith.constant 0 : i32
      %dma_wait3A_57 = tpu.memref_slice %arg7[%add3A_28, %dma_wait3A] : memref<20480x128xf32, #tpu.memory_space<hbm>> -> memref<128x128xf32, #tpu.memory_space<hbm>>
      %dma_wait3A_58 = arith.constant 0 : i32
      %dma_wait3A_59 = tpu.memref_slice %arg7[%add3A_28, %dma_wait3A_58] : memref<20480x128xf32, #tpu.memory_space<hbm>> -> memref<128x128xf32, #tpu.memory_space<hbm>>
      tpu.wait_dma2 semaphore(%run_scoped3A_53 : memref<!tpu.dma_semaphore, #tpu.memory_space<semaphore_mem>>) src(%arg11 : memref<128x128xf32, #tpu.memory_space<vmem>>) dst(%dma_wait3A_59 : memref<128x128xf32, #tpu.memory_space<hbm>>)
      tpu.yield
    }) : () -> ()
    %run_scoped3A_29 = arith.constant 2 : i32
    "tpu.region"() ({
      %run_scoped3A_53 = tpu.sem_alloc : memref<!tpu.dma_semaphore, #tpu.memory_space<semaphore_mem>>
      %dma_start3A = arith.constant 0 : i32
      %dma_start3A_54 = tpu.memref_slice %arg9[%run_scoped3A_29, %dma_start3A] : memref<5x128xi32, #tpu.memory_space<vmem>> -> memref<1x128xi32, #tpu.memory_space<vmem>>
      %dma_start3A_55 = tpu.memref_squeeze %dma_start3A_54 : memref<1x128xi32, #tpu.memory_space<vmem>> -> memref<128xi32, #tpu.memory_space<vmem>>
      %dma_start3A_56 = arith.constant 0 : i32
      %dma_start3A_57 = arith.constant 0 : i32
      %dma_start3A_58 = tpu.memref_slice %arg14[%dma_start3A_56, %dma_start3A_57] : memref<10240x128xf32, #tpu.memory_space<vmem_shared>> -> memref<10240x128xf32, #tpu.memory_space<vmem_shared>>
      tpu.enqueue_indirect_dma source(%dma_start3A_58 : memref<10240x128xf32, #tpu.memory_space<vmem_shared>>) target(%arg10 : memref<128x128xf32, #tpu.memory_space<vmem>>) offsets(%dma_start3A_55 : memref<128xi32, #tpu.memory_space<vmem>>) semaphore(%run_scoped3A_53 : memref<!tpu.dma_semaphore, #tpu.memory_space<semaphore_mem>>)
      %dma_wait3A = arith.constant 0 : i32
      %dma_wait3A_59 = tpu.memref_slice %arg9[%run_scoped3A_29, %dma_wait3A] : memref<5x128xi32, #tpu.memory_space<vmem>> -> memref<1x128xi32, #tpu.memory_space<vmem>>
      %dma_wait3A_60 = tpu.memref_squeeze %dma_wait3A_59 : memref<1x128xi32, #tpu.memory_space<vmem>> -> memref<128xi32, #tpu.memory_space<vmem>>
      %dma_wait3A_61 = arith.constant 0 : i32
      %dma_wait3A_62 = arith.constant 0 : i32
      %dma_wait3A_63 = tpu.memref_slice %arg14[%dma_wait3A_61, %dma_wait3A_62] : memref<10240x128xf32, #tpu.memory_space<vmem_shared>> -> memref<10240x128xf32, #tpu.memory_space<vmem_shared>>
      tpu.wait_indirect_dma semaphore(%run_scoped3A_53 : memref<!tpu.dma_semaphore, #tpu.memory_space<semaphore_mem>>) src(%dma_wait3A_63 : memref<10240x128xf32, #tpu.memory_space<vmem_shared>>) dst(%arg10 : memref<128x128xf32, #tpu.memory_space<vmem>>)
      tpu.yield
    }) : () -> ()
    %mul3A_30 = arith.constant 10240 : i32
    %mul3A_31 = arith.muli %arg0, %mul3A_30 : i32
    %mul3A_32 = arith.constant 640 : i32
    %mul3A_33 = arith.muli %arg1, %mul3A_32 : i32
    %add3A_34 = arith.addi %mul3A_31, %mul3A_33 : i32
    %add3A_35 = arith.constant 256 : i32
    %add3A_36 = arith.addi %add3A_34, %add3A_35 : i32
    "tpu.region"() ({
      %run_scoped3A_53 = tpu.sem_alloc : memref<!tpu.dma_semaphore, #tpu.memory_space<semaphore_mem>>
      %dma_start3A = arith.constant 0 : i32
      %dma_start3A_54 = tpu.memref_slice %arg7[%add3A_36, %dma_start3A] : memref<20480x128xf32, #tpu.memory_space<hbm>> -> memref<128x128xf32, #tpu.memory_space<hbm>>
      %dma_start3A_55 = arith.constant 0 : i32
      %dma_start3A_56 = tpu.memref_slice %arg7[%add3A_36, %dma_start3A_55] : memref<20480x128xf32, #tpu.memory_space<hbm>> -> memref<128x128xf32, #tpu.memory_space<hbm>>
      tpu.enqueue_dma source(%arg10 : memref<128x128xf32, #tpu.memory_space<vmem>>) target(%dma_start3A_56 : memref<128x128xf32, #tpu.memory_space<hbm>>) target_semaphore(%run_scoped3A_53 : memref<!tpu.dma_semaphore, #tpu.memory_space<semaphore_mem>>)
      %dma_wait3A = arith.constant 0 : i32
      %dma_wait3A_57 = tpu.memref_slice %arg7[%add3A_36, %dma_wait3A] : memref<20480x128xf32, #tpu.memory_space<hbm>> -> memref<128x128xf32, #tpu.memory_space<hbm>>
      %dma_wait3A_58 = arith.constant 0 : i32
      %dma_wait3A_59 = tpu.memref_slice %arg7[%add3A_36, %dma_wait3A_58] : memref<20480x128xf32, #tpu.memory_space<hbm>> -> memref<128x128xf32, #tpu.memory_space<hbm>>
      tpu.wait_dma2 semaphore(%run_scoped3A_53 : memref<!tpu.dma_semaphore, #tpu.memory_space<semaphore_mem>>) src(%arg10 : memref<128x128xf32, #tpu.memory_space<vmem>>) dst(%dma_wait3A_59 : memref<128x128xf32, #tpu.memory_space<hbm>>)
      tpu.yield
    }) : () -> ()
    %run_scoped3A_37 = arith.constant 3 : i32
    "tpu.region"() ({
      %run_scoped3A_53 = tpu.sem_alloc : memref<!tpu.dma_semaphore, #tpu.memory_space<semaphore_mem>>
      %dma_start3A = arith.constant 0 : i32
      %dma_start3A_54 = tpu.memref_slice %arg9[%run_scoped3A_37, %dma_start3A] : memref<5x128xi32, #tpu.memory_space<vmem>> -> memref<1x128xi32, #tpu.memory_space<vmem>>
      %dma_start3A_55 = tpu.memref_squeeze %dma_start3A_54 : memref<1x128xi32, #tpu.memory_space<vmem>> -> memref<128xi32, #tpu.memory_space<vmem>>
      %dma_start3A_56 = arith.constant 0 : i32
      %dma_start3A_57 = arith.constant 0 : i32
      %dma_start3A_58 = tpu.memref_slice %arg14[%dma_start3A_56, %dma_start3A_57] : memref<10240x128xf32, #tpu.memory_space<vmem_shared>> -> memref<10240x128xf32, #tpu.memory_space<vmem_shared>>
      tpu.enqueue_indirect_dma source(%dma_start3A_58 : memref<10240x128xf32, #tpu.memory_space<vmem_shared>>) target(%arg11 : memref<128x128xf32, #tpu.memory_space<vmem>>) offsets(%dma_start3A_55 : memref<128xi32, #tpu.memory_space<vmem>>) semaphore(%run_scoped3A_53 : memref<!tpu.dma_semaphore, #tpu.memory_space<semaphore_mem>>)
      %dma_wait3A = arith.constant 0 : i32
      %dma_wait3A_59 = tpu.memref_slice %arg9[%run_scoped3A_37, %dma_wait3A] : memref<5x128xi32, #tpu.memory_space<vmem>> -> memref<1x128xi32, #tpu.memory_space<vmem>>
      %dma_wait3A_60 = tpu.memref_squeeze %dma_wait3A_59 : memref<1x128xi32, #tpu.memory_space<vmem>> -> memref<128xi32, #tpu.memory_space<vmem>>
      %dma_wait3A_61 = arith.constant 0 : i32
      %dma_wait3A_62 = arith.constant 0 : i32
      %dma_wait3A_63 = tpu.memref_slice %arg14[%dma_wait3A_61, %dma_wait3A_62] : memref<10240x128xf32, #tpu.memory_space<vmem_shared>> -> memref<10240x128xf32, #tpu.memory_space<vmem_shared>>
      tpu.wait_indirect_dma semaphore(%run_scoped3A_53 : memref<!tpu.dma_semaphore, #tpu.memory_space<semaphore_mem>>) src(%dma_wait3A_63 : memref<10240x128xf32, #tpu.memory_space<vmem_shared>>) dst(%arg11 : memref<128x128xf32, #tpu.memory_space<vmem>>)
      tpu.yield
    }) : () -> ()
    %mul3A_38 = arith.constant 10240 : i32
    %mul3A_39 = arith.muli %arg0, %mul3A_38 : i32
    %mul3A_40 = arith.constant 640 : i32
    %mul3A_41 = arith.muli %arg1, %mul3A_40 : i32
    %add3A_42 = arith.addi %mul3A_39, %mul3A_41 : i32
    %add3A_43 = arith.constant 384 : i32
    %add3A_44 = arith.addi %add3A_42, %add3A_43 : i32
    "tpu.region"() ({
      %run_scoped3A_53 = tpu.sem_alloc : memref<!tpu.dma_semaphore, #tpu.memory_space<semaphore_mem>>
      %dma_start3A = arith.constant 0 : i32
      %dma_start3A_54 = tpu.memref_slice %arg7[%add3A_44, %dma_start3A] : memref<20480x128xf32, #tpu.memory_space<hbm>> -> memref<128x128xf32, #tpu.memory_space<hbm>>
      %dma_start3A_55 = arith.constant 0 : i32
      %dma_start3A_56 = tpu.memref_slice %arg7[%add3A_44, %dma_start3A_55] : memref<20480x128xf32, #tpu.memory_space<hbm>> -> memref<128x128xf32, #tpu.memory_space<hbm>>
      tpu.enqueue_dma source(%arg11 : memref<128x128xf32, #tpu.memory_space<vmem>>) target(%dma_start3A_56 : memref<128x128xf32, #tpu.memory_space<hbm>>) target_semaphore(%run_scoped3A_53 : memref<!tpu.dma_semaphore, #tpu.memory_space<semaphore_mem>>)
      %dma_wait3A = arith.constant 0 : i32
      %dma_wait3A_57 = tpu.memref_slice %arg7[%add3A_44, %dma_wait3A] : memref<20480x128xf32, #tpu.memory_space<hbm>> -> memref<128x128xf32, #tpu.memory_space<hbm>>
      %dma_wait3A_58 = arith.constant 0 : i32
      %dma_wait3A_59 = tpu.memref_slice %arg7[%add3A_44, %dma_wait3A_58] : memref<20480x128xf32, #tpu.memory_space<hbm>> -> memref<128x128xf32, #tpu.memory_space<hbm>>
      tpu.wait_dma2 semaphore(%run_scoped3A_53 : memref<!tpu.dma_semaphore, #tpu.memory_space<semaphore_mem>>) src(%arg11 : memref<128x128xf32, #tpu.memory_space<vmem>>) dst(%dma_wait3A_59 : memref<128x128xf32, #tpu.memory_space<hbm>>)
      tpu.yield
    }) : () -> ()
    %run_scoped3A_45 = arith.constant 4 : i32
    "tpu.region"() ({
      %run_scoped3A_53 = tpu.sem_alloc : memref<!tpu.dma_semaphore, #tpu.memory_space<semaphore_mem>>
      %dma_start3A = arith.constant 0 : i32
      %dma_start3A_54 = tpu.memref_slice %arg9[%run_scoped3A_45, %dma_start3A] : memref<5x128xi32, #tpu.memory_space<vmem>> -> memref<1x128xi32, #tpu.memory_space<vmem>>
      %dma_start3A_55 = tpu.memref_squeeze %dma_start3A_54 : memref<1x128xi32, #tpu.memory_space<vmem>> -> memref<128xi32, #tpu.memory_space<vmem>>
      %dma_start3A_56 = arith.constant 0 : i32
      %dma_start3A_57 = arith.constant 0 : i32
      %dma_start3A_58 = tpu.memref_slice %arg14[%dma_start3A_56, %dma_start3A_57] : memref<10240x128xf32, #tpu.memory_space<vmem_shared>> -> memref<10240x128xf32, #tpu.memory_space<vmem_shared>>
      tpu.enqueue_indirect_dma source(%dma_start3A_58 : memref<10240x128xf32, #tpu.memory_space<vmem_shared>>) target(%arg10 : memref<128x128xf32, #tpu.memory_space<vmem>>) offsets(%dma_start3A_55 : memref<128xi32, #tpu.memory_space<vmem>>) semaphore(%run_scoped3A_53 : memref<!tpu.dma_semaphore, #tpu.memory_space<semaphore_mem>>)
      %dma_wait3A = arith.constant 0 : i32
      %dma_wait3A_59 = tpu.memref_slice %arg9[%run_scoped3A_45, %dma_wait3A] : memref<5x128xi32, #tpu.memory_space<vmem>> -> memref<1x128xi32, #tpu.memory_space<vmem>>
      %dma_wait3A_60 = tpu.memref_squeeze %dma_wait3A_59 : memref<1x128xi32, #tpu.memory_space<vmem>> -> memref<128xi32, #tpu.memory_space<vmem>>
      %dma_wait3A_61 = arith.constant 0 : i32
      %dma_wait3A_62 = arith.constant 0 : i32
      %dma_wait3A_63 = tpu.memref_slice %arg14[%dma_wait3A_61, %dma_wait3A_62] : memref<10240x128xf32, #tpu.memory_space<vmem_shared>> -> memref<10240x128xf32, #tpu.memory_space<vmem_shared>>
      tpu.wait_indirect_dma semaphore(%run_scoped3A_53 : memref<!tpu.dma_semaphore, #tpu.memory_space<semaphore_mem>>) src(%dma_wait3A_63 : memref<10240x128xf32, #tpu.memory_space<vmem_shared>>) dst(%arg10 : memref<128x128xf32, #tpu.memory_space<vmem>>)
      tpu.yield
    }) : () -> ()
    %mul3A_46 = arith.constant 10240 : i32
    %mul3A_47 = arith.muli %arg0, %mul3A_46 : i32
    %mul3A_48 = arith.constant 640 : i32
    %mul3A_49 = arith.muli %arg1, %mul3A_48 : i32
    %add3A_50 = arith.addi %mul3A_47, %mul3A_49 : i32
    %add3A_51 = arith.constant 512 : i32
    %add3A_52 = arith.addi %add3A_50, %add3A_51 : i32
    "tpu.region"() ({
      %run_scoped3A_53 = tpu.sem_alloc : memref<!tpu.dma_semaphore, #tpu.memory_space<semaphore_mem>>
      %dma_start3A = arith.constant 0 : i32
      %dma_start3A_54 = tpu.memref_slice %arg7[%add3A_52, %dma_start3A] : memref<20480x128xf32, #tpu.memory_space<hbm>> -> memref<128x128xf32, #tpu.memory_space<hbm>>
      %dma_start3A_55 = arith.constant 0 : i32
      %dma_start3A_56 = tpu.memref_slice %arg7[%add3A_52, %dma_start3A_55] : memref<20480x128xf32, #tpu.memory_space<hbm>> -> memref<128x128xf32, #tpu.memory_space<hbm>>
      tpu.enqueue_dma source(%arg10 : memref<128x128xf32, #tpu.memory_space<vmem>>) target(%dma_start3A_56 : memref<128x128xf32, #tpu.memory_space<hbm>>) target_semaphore(%run_scoped3A_53 : memref<!tpu.dma_semaphore, #tpu.memory_space<semaphore_mem>>)
      %dma_wait3A = arith.constant 0 : i32
      %dma_wait3A_57 = tpu.memref_slice %arg7[%add3A_52, %dma_wait3A] : memref<20480x128xf32, #tpu.memory_space<hbm>> -> memref<128x128xf32, #tpu.memory_space<hbm>>
      %dma_wait3A_58 = arith.constant 0 : i32
      %dma_wait3A_59 = tpu.memref_slice %arg7[%add3A_52, %dma_wait3A_58] : memref<20480x128xf32, #tpu.memory_space<hbm>> -> memref<128x128xf32, #tpu.memory_space<hbm>>
      tpu.wait_dma2 semaphore(%run_scoped3A_53 : memref<!tpu.dma_semaphore, #tpu.memory_space<semaphore_mem>>) src(%arg10 : memref<128x128xf32, #tpu.memory_space<vmem>>) dst(%dma_wait3A_59 : memref<128x128xf32, #tpu.memory_space<hbm>>)
      tpu.yield
    }) : () -> ()
    return
  }
}

module attributes {stable_mosaic.version = 14 : i64} {
  func.func @_tc_layer_body(%arg0: memref<20480x128xf32, #tpu.memory_space<vmem>>, %arg1: memref<20480x128xf32, #tpu.memory_space<vmem>>, %arg2: memref<128x128xf32, #tpu.memory_space<vmem>>, %arg3: memref<1x128xf32, #tpu.memory_space<vmem>>, %arg4: memref<1x128xf32, #tpu.memory_space<vmem>>, %arg5: memref<10000x128xf32, #tpu.memory_space<vmem>>) attributes {dimension_semantics = [], scalar_prefetch = 0 : i64, scratch_operands = 0 : i64, tpu.core_type = #tpu.core_type<tc>} {
    %get3A = arith.constant 0 : index
    %get3A_0 = arith.constant 0 : index
    %get3A_1 = vector.load %arg0[%get3A, %get3A_0] : memref<20480x128xf32, #tpu.memory_space<vmem>>, vector<10240x128xf32>
    %get3A_2 = arith.constant 10240 : index
    %get3A_3 = arith.constant 0 : index
    %get3A_4 = vector.load %arg0[%get3A_2, %get3A_3] : memref<20480x128xf32, #tpu.memory_space<vmem>>, vector<10240x128xf32>
    %get3A_5 = arith.constant 0 : index
    %get3A_6 = arith.constant 0 : index
    %get3A_7 = vector.load %arg1[%get3A_5, %get3A_6] : memref<20480x128xf32, #tpu.memory_space<vmem>>, vector<10240x1xf32>
    %get3A_8 = arith.constant 10240 : index
    %get3A_9 = arith.constant 0 : index
    %get3A_10 = vector.load %arg1[%get3A_8, %get3A_9] : memref<20480x128xf32, #tpu.memory_space<vmem>>, vector<10240x1xf32>
    %add3A = arith.addf %get3A_7, %get3A_10 : vector<10240x1xf32>
    %iota3A = tpu.iota {dimensions = array<i32: 0>} : vector<10240x1xi32>
    %lt3A = arith.constant 10000 : i32
    %lt3A_11 = vector.broadcast %lt3A : i32 to vector<10240x1xi32>
    %lt3A_12 = arith.cmpi slt, %iota3A, %lt3A_11 : vector<10240x1xi32>
    %max3A = arith.constant 1.000000e+00 : f32
    %max3A_13 = vector.broadcast %max3A : f32 to vector<10240x1xf32>
    %max3A_14 = arith.maximumf %add3A, %max3A_13 : vector<10240x1xf32>
    %div3A = arith.constant 1.000000e+00 : f32
    %div3A_15 = vector.broadcast %div3A : f32 to vector<10240x1xf32>
    %div3A_16 = arith.divf %div3A_15, %max3A_14 : vector<10240x1xf32>
    %jit3A = arith.constant 0.000000e+00 : f32
    %broadcast_in_dim3A = vector.broadcast %jit3A : f32 to vector<10240x1xf32>
    %select_n3A = arith.select %lt3A_12, %div3A_16, %broadcast_in_dim3A : vector<10240x1xi1>, vector<10240x1xf32>
    %add3A_17 = arith.addf %get3A_1, %get3A_4 : vector<10240x128xf32>
    %mul3A = vector.broadcast %select_n3A : vector<10240x1xf32> to vector<10240x128xf32>
    %mul3A_18 = arith.mulf %add3A_17, %mul3A : vector<10240x128xf32>
    %get3A_19 = arith.constant 0 : index
    %get3A_20 = arith.constant 0 : index
    %get3A_21 = vector.load %arg2[%get3A_19, %get3A_20] : memref<128x128xf32, #tpu.memory_space<vmem>>, vector<128x128xf32>
    %dot_general3A = arith.constant dense<0.000000e+00> : vector<10240x128xf32>
    %dot_general3A_22 = tpu.matmul %mul3A_18, %get3A_21, %dot_general3A {dimension_numbers = #tpu.dot_dimension_numbers<[1], [0], [0], [1], [0, 0, 1, 1], [], []>, transpose_lhs_hint = false} : vector<10240x128xf32>, vector<128x128xf32>, vector<10240x128xf32> -> vector<10240x128xf32>
    %reduce_sum3A = arith.constant dense<0.000000e+00> : vector<128xf32>
    %reduce_sum3A_23 = vector.multi_reduction <add>, %dot_general3A_22, %reduce_sum3A [0] : vector<10240x128xf32> to vector<128xf32>
    %broadcast_in_dim3A_24 = vector.shape_cast %reduce_sum3A_23 : vector<128xf32> to vector<1x128xf32>
    %mul3A_25 = arith.constant 9.99999974E-5 : f32
    %mul3A_26 = vector.broadcast %mul3A_25 : f32 to vector<1x128xf32>
    %mul3A_27 = arith.mulf %broadcast_in_dim3A_24, %mul3A_26 : vector<1x128xf32>
    %mul3A_28 = arith.mulf %dot_general3A_22, %dot_general3A_22 : vector<10240x128xf32>
    %reduce_sum3A_29 = arith.constant dense<0.000000e+00> : vector<128xf32>
    %reduce_sum3A_30 = vector.multi_reduction <add>, %mul3A_28, %reduce_sum3A_29 [0] : vector<10240x128xf32> to vector<128xf32>
    %broadcast_in_dim3A_31 = vector.shape_cast %reduce_sum3A_30 : vector<128xf32> to vector<1x128xf32>
    %mul3A_32 = arith.constant 9.99999974E-5 : f32
    %mul3A_33 = vector.broadcast %mul3A_32 : f32 to vector<1x128xf32>
    %mul3A_34 = arith.mulf %broadcast_in_dim3A_31, %mul3A_33 : vector<1x128xf32>
    %mul3A_35 = arith.mulf %mul3A_27, %mul3A_27 : vector<1x128xf32>
    %sub3A = arith.subf %mul3A_34, %mul3A_35 : vector<1x128xf32>
    %sub3A_36 = vector.broadcast %mul3A_27 : vector<1x128xf32> to vector<10240x128xf32>
    %sub3A_37 = arith.subf %dot_general3A_22, %sub3A_36 : vector<10240x128xf32>
    %add3A_38 = arith.constant 9.99999974E-6 : f32
    %add3A_39 = vector.broadcast %add3A_38 : f32 to vector<1x128xf32>
    %add3A_40 = arith.addf %sub3A, %add3A_39 : vector<1x128xf32>
    %rsqrt3A = math.rsqrt %add3A_40 : vector<1x128xf32>
    %mul3A_41 = vector.broadcast %rsqrt3A : vector<1x128xf32> to vector<10240x128xf32>
    %mul3A_42 = arith.mulf %sub3A_37, %mul3A_41 : vector<10240x128xf32>
    %get3A_43 = arith.constant 0 : index
    %get3A_44 = arith.constant 0 : index
    %get3A_45 = vector.load %arg3[%get3A_43, %get3A_44] : memref<1x128xf32, #tpu.memory_space<vmem>>, vector<1x128xf32>
    %mul3A_46 = vector.broadcast %get3A_45 : vector<1x128xf32> to vector<10240x128xf32>
    %mul3A_47 = arith.mulf %mul3A_42, %mul3A_46 : vector<10240x128xf32>
    %get3A_48 = arith.constant 0 : index
    %get3A_49 = arith.constant 0 : index
    %get3A_50 = vector.load %arg4[%get3A_48, %get3A_49] : memref<1x128xf32, #tpu.memory_space<vmem>>, vector<1x128xf32>
    %add3A_51 = vector.broadcast %get3A_50 : vector<1x128xf32> to vector<10240x128xf32>
    %add3A_52 = arith.addf %mul3A_47, %add3A_51 : vector<10240x128xf32>
    %slice3A = vector.extract_strided_slice %add3A_52 {offsets = [0, 0], sizes = [10000, 128], strides = [1, 1]} : vector<10240x128xf32> to vector<10000x128xf32>
    %swap3A = arith.constant 0 : index
    %swap3A_53 = arith.constant 0 : index
    %swap3A_54 = vector.load %arg5[%swap3A, %swap3A_53] : memref<10000x128xf32, #tpu.memory_space<vmem>>, vector<10000x128xf32>
    tpu.vector_store %arg5[%swap3A, %swap3A_53], %slice3A {strides = array<i32>} : memref<10000x128xf32, #tpu.memory_space<vmem>>, vector<10000x128xf32>,
    return
  }
}

module attributes {stable_mosaic.version = 14 : i64} {
  func.func @_tc_layer_body(%arg0: memref<20480x128xf32, #tpu.memory_space<vmem>>, %arg1: memref<20480x128xf32, #tpu.memory_space<vmem>>, %arg2: memref<128x128xf32, #tpu.memory_space<vmem>>, %arg3: memref<1x128xf32, #tpu.memory_space<vmem>>, %arg4: memref<1x128xf32, #tpu.memory_space<vmem>>, %arg5: memref<10000x128xf32, #tpu.memory_space<vmem>>) attributes {dimension_semantics = [], scalar_prefetch = 0 : i64, scratch_operands = 0 : i64, tpu.core_type = #tpu.core_type<tc>} {
    %get3A = arith.constant 0 : index
    %get3A_0 = arith.constant 0 : index
    %get3A_1 = vector.load %arg0[%get3A, %get3A_0] : memref<20480x128xf32, #tpu.memory_space<vmem>>, vector<10240x128xf32>
    %get3A_2 = arith.constant 10240 : index
    %get3A_3 = arith.constant 0 : index
    %get3A_4 = vector.load %arg0[%get3A_2, %get3A_3] : memref<20480x128xf32, #tpu.memory_space<vmem>>, vector<10240x128xf32>
    %get3A_5 = arith.constant 0 : index
    %get3A_6 = arith.constant 0 : index
    %get3A_7 = vector.load %arg1[%get3A_5, %get3A_6] : memref<20480x128xf32, #tpu.memory_space<vmem>>, vector<10240x1xf32>
    %get3A_8 = arith.constant 10240 : index
    %get3A_9 = arith.constant 0 : index
    %get3A_10 = vector.load %arg1[%get3A_8, %get3A_9] : memref<20480x128xf32, #tpu.memory_space<vmem>>, vector<10240x1xf32>
    %add3A = arith.addf %get3A_7, %get3A_10 : vector<10240x1xf32>
    %iota3A = tpu.iota {dimensions = array<i32: 0>} : vector<10240x1xi32>
    %lt3A = arith.constant 10000 : i32
    %lt3A_11 = vector.broadcast %lt3A : i32 to vector<10240x1xi32>
    %lt3A_12 = arith.cmpi slt, %iota3A, %lt3A_11 : vector<10240x1xi32>
    %max3A = arith.constant 1.000000e+00 : f32
    %max3A_13 = vector.broadcast %max3A : f32 to vector<10240x1xf32>
    %max3A_14 = arith.maximumf %add3A, %max3A_13 : vector<10240x1xf32>
    %div3A = arith.constant 1.000000e+00 : f32
    %div3A_15 = vector.broadcast %div3A : f32 to vector<10240x1xf32>
    %div3A_16 = arith.divf %div3A_15, %max3A_14 : vector<10240x1xf32>
    %jit3A = arith.constant 0.000000e+00 : f32
    %broadcast_in_dim3A = vector.broadcast %jit3A : f32 to vector<10240x1xf32>
    %select_n3A = arith.select %lt3A_12, %div3A_16, %broadcast_in_dim3A : vector<10240x1xi1>, vector<10240x1xf32>
    %add3A_17 = arith.addf %get3A_1, %get3A_4 : vector<10240x128xf32>
    %mul3A = vector.broadcast %select_n3A : vector<10240x1xf32> to vector<10240x128xf32>
    %mul3A_18 = arith.mulf %add3A_17, %mul3A : vector<10240x128xf32>
    %get3A_19 = arith.constant 0 : index
    %get3A_20 = arith.constant 0 : index
    %get3A_21 = vector.load %arg2[%get3A_19, %get3A_20] : memref<128x128xf32, #tpu.memory_space<vmem>>, vector<128x128xf32>
    %dot_general3A = arith.constant dense<0.000000e+00> : vector<10240x128xf32>
    %dot_general3A_22 = tpu.matmul %mul3A_18, %get3A_21, %dot_general3A {dimension_numbers = #tpu.dot_dimension_numbers<[1], [0], [0], [1], [0, 0, 1, 1], [], []>, transpose_lhs_hint = false} : vector<10240x128xf32>, vector<128x128xf32>, vector<10240x128xf32> -> vector<10240x128xf32>
    %reduce_sum3A = arith.constant dense<0.000000e+00> : vector<128xf32>
    %reduce_sum3A_23 = vector.multi_reduction <add>, %dot_general3A_22, %reduce_sum3A [0] : vector<10240x128xf32> to vector<128xf32>
    %broadcast_in_dim3A_24 = vector.shape_cast %reduce_sum3A_23 : vector<128xf32> to vector<1x128xf32>
    %mul3A_25 = arith.constant 9.99999974E-5 : f32
    %mul3A_26 = vector.broadcast %mul3A_25 : f32 to vector<1x128xf32>
    %mul3A_27 = arith.mulf %broadcast_in_dim3A_24, %mul3A_26 : vector<1x128xf32>
    %mul3A_28 = arith.mulf %dot_general3A_22, %dot_general3A_22 : vector<10240x128xf32>
    %reduce_sum3A_29 = arith.constant dense<0.000000e+00> : vector<128xf32>
    %reduce_sum3A_30 = vector.multi_reduction <add>, %mul3A_28, %reduce_sum3A_29 [0] : vector<10240x128xf32> to vector<128xf32>
    %broadcast_in_dim3A_31 = vector.shape_cast %reduce_sum3A_30 : vector<128xf32> to vector<1x128xf32>
    %mul3A_32 = arith.constant 9.99999974E-5 : f32
    %mul3A_33 = vector.broadcast %mul3A_32 : f32 to vector<1x128xf32>
    %mul3A_34 = arith.mulf %broadcast_in_dim3A_31, %mul3A_33 : vector<1x128xf32>
    %mul3A_35 = arith.mulf %mul3A_27, %mul3A_27 : vector<1x128xf32>
    %sub3A = arith.subf %mul3A_34, %mul3A_35 : vector<1x128xf32>
    %sub3A_36 = vector.broadcast %mul3A_27 : vector<1x128xf32> to vector<10240x128xf32>
    %sub3A_37 = arith.subf %dot_general3A_22, %sub3A_36 : vector<10240x128xf32>
    %add3A_38 = arith.constant 9.99999974E-6 : f32
    %add3A_39 = vector.broadcast %add3A_38 : f32 to vector<1x128xf32>
    %add3A_40 = arith.addf %sub3A, %add3A_39 : vector<1x128xf32>
    %rsqrt3A = math.rsqrt %add3A_40 : vector<1x128xf32>
    %mul3A_41 = vector.broadcast %rsqrt3A : vector<1x128xf32> to vector<10240x128xf32>
    %mul3A_42 = arith.mulf %sub3A_37, %mul3A_41 : vector<10240x128xf32>
    %get3A_43 = arith.constant 0 : index
    %get3A_44 = arith.constant 0 : index
    %get3A_45 = vector.load %arg3[%get3A_43, %get3A_44] : memref<1x128xf32, #tpu.memory_space<vmem>>, vector<1x128xf32>
    %mul3A_46 = vector.broadcast %get3A_45 : vector<1x128xf32> to vector<10240x128xf32>
    %mul3A_47 = arith.mulf %mul3A_42, %mul3A_46 : vector<10240x128xf32>
    %get3A_48 = arith.constant 0 : index
    %get3A_49 = arith.constant 0 : index
    %get3A_50 = vector.load %arg4[%get3A_48, %get3A_49] : memref<1x128xf32, #tpu.memory_space<vmem>>, vector<1x128xf32>
    %add3A_51 = vector.broadcast %get3A_50 : vector<1x128xf32> to vector<10240x128xf32>
    %add3A_52 = arith.addf %mul3A_47, %add3A_51 : vector<10240x128xf32>
    %max3A_53 = arith.constant 0.000000e+00 : f32
    %max3A_54 = vector.broadcast %max3A_53 : f32 to vector<10240x128xf32>
    %max3A_55 = arith.maximumf %add3A_52, %max3A_54 : vector<10240x128xf32>
    %slice3A = vector.extract_strided_slice %max3A_55 {offsets = [0, 0], sizes = [10000, 128], strides = [1, 1]} : vector<10240x128xf32> to vector<10000x128xf32>
    %swap3A = arith.constant 0 : index
    %swap3A_56 = arith.constant 0 : index
    %swap3A_57 = vector.load %arg5[%swap3A, %swap3A_56] : memref<10000x128xf32, #tpu.memory_space<vmem>>, vector<10000x128xf32>
    tpu.vector_store %arg5[%swap3A, %swap3A_56], %slice3A {strides = array<i32>} : memref<10000x128xf32, #tpu.memory_space<vmem>>, vector<10000x128xf32>,
    return
  }
}

</mosaic_0001>

<sc_bundles>
// kernel: kernel.12.cloned.1.call-start
scs
__scs_entry_jumppad:
0x0: {  	(pc) =	sbr.rel $0x88, $3  }
0x1: {  	(tag) =	ssettag $0x0;
	lr =	simm.s32 $0x1  }
0x2: {  	[smem:$0x3F9C] =	sst lr;
	_ =	strace $0xD0000000  }
0x3: {  	_ = 	snop  }
0x4: {  	_ = 	snop  }
0x5: {  	_ = 	snop  }
0x6: {  	_ = 	snop  }
0x7: {  	_ = 	snop  }
__scs_overlays_trampoline_lowered:
0x8: {  	[smem:$0x3FAB] =	sst s0  }
0x9: {  	[smem:$0x3FAC] =	sst s1  }
0xa: {  	[smem:$0x3FAD] =	sst s2  }
0xb: {  	[smem:$0x3FAE] =	sst s3  }
0xc: {  	[smem:$0x3FAF] =	sst s4  }
0xd: {  	[smem:$0x3FB0] =	sst s5  }
0xe: {  	[smem:$0x3FB1] =	sst s6  }
0xf: {  	[smem:$0x3FB2] =	sst s7  }
0x10: {  	[smem:$0x3FB3] =	sst s8  }
0x11: {  	[smem:$0x3FB4] =	sst s9;
	s0 =	simm.s32 @!p0 $0x0  }
0x12: {  	s1 =	sld [smem:$0x3F9A];
	s0 =	simm.s32 @p0 $0x1  }
0x13: {  	[smem:$0x3FB5] =	sst s0;
	s0 =	simm.s32 @!p1 $0x0  }
0x14: {  	s2 =	sld [smem:$0x3F99];
	s0 =	simm.s32 @p1 $0x1  }
0x15: {  	[smem:$0x3FB6] =	sst s0;
	s0 =	simm.s32 @!p2 $0x0  }
0x16: {  	s3 =	sld [smem:$0x3FDB];
	s0 =	simm.s32 @p2 $0x1  }
0x17: {  	s4 =	simm.s32 $0x1BF5;
	[smem:$0x3FB8] =	sst s0  }
0x18: {  	s0 =	sld [smem:$0x3F9B];
	_ =	swait.ge [sflag:s4], $0x0  }
0x19: {  	s7 =	sld [smem:$0x3F9C]  }
0x1a: {  	s8 =	sadd.s32 $0xFFFFE003, lr  }
0x1b: {  	s9 =	sadd.s32 $0xFFFFFEF7, lr;
	s5 =	simm.s32 $0xFFFFFFFF;
	p2 =	slt.u32 s8, $0xFFFFF086  }
0x1c: {  	p1 =	slt.u32 s9, $0xF7A;
	s5 =	simm.s32 @!p2 $0x0  }
0x1d: {  	s5 =	simm.s32 @p1 $0x1;
	p0 =	seq.s32 s7, s2  }
0x1e: {  	s7 =	smul.u32 @!p0 $0xF7A, s2;
	p2 =	seq.s32 @!p0 s5, $0x0  }
0x1f: {  	s9 =	smul.u32 $0xF7A, s1;
	s8 =	simm.s32 @!p0 $0x1BF5;
	p2 =	por !p2, p0  }
0x20: {  	[sflag:s8] =	ssyncset.s32 @!p0 $0xFFFFF086;
	s6 =	sadd.s32 @!p0 s3, s7;
	s7 =	simm.s32 @!p0 $0x108  }
0x21: {  	s3 =	sadd.s32 s3, s9;
	s6 =	sadd.s32 @!p0 $0x88, s6;
	s7 =	simm.s32 @p2 $0x1082  }
0x22: {  	[simem:s7], [sflag:s8] =	dma.local @!p0 [hbm:s6], $0xF7A  }
0x23: {  	s9 =	sor.u32 $0xD0000000, s2;
	s6 =	simm.s32 $0x108;
	_ =	swait.ge @!p0 [sflag:s8], $0x0  }
0x24: {  	s3 =	sadd.s32 $0x88, s3;
	s6 =	simm.s32 @!p1 $0x1082;
	[sflag:s4] =	ssyncset.s32 $0xFFFFF086  }
0x25: {  	[simem:s6], [sflag:s4] =	dma.local [hbm:s3], $0xF7A  }
0x26: {  	[smem:$0x3F9C] =	sst s1;
	(tag) =	ssettag s2;
	_ =	strace s9  }
0x27: {  	s1 =	sld [smem:$0x3FAC]  }
0x28: {  	s2 =	sld [smem:$0x3FAD]  }
0x29: {  	s4 =	sld [smem:$0x3FAF]  }
0x2a: {  	p0 =	seq.s32 s5, $0x0;
	s5 =	sld [smem:$0x3FB0]  }
0x2b: {  	s6 =	sld [smem:$0x3FB1]  }
0x2c: {  	s7 =	sld [smem:$0x3FB2]  }
0x2d: {  	s3 =	simm.s32 $0x108;
	s8 =	sld [smem:$0x3FB3]  }
0x2e: {  	s3 =	simm.s32 @!p0 $0x1082;
	s9 =	sld [smem:$0x3FB4]  }
0x2f: {  	lr =	sadd.s32 s0, s3;
	s0 =	sld [smem:$0x3FAB]  }
0x30: {  	s3 =	sld [smem:$0x3FAE]  }
0x31: {  	[smem:$0x3FB7] =	sst s10  }
0x32: {  	s10 =	sld [smem:$0x3FB5];
	_ =	sdelay $0x3  }
0x33: {  	p0 =	seq.s32 s10, $0x1;
	s10 =	sld [smem:$0x3FB7];
	_ =	sdelay $0x3  }
0x34: {  	[smem:$0x3FB7] =	sst s10  }
0x35: {  	s10 =	sld [smem:$0x3FB6];
	_ =	sdelay $0x3  }
0x36: {  	p1 =	seq.s32 s10, $0x1;
	s10 =	sld [smem:$0x3FB7];
	_ =	sdelay $0x3  }
0x37: {  	[smem:$0x3FB7] =	sst s10  }
0x38: {  	s10 =	sld [smem:$0x3FB8]  }
0x39: {  	_ = 	snop;
	(pc) =	sbr.ind lr, $3  }
0x3a: {  	_ = 	snop  }
0x3b: {  	_ = 	snop  }
0x3c: {  	p2 =	seq.s32 s10, $0x1;
	s10 =	sld [smem:$0x3FB7]  }
0x3d: {  	_ =	shalt  }
0x3e: {  	_ =	shalt  }
0x3f: {  	_ =	shalt  }
0x40: {  	_ =	shalt  }
0x41: {  	_ =	shalt  }
0x42: {  	_ =	shalt  }
0x43: {  	_ =	shalt  }
0x44: {  	_ =	shalt  }
0x45: {  	_ =	shalt  }
0x46: {  	_ =	shalt  }
0x47: {  	_ =	shalt  }
0x48: {  	_ =	shalt  }
0x49: {  	_ =	shalt  }
0x4a: {  	_ =	shalt  }
0x4b: {  	_ =	shalt  }
0x4c: {  	_ =	shalt  }
0x4d: {  	_ =	shalt  }
0x4e: {  	_ =	shalt  }
0x4f: {  	_ =	shalt  }
0x50: {  	_ =	shalt  }
0x51: {  	_ =	shalt  }
0x52: {  	_ =	shalt  }
0x53: {  	_ =	shalt  }
0x54: {  	_ =	shalt  }
0x55: {  	_ =	shalt  }
0x56: {  	_ =	shalt  }
0x57: {  	_ =	shalt  }
0x58: {  	_ =	shalt  }
0x59: {  	_ =	shalt  }
0x5a: {  	_ =	shalt  }
0x5b: {  	_ =	shalt  }
0x5c: {  	_ =	shalt  }
0x5d: {  	_ =	shalt  }
0x5e: {  	_ =	shalt  }
0x5f: {  	_ =	shalt  }
0x60: {  	_ =	shalt  }
0x61: {  	_ =	shalt  }
0x62: {  	_ =	shalt  }
0x63: {  	_ =	shalt  }
0x64: {  	_ =	shalt  }
0x65: {  	_ =	shalt  }
0x66: {  	_ =	shalt  }
0x67: {  	_ =	shalt  }
0x68: {  	_ =	shalt  }
0x69: {  	_ =	shalt  }
0x6a: {  	_ =	shalt  }
0x6b: {  	_ =	shalt  }
0x6c: {  	_ =	shalt  }
0x6d: {  	_ =	shalt  }
0x6e: {  	_ =	shalt  }
0x6f: {  	_ =	shalt  }
0x70: {  	_ =	shalt  }
0x71: {  	_ =	shalt  }
0x72: {  	_ =	shalt  }
0x73: {  	_ =	shalt  }
0x74: {  	_ =	shalt  }
0x75: {  	_ =	shalt  }
0x76: {  	_ =	shalt  }
0x77: {  	_ =	shalt  }
0x78: {  	_ =	shalt  }
0x79: {  	_ =	shalt  }
0x7a: {  	_ =	shalt  }
0x7b: {  	_ =	shalt  }
0x7c: {  	_ =	shalt  }
0x7d: {  	_ =	shalt  }
0x7e: {  	_ =	shalt  }
0x7f: {  	_ =	shalt  }
0x80: {  	_ =	shalt  }
0x81: {  	_ =	shalt  }
0x82: {  	_ =	shalt  }
0x83: {  	_ =	shalt  }
0x84: {  	_ =	shalt  }
0x85: {  	_ =	shalt  }
0x86: {  	_ =	shalt  }
0x87: {  	_ =	shalt  }
.Lfunc_end0:
.L_simem_size_0:
called_computation.1_lowered:
.L_overlay_start_0:
0x88: {  	s2 =	sld [smem:$0x3FD9]  }
0x89: {  	s3 =	sld [smem:$0x3FFE];
	_ =	sdelay $0x1  }
0x8a: {  	s1 =	srdreg.scid  }
0x8b: {  	s0 =	sand.u32 $0x1, s1  }
0x8c: {  	s17 =	sshll.u32 s0, $0xA;
	s2 =	sadd.s32 s3, s2  }
0x8d: {  	s2 =	sadd.s32 s2, s17  }
0x8e: {  	[smem:$0x3FC3] =	sst s2  }
0x8f: {  	_ = 	snop  }
0x90: {  	s2 =	sld [smem:$0x3FC9];
	(tm) =	ssettm $0x1  }
0x91: {  	s18 =	sld [smem:$0x3FFB];
	_ =	sdelay $0x3  }
0x92: {  	_ =	strace s18  }
0x93: {  	s3 =	sld [smem:$0x3FFC];
	_ =	sdelay $0x3  }
0x94: {  	_ =	strace s3  }
0x95: {  	s3 =	sld [smem:$0x3FFD];
	_ =	sdelay $0x3  }
0x96: {  	_ =	strace s3  }
0x97: {  	_ =	strace $0x8FFFFFFF  }
0x98: {  	s19 =	sld [smem:$0x3FDB];
	_ =	sdelay $0x1  }
0x99: {  	s4 =	simm.s32 $_scs_section_size  }
0x9a: {  	s5 =	simm.s32 $_size__tile_overlayer_lowered;
	s6 =	simm.s32 $_tile_overlayer_lowered  }
0x9b: {  	s22 =	simm.s32 $0x1BFF;
	s21 =	sshll.u32 s6, $0x1;
	s3 =	sadd.s32 s4, s19  }
0x9c: {  	s7 =	simm.s32 $0x0;
	s20 =	sshll.u32 s5, $0x1;
	s5 =	sadd.s32 s21, s3  }
0x9d: {  	[timem:s7], [sflag:s22] =	dma.local [hbm:s5], s20  }
0x9e: {  	_ =	swait.ge [sflag:s22], s20  }
0x9f: {  	s4 =	ssub.s32 $0x0, s20;
	[sflag:s22] =	ssyncset.done $0x0  }
0xa0: {  	[sflag:s22] =	ssyncadd.s32 s4;
	_ =	sdelay $0x1  }
0xa1: {  	s23 =	simm.s32 $0x1B8B  }
0xa2: {  	_ =	swait.ge [sflag:s23], $0x1  }
0xa3: {  	[sflag:s23] =	ssyncset.done $0x0  }
0xa4: {  	s25 =	simm.s32 $0x1B8E;
	s24 =	sld [smem:$0x3FFE];
	[sflag:s23] =	ssyncadd.s32 $0xFFFFFFFF  }
0xa5: {  	s26 =	simm.s32 $execute0_lowered;
	[smem:$0x3FD2] =	sst s25  }
0xa6: {  	s5 =	sshll.u32 s26, $0x1;
	_ =	strace $0x80000046;
	[dreg:$0x1] =	wrdreg $0xFFFFFFFF  }
0xa7: {  	s28 =	simm.s32 $_size_execute0_lowered;
	s3 =	sadd.s32 s3, s5;
	[dreg:$0x0] =	wrdreg $0x0  }
0xa8: {  	s5 =	sshll.u32 s28, $0x1;
	[dreg:$0x2] =	wrdreg s3  }
0xa9: {  	[dreg:$0x3] =	wrdreg s5  }
0xaa: {  	[dreg:$0x4] =	wrdreg $0xC0  }
0xab: {  	_ =	task [dreg:s7], $0x5FFFF  }
0xac: {  	[dreg:$0x1] =	wrdreg $0xFFFFFFFF  }
0xad: {  	[dreg:$0x0] =	wrdreg $0x60  }
0xae: {  	[dreg:$0x2] =	wrdreg s2  }
0xaf: {  	[dreg:$0x3] =	wrdreg s24  }
0xb0: {  	[dreg:$0x4] =	wrdreg $0xAD000  }
0xb1: {  	[dreg:$0x5] =	wrdreg $0xA  }
0xb2: {  	_ =	task.clear_ibuf [dreg:s7], $0x6FFFF;
	_ =	strace $0x90000046  }
0xb3: {  	s29 =	simm.s32 $0xA;
	_ =	strace $0x80000048  }
0xb4: {  	_ =	swait.ge [sflag:s29], $0x1  }
0xb5: {  	[sflag:s29] =	ssyncadd.s32 $0xFFFFFFFF  }
0xb6: {  	_ =	strace $0x90000048  }
0xb7: {  	_ =	sfence  }
0xb8: {  	s30 =	sld [smem:$0x0];
	_ =	sdelay $0x2  }
0xb9: {  	s31 =	sshll.u32 s1, $0xD;
	s1 =	sshrl.u32 s1, $0x2  }
0xba: {  	s3 =	sand.u32 $0x4000, s31;
	s1 =	sadd.s32 s1, s30  }
0xbb: {  	s0 =	sor.u32 s3, s0;
	s1 =	sshll.u32 s1, $0x11  }
0xbc: {  	s0 =	sor.u32 s1, s0  }
0xbd: {  	s0 =	sadd.s32 $0x8F2B, s0  }
0xbe: {  	[sflag:s0] =	ssyncadd.remote.s32 $0x1  }
0xbf: {  	_ =	sfence.sel $0xFFFF  }
0xc0: {  	[dreg:$0x0] =	wrdreg $0xFFFFFFFF;
	(pc) =	sbr.abs _section_cstart, $3  }
0xc1: {  	[dreg:$0x1] =	wrdreg $0xFFFFFFFF  }
0xc2: {  	_ =	task.clear_ibuf [dreg:s7], $0x2FFFF;
	_ =	strace $0x9FFFFFFF  }
0xc3: {  	(tm) =	ssettm $0x7FFFFFFF  }
tec
execute0_lowered:
.L_overlay_start_1:
0x0: {  	(tag) =	ssettag $0x1  }
0x1: {  	s2 =	srdreg.scid  }
0x2: {  	s0 =	stileid.u32;
	s1 =	rddreg [dreg:$0x0]  }
0x3: {  	s6 =	rddreg [dreg:$0x1];
	s15 =	simm.s32 $0x3;
	s16 =	simm.s32 $0x2800  }
0x4: {  	s17 =	simm.s32 $0x2C00;
	s18 =	simm.s32 $0x2880;
	s19 =	simm.s32 $0x2900  }
0x5: {  	s20 =	simm.s32 $0x2980;
	s21 =	simm.s32 $0x2A00;
	s22 =	simm.s32 $0x80  }
0x6: {  	s23 =	simm.s32 $0xAC00;
	s24 =	simm.s32 $0x6C00;
	s25 =	simm.s32 $0xAC80  }
0x7: {  	s26 =	simm.s32 $0x1;
	s28 =	simm.s32 $0x2;
	s7 =	smul.u32 $0xA00, s0  }
0x8: {  	s29 =	simm.s32 $0x0;
	s2 =	sand.u32 $0x1, s2;
	s9 =	smul.u32 $0x280, s0  }
0x9: {  	s3 =	sshll.u32 s0, $0x1;
	s30 =	sshll.u32 s0, $0x7;
	s8 =	smul.u32 $0x2800, s2  }
0xa: {  	s4 =	sor.u32 s2, s3;
	s31 =	ssub.s32 $0x2, s2;
	s2 =	smul.u32 $0x500, s2  }
0xb: {  	s3 =	rddreg [dreg:$0x2];
	s5 =	smul.u32 $0x500, s4;
	s4 =	simm.s32 $0x0  }
0xc: {  	s14 =	sadd.s32 s7, s6;
	s7 =	sadd.s32 s30, s6;
	s11 =	sshrl.u32 s31, $0x1  }
0xd: {  	[smem:$0x7FF] =	sst s4;
	s8 =	sadd.s32 s9, s8;
	s13 =	ssub.s32 s31, s11  }
0xe: {  	s7 =	sadd.s32 $0x2A00, s7;
	s2 =	sadd.s32 s2, s14;
	_ =	strace $0x80000047  }
0xf: {  	s10 =	sadd.s32 s5, s6;
	s5 =	sadd.s32 $0x17200, s6;
	s8 =	sshll.u32 s8, $0x4  }
0x10: {  	s13 =	smax.u32 s13, $0x1;
	s14 =	sadd.s32 $0xD200, s2;
	s12 =	sadd.s32 s8, s6  }
0x11: {  	s6 =	sadd.s32 $0x3200, s10;
	s8 =	sadd.s32 $0x17A00, s12;
	s9 =	sadd.s32 $0x18200, s12  }
0x12: {  	s10 =	sadd.s32 $0x18A00, s12;
	s11 =	sadd.s32 $0x19200, s12;
	s12 =	sadd.s32 $0x19A00, s12  }
.LBB2_1:
0x13: {  	[tilespmem:s4], [sflag:$0x3] =	stream.linear.gather [hbm4b:s6+s4], $0x2800, $0x38;
	[tilespmem:$0x1ED00] =	vst v63  }
0x14: {  	_ =	swait.ge [sflag:s15], $0x2800  }
0x15: {  	[sflag:s15] =	ssyncset.done $0x0  }
0x16: {  	[sflag:s15] =	ssyncadd.s32 $0xFFFFD800  }
0x17: {  	[tilespmem:s16], [sflag:$0x3] =	stream.linear.gather [hbm4b:s7+s4], $0x280, $0x38;
	[tilespmem:$0x1ED00] =	vst v63  }
0x18: {  	_ =	swait.ge [sflag:s15], $0x280  }
0x19: {  	[sflag:s15] =	ssyncset.done $0x0  }
0x1a: {  	[sflag:s15] =	ssyncadd.s32 $0xFFFFFD80  }
0x1b: {  	[tilespmem:s17], [sflag:$0x3] =	stream.linear.gather [hbm4b:s5+s4], $0x4000, $0x38;
	[tilespmem:$0x1ED00] =	vst v63  }
0x1c: {  	_ =	swait.ge [sflag:s15], $0x4000  }
0x1d: {  	[sflag:s15] =	ssyncset.done $0x0  }
0x1e: {  	[sflag:s15] =	ssyncadd.s32 $0xFFFFC000  }
0x1f: {  	[spmem:s3] =	stream.indirect.scatter [tilespmem:s17], [sflag:$0x3], $0x80, s16, s22, $0xb8;
	[tilespmem:$0x1ED00] =	vst v63  }
0x20: {  	_ =	swait.ge [sflag:s15], $0x4000  }
0x21: {  	[sflag:s15] =	ssyncset.done $0x0  }
0x22: {  	[sflag:s15] =	ssyncadd.s32 $0xFFFFC000  }
0x23: {  	[spmem:s3] =	stream.indirect.scatter [tilespmem:s17], [sflag:$0x3], $0x80, s18, s22, $0xb8;
	[tilespmem:$0x1ED00] =	vst v63  }
0x24: {  	_ =	swait.ge [sflag:s15], $0x4000  }
0x25: {  	[sflag:s15] =	ssyncset.done $0x0  }
0x26: {  	[sflag:s15] =	ssyncadd.s32 $0xFFFFC000  }
0x27: {  	[spmem:s3] =	stream.indirect.scatter [tilespmem:s17], [sflag:$0x3], $0x80, s19, s22, $0xb8;
	[tilespmem:$0x1ED00] =	vst v63  }
0x28: {  	_ =	swait.ge [sflag:s15], $0x4000  }
0x29: {  	[sflag:s15] =	ssyncset.done $0x0  }
0x2a: {  	[sflag:s15] =	ssyncadd.s32 $0xFFFFC000  }
0x2b: {  	[spmem:s3] =	stream.indirect.scatter [tilespmem:s17], [sflag:$0x3], $0x80, s20, s22, $0xb8;
	[tilespmem:$0x1ED00] =	vst v63  }
0x2c: {  	_ =	swait.ge [sflag:s15], $0x4000  }
0x2d: {  	[sflag:s15] =	ssyncset.done $0x0  }
0x2e: {  	[sflag:s15] =	ssyncadd.s32 $0xFFFFC000  }
0x2f: {  	[spmem:s3] =	stream.indirect.scatter [tilespmem:s17], [sflag:$0x3], $0x80, s21, s22, $0xb8;
	[tilespmem:$0x1ED00] =	vst v63  }
0x30: {  	_ =	swait.ge [sflag:s15], $0x4000  }
0x31: {  	[sflag:s15] =	ssyncset.done $0x0  }
0x32: {  	[sflag:s15] =	ssyncadd.s32 $0xFFFFC000  }
0x33: {  	s2 =	simm.s32 $0x0;
	[bflag:$0x0] =	sbarrier.arrive $0xFFFF  }
0x34: {  	[tilespmem:s17], [sflag:$0x1] =	stream.indirect.gather [hbm4b:s1+s22], $0x80, s2, s22, $0xb8;
	[tilespmem:$0x1ED00] =	vst v63  }
0x35: {  	s0 =	sadd.s32 $0x0, s14  }
0x36: {  	[tilespmem:s23], [sflag:$0x2] =	stream.linear.gather [hbm4b:s0+s4], $0x80, $0x38;
	[tilespmem:$0x1ED00] =	vst v63  }
0x37: {  	_ = 	snop  }
0x38: {  	[tilespmem:s24], [sflag:$0x1] =	stream.indirect.gather [hbm4b:s1+s22], $0x80, s22, s22, $0xb8;
	[tilespmem:$0x1ED00] =	vst v63  }
0x39: {  	s2 =	sadd.s32 $0x10, s0  }
0x3a: {  	[tilespmem:s25], [sflag:$0x2] =	stream.linear.gather [hbm4b:s2+s4], $0x80, $0x38;
	[tilespmem:$0x1ED00] =	vst v63  }
0x3b: {  	_ =	swait.ge [sflag:s26], $0x4000  }
0x3c: {  	[sflag:s26] =	ssyncset.done $0x0  }
0x3d: {  	[sflag:s26] =	ssyncadd.s32 $0xFFFFC000  }
0x3e: {  	_ =	swait.ge [sflag:s28], $0x80  }
0x3f: {  	[sflag:s28] =	ssyncset.done $0x0  }
0x40: {  	[sflag:s28] =	ssyncadd.s32 $0xFFFFFF80  }
0x41: {  	[spmem:s3] =	stream.indirect.scatter.add.f32 [tilespmem:s17], [sflag:$0x3], $0x80, s23, s22, $0xb8;
	[tilespmem:$0x1ED00] =	vst v63  }
0x42: {  	_ =	swait.ge [sflag:s15], $0x4000  }
0x43: {  	[sflag:s15] =	ssyncset.done $0x0  }
0x44: {  	[sflag:s15] =	ssyncadd.s32 $0xFFFFC000  }
0x45: {  	_ =	swait.ge [sflag:s26], $0x4000  }
0x46: {  	[sflag:s26] =	ssyncset.done $0x0  }
0x47: {  	[sflag:s26] =	ssyncadd.s32 $0xFFFFC000  }
0x48: {  	_ =	swait.ge [sflag:s28], $0x80  }
0x49: {  	[sflag:s28] =	ssyncset.done $0x0  }
0x4a: {  	[sflag:s28] =	ssyncadd.s32 $0xFFFFFF80  }
0x4b: {  	[spmem:s3] =	stream.indirect.scatter.add.f32 [tilespmem:s24], [sflag:$0x3], $0x80, s25, s22, $0xb8;
	[tilespmem:$0x1ED00] =	vst v63  }
0x4c: {  	s30 =	simm.s32 $0x20;
	_ =	swait.ge [sflag:s15], $0x4000  }
0x4d: {  	s31 =	simm.s32 $0x180;
	s2 =	simm.s32 $0x40;
	[sflag:s15] =	ssyncset.done $0x0  }
.LBB2_2:
0x4e: {  	p0 =	sne.s32 s2, $0x4E0;
	s0 =	sadd.s32 $0xFFFFFF80, s31;
	[sflag:s15] =	ssyncadd.s32 $0xFFFFC000  }
0x4f: {  	[tilespmem:s17], [sflag:$0x1] =	stream.indirect.gather [hbm4b:s1+s22], $0x80, s0, s22, $0xb8;
	[tilespmem:$0x1ED00] =	vst v63  }
0x50: {  	s0 =	sadd.s32 s30, s14;
	s30 =	smov.u32 s2;
	s2 =	sadd.s32 $0x20, s2  }
0x51: {  	[tilespmem:s23], [sflag:$0x2] =	stream.linear.gather [hbm4b:s0+s4], $0x80, $0x38;
	[tilespmem:$0x1ED00] =	vst v63  }
0x52: {  	_ = 	snop  }
0x53: {  	[tilespmem:s24], [sflag:$0x1] =	stream.indirect.gather [hbm4b:s1+s22], $0x80, s31, s22, $0xb8;
	[tilespmem:$0x1ED00] =	vst v63  }
0x54: {  	s0 =	sadd.s32 $0x10, s0  }
0x55: {  	[tilespmem:s25], [sflag:$0x2] =	stream.linear.gather [hbm4b:s0+s4], $0x80, $0x38;
	[tilespmem:$0x1ED00] =	vst v63  }
0x56: {  	_ =	swait.ge [sflag:s26], $0x4000  }
0x57: {  	[sflag:s26] =	ssyncset.done $0x0  }
0x58: {  	[sflag:s26] =	ssyncadd.s32 $0xFFFFC000  }
0x59: {  	_ =	swait.ge [sflag:s28], $0x80  }
0x5a: {  	[sflag:s28] =	ssyncset.done $0x0  }
0x5b: {  	[sflag:s28] =	ssyncadd.s32 $0xFFFFFF80  }
0x5c: {  	[spmem:s3] =	stream.indirect.scatter.add.f32 [tilespmem:s17], [sflag:$0x3], $0x80, s23, s22, $0xb8;
	[tilespmem:$0x1ED00] =	vst v63  }
0x5d: {  	_ =	swait.ge [sflag:s15], $0x4000  }
0x5e: {  	[sflag:s15] =	ssyncset.done $0x0  }
0x5f: {  	[sflag:s15] =	ssyncadd.s32 $0xFFFFC000  }
0x60: {  	_ =	swait.ge [sflag:s26], $0x4000  }
0x61: {  	[sflag:s26] =	ssyncset.done $0x0  }
0x62: {  	[sflag:s26] =	ssyncadd.s32 $0xFFFFC000  }
0x63: {  	_ =	swait.ge [sflag:s28], $0x80  }
.Ltmp0:
0x64: {  	[sflag:s28] =	ssyncset.done $0x0;
	(pc) =	sbr.rel @p0 .LBB2_2-.Ltmp0, $4  }
0x65: {  	[sflag:s28] =	ssyncadd.s32 $0xFFFFFF80  }
0x66: {  	[spmem:s3] =	stream.indirect.scatter.add.f32 [tilespmem:s24], [sflag:$0x3], $0x80, s25, s22, $0xb8;
	[tilespmem:$0x1ED00] =	vst v63  }
0x67: {  	_ =	swait.ge [sflag:s15], $0x4000  }
0x68: {  	s31 =	sadd.s32 $0x100, s31;
	[sflag:s15] =	ssyncset.done $0x0  }
0x69: {  	s0 =	sadd.s32 $0xFFFFFF80, s31;
	[sflag:s15] =	ssyncadd.s32 $0xFFFFC000  }
0x6a: {  	[tilespmem:s17], [sflag:$0x1] =	stream.indirect.gather [hbm4b:s1+s22], $0x80, s0, s22, $0xb8;
	[tilespmem:$0x1ED00] =	vst v63  }
0x6b: {  	s30 =	sadd.s32 s30, s14  }
0x6c: {  	[tilespmem:s23], [sflag:$0x2] =	stream.linear.gather [hbm4b:s30+s4], $0x80, $0x38;
	[tilespmem:$0x1ED00] =	vst v63  }
0x6d: {  	_ = 	snop  }
0x6e: {  	[tilespmem:s24], [sflag:$0x1] =	stream.indirect.gather [hbm4b:s1+s22], $0x80, s31, s22, $0xb8;
	[tilespmem:$0x1ED00] =	vst v63  }
0x6f: {  	s0 =	sadd.s32 $0x10, s30  }
0x70: {  	[tilespmem:s25], [sflag:$0x2] =	stream.linear.gather [hbm4b:s0+s4], $0x80, $0x38;
	[tilespmem:$0x1ED00] =	vst v63  }
0x71: {  	_ =	swait.ge [sflag:s26], $0x4000  }
0x72: {  	[sflag:s26] =	ssyncset.done $0x0  }
0x73: {  	[sflag:s26] =	ssyncadd.s32 $0xFFFFC000  }
0x74: {  	_ =	swait.ge [sflag:s28], $0x80  }
0x75: {  	[sflag:s28] =	ssyncset.done $0x0  }
0x76: {  	[sflag:s28] =	ssyncadd.s32 $0xFFFFFF80  }
0x77: {  	[spmem:s3] =	stream.indirect.scatter.add.f32 [tilespmem:s17], [sflag:$0x3], $0x80, s23, s22, $0xb8;
	[tilespmem:$0x1ED00] =	vst v63  }
0x78: {  	_ =	swait.ge [sflag:s15], $0x4000  }
0x79: {  	[sflag:s15] =	ssyncset.done $0x0  }
0x7a: {  	[sflag:s15] =	ssyncadd.s32 $0xFFFFC000  }
0x7b: {  	_ =	swait.ge [sflag:s26], $0x4000  }
0x7c: {  	[sflag:s26] =	ssyncset.done $0x0  }
0x7d: {  	[sflag:s26] =	ssyncadd.s32 $0xFFFFC000  }
0x7e: {  	_ =	swait.ge [sflag:s28], $0x80  }
0x7f: {  	[sflag:s28] =	ssyncset.done $0x0  }
0x80: {  	[sflag:s28] =	ssyncadd.s32 $0xFFFFFF80  }
0x81: {  	[spmem:s3] =	stream.indirect.scatter.add.f32 [tilespmem:s24], [sflag:$0x3], $0x80, s25, s22, $0xb8;
	[tilespmem:$0x1ED00] =	vst v63  }
0x82: {  	_ =	swait.ge [sflag:s15], $0x4000  }
0x83: {  	[sflag:s15] =	ssyncset.done $0x0  }
0x84: {  	[sflag:s15] =	ssyncadd.s32 $0xFFFFC000  }
0x85: {  	[bflag:$0x0] =	sbarrier.arrive $0xFFFF  }
0x86: {  	[tilespmem:s17], [sflag:$0x3] =	stream.indirect.gather [spmem:s3], $0x80, s16, s22, $0xb8;
	[tilespmem:$0x1ED00] =	vst v63  }
0x87: {  	_ =	swait.ge [sflag:s15], $0x4000  }
0x88: {  	[sflag:s15] =	ssyncset.done $0x0  }
0x89: {  	[sflag:s15] =	ssyncadd.s32 $0xFFFFC000  }
0x8a: {  	[hbm4b:s8+s4] =	stream.linear.scatter [tilespmem:s17], [sflag:$0x3], $0x4000, $0x38;
	[tilespmem:$0x1ED00] =	vst v63  }
0x8b: {  	_ =	swait.ge [sflag:s15], $0x4000  }
0x8c: {  	[sflag:s15] =	ssyncset.done $0x0  }
0x8d: {  	[sflag:s15] =	ssyncadd.s32 $0xFFFFC000  }
0x8e: {  	[tilespmem:s24], [sflag:$0x3] =	stream.indirect.gather [spmem:s3], $0x80, s18, s22, $0xb8;
	[tilespmem:$0x1ED00] =	vst v63  }
0x8f: {  	_ =	swait.ge [sflag:s15], $0x4000  }
0x90: {  	[sflag:s15] =	ssyncset.done $0x0  }
0x91: {  	[sflag:s15] =	ssyncadd.s32 $0xFFFFC000  }
0x92: {  	[hbm4b:s9+s4] =	stream.linear.scatter [tilespmem:s24], [sflag:$0x3], $0x4000, $0x38;
	[tilespmem:$0x1ED00] =	vst v63  }
0x93: {  	_ =	swait.ge [sflag:s15], $0x4000  }
0x94: {  	[sflag:s15] =	ssyncset.done $0x0  }
0x95: {  	[sflag:s15] =	ssyncadd.s32 $0xFFFFC000  }
0x96: {  	[tilespmem:s17], [sflag:$0x3] =	stream.indirect.gather [spmem:s3], $0x80, s19, s22, $0xb8;
	[tilespmem:$0x1ED00] =	vst v63  }
0x97: {  	_ =	swait.ge [sflag:s15], $0x4000  }
0x98: {  	[sflag:s15] =	ssyncset.done $0x0  }
0x99: {  	[sflag:s15] =	ssyncadd.s32 $0xFFFFC000  }
0x9a: {  	[hbm4b:s10+s4] =	stream.linear.scatter [tilespmem:s17], [sflag:$0x3], $0x4000, $0x38;
	[tilespmem:$0x1ED00] =	vst v63  }
0x9b: {  	_ =	swait.ge [sflag:s15], $0x4000  }
0x9c: {  	[sflag:s15] =	ssyncset.done $0x0  }
0x9d: {  	[sflag:s15] =	ssyncadd.s32 $0xFFFFC000  }
0x9e: {  	[tilespmem:s24], [sflag:$0x3] =	stream.indirect.gather [spmem:s3], $0x80, s20, s22, $0xb8;
	[tilespmem:$0x1ED00] =	vst v63  }
0x9f: {  	_ =	swait.ge [sflag:s15], $0x4000  }
0xa0: {  	[sflag:s15] =	ssyncset.done $0x0  }
0xa1: {  	[sflag:s15] =	ssyncadd.s32 $0xFFFFC000  }
0xa2: {  	[hbm4b:s11+s4] =	stream.linear.scatter [tilespmem:s24], [sflag:$0x3], $0x4000, $0x38;
	[tilespmem:$0x1ED00] =	vst v63  }
0xa3: {  	_ =	swait.ge [sflag:s15], $0x4000  }
0xa4: {  	[sflag:s15] =	ssyncset.done $0x0  }
0xa5: {  	[sflag:s15] =	ssyncadd.s32 $0xFFFFC000  }
0xa6: {  	[tilespmem:s17], [sflag:$0x3] =	stream.indirect.gather [spmem:s3], $0x80, s21, s22, $0xb8;
	[tilespmem:$0x1ED00] =	vst v63  }
0xa7: {  	s29 =	sadd.s32 $0x1, s29;
	_ =	swait.ge [sflag:s15], $0x4000  }
0xa8: {  	p0 =	sne.s32 s29, s13;
	[sflag:s15] =	ssyncset.done $0x0  }
.Ltmp1:
0xa9: {  	[sflag:s15] =	ssyncadd.s32 $0xFFFFC000;
	(pc) =	sbr.rel @p0 .LBB2_1-.Ltmp1, $4  }
0xaa: {  	[hbm4b:s12+s4] =	stream.linear.scatter [tilespmem:s17], [sflag:$0x3], $0x4000, $0x38;
	[tilespmem:$0x1ED00] =	vst v63  }
0xab: {  	_ =	swait.ge [sflag:s15], $0x4000  }
0xac: {  	[sflag:s15] =	ssyncset.done $0x0  }
0xad: {  	[sflag:s15] =	ssyncadd.s32 $0xFFFFC000  }
0xae: {  	_ =	sfence.sel $0x180000  }
0xaf: {  	[bflag:$0x0] =	sbarrier.arrive $0xFFFF  }
0xb0: {  	_ =	strace $0x90000047  }
0xb1: {  	s0 =	stileid.u32;
	[bflag:$0x2] =	sbarrier.arrive $0xFFFF  }
0xb2: {  	p0 =	sne.s32 s0, $0x0;
	s0 =	rddreg [dreg:$0x3]  }
0xb3: {  	s0 =	sadd.s32 @!p0 $0x100000, s0  }
0xb4: {  	[sflag:s0] =	ssyncadd.tile.s32 @!p0 $0x1;
	_ =	shalt  }
.Lfunc_end2:
_tile_overlayer_lowered:
.L_overlay_start_2:
0xb5: {  	(tag) =	ssettag $0x2  }
0xb6: {  	s0 =	rddreg [dreg:$0x0];
	s2 =	stileid.u32  }
0xb7: {  	s1 =	rddreg [dreg:$0x1];
	p0 =	sne.s32 s2, $0x0  }
0xb8: {  	s3 =	rddreg [dreg:$0x2];
	[bflag:$0x3] =	sbarrier.arrive $0xFFFF;
	s2 =	simm.s32 @!p0 $0x1C03  }
0xb9: {  	[timem:s3], [sflag:s2] =	dma.local @!p0 [hbm:s0], s1  }
0xba: {  	s0 =	simm.s32 @!p0 $0x3  }
0xbb: {  	_ =	swait.ge @!p0 [sflag:s0], s1  }
0xbc: {  	s1 =	ssub.s32 @!p0 $0x0, s1;
	[sflag:s0] =	ssyncset.done @!p0 $0x0  }
0xbd: {  	[sflag:s0] =	ssyncadd.s32 @!p0 s1  }
0xbe: {  	[bflag:$0x3] =	sbarrier.arrive $0xFFFF  }
0xbf: {  	_ =	shalt  }

// kernel: kernel.15.cloned.1.call-start
scs
__scs_entry_jumppad:
0x0: {  	(pc) =	sbr.rel $0x88, $3  }
0x1: {  	(tag) =	ssettag $0x0;
	lr =	simm.s32 $0x1  }
0x2: {  	[smem:$0x3F9C] =	sst lr;
	_ =	strace $0xD0000000  }
0x3: {  	_ = 	snop  }
0x4: {  	_ = 	snop  }
0x5: {  	_ = 	snop  }
0x6: {  	_ = 	snop  }
0x7: {  	_ = 	snop  }
__scs_overlays_trampoline_lowered:
0x8: {  	[smem:$0x3FAB] =	sst s0  }
0x9: {  	[smem:$0x3FAC] =	sst s1  }
0xa: {  	[smem:$0x3FAD] =	sst s2  }
0xb: {  	[smem:$0x3FAE] =	sst s3  }
0xc: {  	[smem:$0x3FAF] =	sst s4  }
0xd: {  	[smem:$0x3FB0] =	sst s5  }
0xe: {  	[smem:$0x3FB1] =	sst s6  }
0xf: {  	[smem:$0x3FB2] =	sst s7  }
0x10: {  	[smem:$0x3FB3] =	sst s8  }
0x11: {  	[smem:$0x3FB4] =	sst s9;
	s0 =	simm.s32 @!p0 $0x0  }
0x12: {  	s1 =	sld [smem:$0x3F9A];
	s0 =	simm.s32 @p0 $0x1  }
0x13: {  	[smem:$0x3FB5] =	sst s0;
	s0 =	simm.s32 @!p1 $0x0  }
0x14: {  	s2 =	sld [smem:$0x3F99];
	s0 =	simm.s32 @p1 $0x1  }
0x15: {  	[smem:$0x3FB6] =	sst s0;
	s0 =	simm.s32 @!p2 $0x0  }
0x16: {  	s3 =	sld [smem:$0x3FDB];
	s0 =	simm.s32 @p2 $0x1  }
0x17: {  	s4 =	simm.s32 $0x1BF5;
	[smem:$0x3FB8] =	sst s0  }
0x18: {  	s0 =	sld [smem:$0x3F9B];
	_ =	swait.ge [sflag:s4], $0x0  }
0x19: {  	s7 =	sld [smem:$0x3F9C]  }
0x1a: {  	s8 =	sadd.s32 $0xFFFFE003, lr  }
0x1b: {  	s9 =	sadd.s32 $0xFFFFFEF7, lr;
	s5 =	simm.s32 $0xFFFFFFFF;
	p2 =	slt.u32 s8, $0xFFFFF086  }
0x1c: {  	p1 =	slt.u32 s9, $0xF7A;
	s5 =	simm.s32 @!p2 $0x0  }
0x1d: {  	s5 =	simm.s32 @p1 $0x1;
	p0 =	seq.s32 s7, s2  }
0x1e: {  	s7 =	smul.u32 @!p0 $0xF7A, s2;
	p2 =	seq.s32 @!p0 s5, $0x0  }
0x1f: {  	s9 =	smul.u32 $0xF7A, s1;
	s8 =	simm.s32 @!p0 $0x1BF5;
	p2 =	por !p2, p0  }
0x20: {  	[sflag:s8] =	ssyncset.s32 @!p0 $0xFFFFF086;
	s6 =	sadd.s32 @!p0 s3, s7;
	s7 =	simm.s32 @!p0 $0x108  }
0x21: {  	s3 =	sadd.s32 s3, s9;
	s6 =	sadd.s32 @!p0 $0x88, s6;
	s7 =	simm.s32 @p2 $0x1082  }
0x22: {  	[simem:s7], [sflag:s8] =	dma.local @!p0 [hbm:s6], $0xF7A  }
0x23: {  	s9 =	sor.u32 $0xD0000000, s2;
	s6 =	simm.s32 $0x108;
	_ =	swait.ge @!p0 [sflag:s8], $0x0  }
0x24: {  	s3 =	sadd.s32 $0x88, s3;
	s6 =	simm.s32 @!p1 $0x1082;
	[sflag:s4] =	ssyncset.s32 $0xFFFFF086  }
0x25: {  	[simem:s6], [sflag:s4] =	dma.local [hbm:s3], $0xF7A  }
0x26: {  	[smem:$0x3F9C] =	sst s1;
	(tag) =	ssettag s2;
	_ =	strace s9  }
0x27: {  	s1 =	sld [smem:$0x3FAC]  }
0x28: {  	s2 =	sld [smem:$0x3FAD]  }
0x29: {  	s4 =	sld [smem:$0x3FAF]  }
0x2a: {  	p0 =	seq.s32 s5, $0x0;
	s5 =	sld [smem:$0x3FB0]  }
0x2b: {  	s6 =	sld [smem:$0x3FB1]  }
0x2c: {  	s7 =	sld [smem:$0x3FB2]  }
0x2d: {  	s3 =	simm.s32 $0x108;
	s8 =	sld [smem:$0x3FB3]  }
0x2e: {  	s3 =	simm.s32 @!p0 $0x1082;
	s9 =	sld [smem:$0x3FB4]  }
0x2f: {  	lr =	sadd.s32 s0, s3;
	s0 =	sld [smem:$0x3FAB]  }
0x30: {  	s3 =	sld [smem:$0x3FAE]  }
0x31: {  	[smem:$0x3FB7] =	sst s10  }
0x32: {  	s10 =	sld [smem:$0x3FB5];
	_ =	sdelay $0x3  }
0x33: {  	p0 =	seq.s32 s10, $0x1;
	s10 =	sld [smem:$0x3FB7];
	_ =	sdelay $0x3  }
0x34: {  	[smem:$0x3FB7] =	sst s10  }
0x35: {  	s10 =	sld [smem:$0x3FB6];
	_ =	sdelay $0x3  }
0x36: {  	p1 =	seq.s32 s10, $0x1;
	s10 =	sld [smem:$0x3FB7];
	_ =	sdelay $0x3  }
0x37: {  	[smem:$0x3FB7] =	sst s10  }
0x38: {  	s10 =	sld [smem:$0x3FB8]  }
0x39: {  	_ = 	snop;
	(pc) =	sbr.ind lr, $3  }
0x3a: {  	_ = 	snop  }
0x3b: {  	_ = 	snop  }
0x3c: {  	p2 =	seq.s32 s10, $0x1;
	s10 =	sld [smem:$0x3FB7]  }
0x3d: {  	_ =	shalt  }
0x3e: {  	_ =	shalt  }
0x3f: {  	_ =	shalt  }
0x40: {  	_ =	shalt  }
0x41: {  	_ =	shalt  }
0x42: {  	_ =	shalt  }
0x43: {  	_ =	shalt  }
0x44: {  	_ =	shalt  }
0x45: {  	_ =	shalt  }
0x46: {  	_ =	shalt  }
0x47: {  	_ =	shalt  }
0x48: {  	_ =	shalt  }
0x49: {  	_ =	shalt  }
0x4a: {  	_ =	shalt  }
0x4b: {  	_ =	shalt  }
0x4c: {  	_ =	shalt  }
0x4d: {  	_ =	shalt  }
0x4e: {  	_ =	shalt  }
0x4f: {  	_ =	shalt  }
0x50: {  	_ =	shalt  }
0x51: {  	_ =	shalt  }
0x52: {  	_ =	shalt  }
0x53: {  	_ =	shalt  }
0x54: {  	_ =	shalt  }
0x55: {  	_ =	shalt  }
0x56: {  	_ =	shalt  }
0x57: {  	_ =	shalt  }
0x58: {  	_ =	shalt  }
0x59: {  	_ =	shalt  }
0x5a: {  	_ =	shalt  }
0x5b: {  	_ =	shalt  }
0x5c: {  	_ =	shalt  }
0x5d: {  	_ =	shalt  }
0x5e: {  	_ =	shalt  }
0x5f: {  	_ =	shalt  }
0x60: {  	_ =	shalt  }
0x61: {  	_ =	shalt  }
0x62: {  	_ =	shalt  }
0x63: {  	_ =	shalt  }
0x64: {  	_ =	shalt  }
0x65: {  	_ =	shalt  }
0x66: {  	_ =	shalt  }
0x67: {  	_ =	shalt  }
0x68: {  	_ =	shalt  }
0x69: {  	_ =	shalt  }
0x6a: {  	_ =	shalt  }
0x6b: {  	_ =	shalt  }
0x6c: {  	_ =	shalt  }
0x6d: {  	_ =	shalt  }
0x6e: {  	_ =	shalt  }
0x6f: {  	_ =	shalt  }
0x70: {  	_ =	shalt  }
0x71: {  	_ =	shalt  }
0x72: {  	_ =	shalt  }
0x73: {  	_ =	shalt  }
0x74: {  	_ =	shalt  }
0x75: {  	_ =	shalt  }
0x76: {  	_ =	shalt  }
0x77: {  	_ =	shalt  }
0x78: {  	_ =	shalt  }
0x79: {  	_ =	shalt  }
0x7a: {  	_ =	shalt  }
0x7b: {  	_ =	shalt  }
0x7c: {  	_ =	shalt  }
0x7d: {  	_ =	shalt  }
0x7e: {  	_ =	shalt  }
0x7f: {  	_ =	shalt  }
0x80: {  	_ =	shalt  }
0x81: {  	_ =	shalt  }
0x82: {  	_ =	shalt  }
0x83: {  	_ =	shalt  }
0x84: {  	_ =	shalt  }
0x85: {  	_ =	shalt  }
0x86: {  	_ =	shalt  }
0x87: {  	_ =	shalt  }
.Lfunc_end0:
.L_simem_size_0:
called_computation.2_lowered:
.L_overlay_start_0:
0x88: {  	s2 =	sld [smem:$0x3FD9]  }
0x89: {  	s3 =	sld [smem:$0x3FFE];
	_ =	sdelay $0x1  }
0x8a: {  	s1 =	srdreg.scid  }
0x8b: {  	s0 =	sand.u32 $0x1, s1  }
0x8c: {  	s17 =	sshll.u32 s0, $0xA;
	s2 =	sadd.s32 s3, s2  }
0x8d: {  	s2 =	sadd.s32 s2, s17  }
0x8e: {  	[smem:$0x3FC3] =	sst s2  }
0x8f: {  	_ = 	snop  }
0x90: {  	s2 =	sld [smem:$0x3FD0];
	(tm) =	ssettm $0x1  }
0x91: {  	s18 =	sld [smem:$0x3FFB];
	_ =	sdelay $0x3  }
0x92: {  	_ =	strace s18  }
0x93: {  	s3 =	sld [smem:$0x3FFC];
	_ =	sdelay $0x3  }
0x94: {  	_ =	strace s3  }
0x95: {  	s3 =	sld [smem:$0x3FFD];
	_ =	sdelay $0x3  }
0x96: {  	_ =	strace s3  }
0x97: {  	_ =	strace $0x8FFFFFFF  }
0x98: {  	s19 =	sld [smem:$0x3FDB];
	_ =	sdelay $0x1  }
0x99: {  	s4 =	simm.s32 $_scs_section_size  }
0x9a: {  	s5 =	simm.s32 $_size__tile_overlayer_lowered;
	s6 =	simm.s32 $_tile_overlayer_lowered  }
0x9b: {  	s22 =	simm.s32 $0x1BFF;
	s21 =	sshll.u32 s6, $0x1;
	s3 =	sadd.s32 s4, s19  }
0x9c: {  	s7 =	simm.s32 $0x0;
	s20 =	sshll.u32 s5, $0x1;
	s5 =	sadd.s32 s21, s3  }
0x9d: {  	[timem:s7], [sflag:s22] =	dma.local [hbm:s5], s20  }
0x9e: {  	_ =	swait.ge [sflag:s22], s20  }
0x9f: {  	s4 =	ssub.s32 $0x0, s20;
	[sflag:s22] =	ssyncset.done $0x0  }
0xa0: {  	[sflag:s22] =	ssyncadd.s32 s4;
	_ =	sdelay $0x1  }
0xa1: {  	s23 =	simm.s32 $0x1B8B  }
0xa2: {  	_ =	swait.ge [sflag:s23], $0x1  }
0xa3: {  	[sflag:s23] =	ssyncset.done $0x0  }
0xa4: {  	s25 =	simm.s32 $0x1B8E;
	s24 =	sld [smem:$0x3FFE];
	[sflag:s23] =	ssyncadd.s32 $0xFFFFFFFF  }
0xa5: {  	s26 =	simm.s32 $execute0_lowered;
	[smem:$0x3FD2] =	sst s25  }
0xa6: {  	s5 =	sshll.u32 s26, $0x1;
	_ =	strace $0x8000004C;
	[dreg:$0x1] =	wrdreg $0xFFFFFFFF  }
0xa7: {  	s28 =	simm.s32 $_size_execute0_lowered;
	s3 =	sadd.s32 s3, s5;
	[dreg:$0x0] =	wrdreg $0x0  }
0xa8: {  	s5 =	sshll.u32 s28, $0x1;
	[dreg:$0x2] =	wrdreg s3  }
0xa9: {  	[dreg:$0x3] =	wrdreg s5  }
0xaa: {  	[dreg:$0x4] =	wrdreg $0xC0  }
0xab: {  	_ =	task [dreg:s7], $0x5FFFF  }
0xac: {  	[dreg:$0x1] =	wrdreg $0xFFFFFFFF  }
0xad: {  	[dreg:$0x0] =	wrdreg $0x60  }
0xae: {  	[dreg:$0x2] =	wrdreg s2  }
0xaf: {  	[dreg:$0x3] =	wrdreg s24  }
0xb0: {  	[dreg:$0x4] =	wrdreg $0xAD000  }
0xb1: {  	[dreg:$0x5] =	wrdreg $0x9  }
0xb2: {  	_ =	task.clear_ibuf [dreg:s7], $0x6FFFF;
	_ =	strace $0x9000004C  }
0xb3: {  	s29 =	simm.s32 $0x9;
	_ =	strace $0x8000004E  }
0xb4: {  	_ =	swait.ge [sflag:s29], $0x1  }
0xb5: {  	[sflag:s29] =	ssyncadd.s32 $0xFFFFFFFF  }
0xb6: {  	_ =	strace $0x9000004E  }
0xb7: {  	_ =	sfence  }
0xb8: {  	s30 =	sld [smem:$0x0];
	_ =	sdelay $0x2  }
0xb9: {  	s31 =	sshll.u32 s1, $0xD;
	s1 =	sshrl.u32 s1, $0x2  }
0xba: {  	s3 =	sand.u32 $0x4000, s31;
	s1 =	sadd.s32 s1, s30  }
0xbb: {  	s0 =	sor.u32 s3, s0;
	s1 =	sshll.u32 s1, $0x11  }
0xbc: {  	s0 =	sor.u32 s1, s0  }
0xbd: {  	s0 =	sadd.s32 $0x8F2B, s0  }
0xbe: {  	[sflag:s0] =	ssyncadd.remote.s32 $0x1  }
0xbf: {  	_ =	sfence.sel $0xFFFF  }
0xc0: {  	[dreg:$0x0] =	wrdreg $0xFFFFFFFF;
	(pc) =	sbr.abs _section_cstart, $3  }
0xc1: {  	[dreg:$0x1] =	wrdreg $0xFFFFFFFF  }
0xc2: {  	_ =	task.clear_ibuf [dreg:s7], $0x2FFFF;
	_ =	strace $0x9FFFFFFF  }
0xc3: {  	(tm) =	ssettm $0x7FFFFFFF  }
tec
execute0_lowered:
.L_overlay_start_1:
0x0: {  	(tag) =	ssettag $0x1  }
0x1: {  	s2 =	srdreg.scid  }
0x2: {  	s0 =	stileid.u32;
	s1 =	rddreg [dreg:$0x0]  }
0x3: {  	s6 =	rddreg [dreg:$0x1];
	s15 =	simm.s32 $0x3;
	s16 =	simm.s32 $0x2800  }
0x4: {  	s17 =	simm.s32 $0x2C00;
	s18 =	simm.s32 $0x2880;
	s19 =	simm.s32 $0x2900  }
0x5: {  	s20 =	simm.s32 $0x2980;
	s21 =	simm.s32 $0x2A00;
	s22 =	simm.s32 $0x80  }
0x6: {  	s23 =	simm.s32 $0xAC00;
	s24 =	simm.s32 $0x6C00;
	s25 =	simm.s32 $0xAC80  }
0x7: {  	s26 =	simm.s32 $0x1;
	s28 =	simm.s32 $0x2;
	s7 =	smul.u32 $0xA00, s0  }
0x8: {  	s29 =	simm.s32 $0x0;
	s2 =	sand.u32 $0x1, s2;
	s9 =	smul.u32 $0x280, s0  }
0x9: {  	s3 =	sshll.u32 s0, $0x1;
	s30 =	sshll.u32 s0, $0x7;
	s8 =	smul.u32 $0x2800, s2  }
0xa: {  	s4 =	sor.u32 s2, s3;
	s31 =	ssub.s32 $0x2, s2;
	s2 =	smul.u32 $0x500, s2  }
0xb: {  	s3 =	rddreg [dreg:$0x2];
	s5 =	smul.u32 $0x500, s4;
	s4 =	simm.s32 $0x0  }
0xc: {  	s14 =	sadd.s32 s7, s6;
	s7 =	sadd.s32 s30, s6;
	s11 =	sshrl.u32 s31, $0x1  }
0xd: {  	[smem:$0x7FF] =	sst s4;
	s8 =	sadd.s32 s9, s8;
	s13 =	ssub.s32 s31, s11  }
0xe: {  	s7 =	sadd.s32 $0x2A00, s7;
	s2 =	sadd.s32 s2, s14;
	_ =	strace $0x8000004D  }
0xf: {  	s10 =	sadd.s32 s5, s6;
	s5 =	sadd.s32 $0x17200, s6;
	s8 =	sshll.u32 s8, $0x4  }
0x10: {  	s13 =	smax.u32 s13, $0x1;
	s14 =	sadd.s32 $0xD200, s2;
	s12 =	sadd.s32 s8, s6  }
0x11: {  	s6 =	sadd.s32 $0x3200, s10;
	s8 =	sadd.s32 $0x17A00, s12;
	s9 =	sadd.s32 $0x18200, s12  }
0x12: {  	s10 =	sadd.s32 $0x18A00, s12;
	s11 =	sadd.s32 $0x19200, s12;
	s12 =	sadd.s32 $0x19A00, s12  }
.LBB2_1:
0x13: {  	[tilespmem:s4], [sflag:$0x3] =	stream.linear.gather [hbm4b:s6+s4], $0x2800, $0x38;
	[tilespmem:$0x1ED00] =	vst v63  }
0x14: {  	_ =	swait.ge [sflag:s15], $0x2800  }
0x15: {  	[sflag:s15] =	ssyncset.done $0x0  }
0x16: {  	[sflag:s15] =	ssyncadd.s32 $0xFFFFD800  }
0x17: {  	[tilespmem:s16], [sflag:$0x3] =	stream.linear.gather [hbm4b:s7+s4], $0x280, $0x38;
	[tilespmem:$0x1ED00] =	vst v63  }
0x18: {  	_ =	swait.ge [sflag:s15], $0x280  }
0x19: {  	[sflag:s15] =	ssyncset.done $0x0  }
0x1a: {  	[sflag:s15] =	ssyncadd.s32 $0xFFFFFD80  }
0x1b: {  	[tilespmem:s17], [sflag:$0x3] =	stream.linear.gather [hbm4b:s5+s4], $0x4000, $0x38;
	[tilespmem:$0x1ED00] =	vst v63  }
0x1c: {  	_ =	swait.ge [sflag:s15], $0x4000  }
0x1d: {  	[sflag:s15] =	ssyncset.done $0x0  }
0x1e: {  	[sflag:s15] =	ssyncadd.s32 $0xFFFFC000  }
0x1f: {  	[spmem:s3] =	stream.indirect.scatter [tilespmem:s17], [sflag:$0x3], $0x80, s16, s22, $0xb8;
	[tilespmem:$0x1ED00] =	vst v63  }
0x20: {  	_ =	swait.ge [sflag:s15], $0x4000  }
0x21: {  	[sflag:s15] =	ssyncset.done $0x0  }
0x22: {  	[sflag:s15] =	ssyncadd.s32 $0xFFFFC000  }
0x23: {  	[spmem:s3] =	stream.indirect.scatter [tilespmem:s17], [sflag:$0x3], $0x80, s18, s22, $0xb8;
	[tilespmem:$0x1ED00] =	vst v63  }
0x24: {  	_ =	swait.ge [sflag:s15], $0x4000  }
0x25: {  	[sflag:s15] =	ssyncset.done $0x0  }
0x26: {  	[sflag:s15] =	ssyncadd.s32 $0xFFFFC000  }
0x27: {  	[spmem:s3] =	stream.indirect.scatter [tilespmem:s17], [sflag:$0x3], $0x80, s19, s22, $0xb8;
	[tilespmem:$0x1ED00] =	vst v63  }
0x28: {  	_ =	swait.ge [sflag:s15], $0x4000  }
0x29: {  	[sflag:s15] =	ssyncset.done $0x0  }
0x2a: {  	[sflag:s15] =	ssyncadd.s32 $0xFFFFC000  }
0x2b: {  	[spmem:s3] =	stream.indirect.scatter [tilespmem:s17], [sflag:$0x3], $0x80, s20, s22, $0xb8;
	[tilespmem:$0x1ED00] =	vst v63  }
0x2c: {  	_ =	swait.ge [sflag:s15], $0x4000  }
0x2d: {  	[sflag:s15] =	ssyncset.done $0x0  }
0x2e: {  	[sflag:s15] =	ssyncadd.s32 $0xFFFFC000  }
0x2f: {  	[spmem:s3] =	stream.indirect.scatter [tilespmem:s17], [sflag:$0x3], $0x80, s21, s22, $0xb8;
	[tilespmem:$0x1ED00] =	vst v63  }
0x30: {  	_ =	swait.ge [sflag:s15], $0x4000  }
0x31: {  	[sflag:s15] =	ssyncset.done $0x0  }
0x32: {  	[sflag:s15] =	ssyncadd.s32 $0xFFFFC000  }
0x33: {  	s2 =	simm.s32 $0x0;
	[bflag:$0x0] =	sbarrier.arrive $0xFFFF  }
0x34: {  	[tilespmem:s17], [sflag:$0x1] =	stream.indirect.gather [hbm4b:s1+s22], $0x80, s2, s22, $0xb8;
	[tilespmem:$0x1ED00] =	vst v63  }
0x35: {  	s0 =	sadd.s32 $0x0, s14  }
0x36: {  	[tilespmem:s23], [sflag:$0x2] =	stream.linear.gather [hbm4b:s0+s4], $0x80, $0x38;
	[tilespmem:$0x1ED00] =	vst v63  }
0x37: {  	_ = 	snop  }
0x38: {  	[tilespmem:s24], [sflag:$0x1] =	stream.indirect.gather [hbm4b:s1+s22], $0x80, s22, s22, $0xb8;
	[tilespmem:$0x1ED00] =	vst v63  }
0x39: {  	s2 =	sadd.s32 $0x10, s0  }
0x3a: {  	[tilespmem:s25], [sflag:$0x2] =	stream.linear.gather [hbm4b:s2+s4], $0x80, $0x38;
	[tilespmem:$0x1ED00] =	vst v63  }
0x3b: {  	_ =	swait.ge [sflag:s26], $0x4000  }
0x3c: {  	[sflag:s26] =	ssyncset.done $0x0  }
0x3d: {  	[sflag:s26] =	ssyncadd.s32 $0xFFFFC000  }
0x3e: {  	_ =	swait.ge [sflag:s28], $0x80  }
0x3f: {  	[sflag:s28] =	ssyncset.done $0x0  }
0x40: {  	[sflag:s28] =	ssyncadd.s32 $0xFFFFFF80  }
0x41: {  	[spmem:s3] =	stream.indirect.scatter.add.f32 [tilespmem:s17], [sflag:$0x3], $0x80, s23, s22, $0xb8;
	[tilespmem:$0x1ED00] =	vst v63  }
0x42: {  	_ =	swait.ge [sflag:s15], $0x4000  }
0x43: {  	[sflag:s15] =	ssyncset.done $0x0  }
0x44: {  	[sflag:s15] =	ssyncadd.s32 $0xFFFFC000  }
0x45: {  	_ =	swait.ge [sflag:s26], $0x4000  }
0x46: {  	[sflag:s26] =	ssyncset.done $0x0  }
0x47: {  	[sflag:s26] =	ssyncadd.s32 $0xFFFFC000  }
0x48: {  	_ =	swait.ge [sflag:s28], $0x80  }
0x49: {  	[sflag:s28] =	ssyncset.done $0x0  }
0x4a: {  	[sflag:s28] =	ssyncadd.s32 $0xFFFFFF80  }
0x4b: {  	[spmem:s3] =	stream.indirect.scatter.add.f32 [tilespmem:s24], [sflag:$0x3], $0x80, s25, s22, $0xb8;
	[tilespmem:$0x1ED00] =	vst v63  }
0x4c: {  	s30 =	simm.s32 $0x20;
	_ =	swait.ge [sflag:s15], $0x4000  }
0x4d: {  	s31 =	simm.s32 $0x180;
	s2 =	simm.s32 $0x40;
	[sflag:s15] =	ssyncset.done $0x0  }
.LBB2_2:
0x4e: {  	p0 =	sne.s32 s2, $0x4E0;
	s0 =	sadd.s32 $0xFFFFFF80, s31;
	[sflag:s15] =	ssyncadd.s32 $0xFFFFC000  }
0x4f: {  	[tilespmem:s17], [sflag:$0x1] =	stream.indirect.gather [hbm4b:s1+s22], $0x80, s0, s22, $0xb8;
	[tilespmem:$0x1ED00] =	vst v63  }
0x50: {  	s0 =	sadd.s32 s30, s14;
	s30 =	smov.u32 s2;
	s2 =	sadd.s32 $0x20, s2  }
0x51: {  	[tilespmem:s23], [sflag:$0x2] =	stream.linear.gather [hbm4b:s0+s4], $0x80, $0x38;
	[tilespmem:$0x1ED00] =	vst v63  }
0x52: {  	_ = 	snop  }
0x53: {  	[tilespmem:s24], [sflag:$0x1] =	stream.indirect.gather [hbm4b:s1+s22], $0x80, s31, s22, $0xb8;
	[tilespmem:$0x1ED00] =	vst v63  }
0x54: {  	s0 =	sadd.s32 $0x10, s0  }
0x55: {  	[tilespmem:s25], [sflag:$0x2] =	stream.linear.gather [hbm4b:s0+s4], $0x80, $0x38;
	[tilespmem:$0x1ED00] =	vst v63  }
0x56: {  	_ =	swait.ge [sflag:s26], $0x4000  }
0x57: {  	[sflag:s26] =	ssyncset.done $0x0  }
0x58: {  	[sflag:s26] =	ssyncadd.s32 $0xFFFFC000  }
0x59: {  	_ =	swait.ge [sflag:s28], $0x80  }
0x5a: {  	[sflag:s28] =	ssyncset.done $0x0  }
0x5b: {  	[sflag:s28] =	ssyncadd.s32 $0xFFFFFF80  }
0x5c: {  	[spmem:s3] =	stream.indirect.scatter.add.f32 [tilespmem:s17], [sflag:$0x3], $0x80, s23, s22, $0xb8;
	[tilespmem:$0x1ED00] =	vst v63  }
0x5d: {  	_ =	swait.ge [sflag:s15], $0x4000  }
0x5e: {  	[sflag:s15] =	ssyncset.done $0x0  }
0x5f: {  	[sflag:s15] =	ssyncadd.s32 $0xFFFFC000  }
0x60: {  	_ =	swait.ge [sflag:s26], $0x4000  }
0x61: {  	[sflag:s26] =	ssyncset.done $0x0  }
0x62: {  	[sflag:s26] =	ssyncadd.s32 $0xFFFFC000  }
0x63: {  	_ =	swait.ge [sflag:s28], $0x80  }
.Ltmp0:
0x64: {  	[sflag:s28] =	ssyncset.done $0x0;
	(pc) =	sbr.rel @p0 .LBB2_2-.Ltmp0, $4  }
0x65: {  	[sflag:s28] =	ssyncadd.s32 $0xFFFFFF80  }
0x66: {  	[spmem:s3] =	stream.indirect.scatter.add.f32 [tilespmem:s24], [sflag:$0x3], $0x80, s25, s22, $0xb8;
	[tilespmem:$0x1ED00] =	vst v63  }
0x67: {  	_ =	swait.ge [sflag:s15], $0x4000  }
0x68: {  	s31 =	sadd.s32 $0x100, s31;
	[sflag:s15] =	ssyncset.done $0x0  }
0x69: {  	s0 =	sadd.s32 $0xFFFFFF80, s31;
	[sflag:s15] =	ssyncadd.s32 $0xFFFFC000  }
0x6a: {  	[tilespmem:s17], [sflag:$0x1] =	stream.indirect.gather [hbm4b:s1+s22], $0x80, s0, s22, $0xb8;
	[tilespmem:$0x1ED00] =	vst v63  }
0x6b: {  	s30 =	sadd.s32 s30, s14  }
0x6c: {  	[tilespmem:s23], [sflag:$0x2] =	stream.linear.gather [hbm4b:s30+s4], $0x80, $0x38;
	[tilespmem:$0x1ED00] =	vst v63  }
0x6d: {  	_ = 	snop  }
0x6e: {  	[tilespmem:s24], [sflag:$0x1] =	stream.indirect.gather [hbm4b:s1+s22], $0x80, s31, s22, $0xb8;
	[tilespmem:$0x1ED00] =	vst v63  }
0x6f: {  	s0 =	sadd.s32 $0x10, s30  }
0x70: {  	[tilespmem:s25], [sflag:$0x2] =	stream.linear.gather [hbm4b:s0+s4], $0x80, $0x38;
	[tilespmem:$0x1ED00] =	vst v63  }
0x71: {  	_ =	swait.ge [sflag:s26], $0x4000  }
0x72: {  	[sflag:s26] =	ssyncset.done $0x0  }
0x73: {  	[sflag:s26] =	ssyncadd.s32 $0xFFFFC000  }
0x74: {  	_ =	swait.ge [sflag:s28], $0x80  }
0x75: {  	[sflag:s28] =	ssyncset.done $0x0  }
0x76: {  	[sflag:s28] =	ssyncadd.s32 $0xFFFFFF80  }
0x77: {  	[spmem:s3] =	stream.indirect.scatter.add.f32 [tilespmem:s17], [sflag:$0x3], $0x80, s23, s22, $0xb8;
	[tilespmem:$0x1ED00] =	vst v63  }
0x78: {  	_ =	swait.ge [sflag:s15], $0x4000  }
0x79: {  	[sflag:s15] =	ssyncset.done $0x0  }
0x7a: {  	[sflag:s15] =	ssyncadd.s32 $0xFFFFC000  }
0x7b: {  	_ =	swait.ge [sflag:s26], $0x4000  }
0x7c: {  	[sflag:s26] =	ssyncset.done $0x0  }
0x7d: {  	[sflag:s26] =	ssyncadd.s32 $0xFFFFC000  }
0x7e: {  	_ =	swait.ge [sflag:s28], $0x80  }
0x7f: {  	[sflag:s28] =	ssyncset.done $0x0  }
0x80: {  	[sflag:s28] =	ssyncadd.s32 $0xFFFFFF80  }
0x81: {  	[spmem:s3] =	stream.indirect.scatter.add.f32 [tilespmem:s24], [sflag:$0x3], $0x80, s25, s22, $0xb8;
	[tilespmem:$0x1ED00] =	vst v63  }
0x82: {  	_ =	swait.ge [sflag:s15], $0x4000  }
0x83: {  	[sflag:s15] =	ssyncset.done $0x0  }
0x84: {  	[sflag:s15] =	ssyncadd.s32 $0xFFFFC000  }
0x85: {  	[bflag:$0x0] =	sbarrier.arrive $0xFFFF  }
0x86: {  	[tilespmem:s17], [sflag:$0x3] =	stream.indirect.gather [spmem:s3], $0x80, s16, s22, $0xb8;
	[tilespmem:$0x1ED00] =	vst v63  }
0x87: {  	_ =	swait.ge [sflag:s15], $0x4000  }
0x88: {  	[sflag:s15] =	ssyncset.done $0x0  }
0x89: {  	[sflag:s15] =	ssyncadd.s32 $0xFFFFC000  }
0x8a: {  	[hbm4b:s8+s4] =	stream.linear.scatter [tilespmem:s17], [sflag:$0x3], $0x4000, $0x38;
	[tilespmem:$0x1ED00] =	vst v63  }
0x8b: {  	_ =	swait.ge [sflag:s15], $0x4000  }
0x8c: {  	[sflag:s15] =	ssyncset.done $0x0  }
0x8d: {  	[sflag:s15] =	ssyncadd.s32 $0xFFFFC000  }
0x8e: {  	[tilespmem:s24], [sflag:$0x3] =	stream.indirect.gather [spmem:s3], $0x80, s18, s22, $0xb8;
	[tilespmem:$0x1ED00] =	vst v63  }
0x8f: {  	_ =	swait.ge [sflag:s15], $0x4000  }
0x90: {  	[sflag:s15] =	ssyncset.done $0x0  }
0x91: {  	[sflag:s15] =	ssyncadd.s32 $0xFFFFC000  }
0x92: {  	[hbm4b:s9+s4] =	stream.linear.scatter [tilespmem:s24], [sflag:$0x3], $0x4000, $0x38;
	[tilespmem:$0x1ED00] =	vst v63  }
0x93: {  	_ =	swait.ge [sflag:s15], $0x4000  }
0x94: {  	[sflag:s15] =	ssyncset.done $0x0  }
0x95: {  	[sflag:s15] =	ssyncadd.s32 $0xFFFFC000  }
0x96: {  	[tilespmem:s17], [sflag:$0x3] =	stream.indirect.gather [spmem:s3], $0x80, s19, s22, $0xb8;
	[tilespmem:$0x1ED00] =	vst v63  }
0x97: {  	_ =	swait.ge [sflag:s15], $0x4000  }
0x98: {  	[sflag:s15] =	ssyncset.done $0x0  }
0x99: {  	[sflag:s15] =	ssyncadd.s32 $0xFFFFC000  }
0x9a: {  	[hbm4b:s10+s4] =	stream.linear.scatter [tilespmem:s17], [sflag:$0x3], $0x4000, $0x38;
	[tilespmem:$0x1ED00] =	vst v63  }
0x9b: {  	_ =	swait.ge [sflag:s15], $0x4000  }
0x9c: {  	[sflag:s15] =	ssyncset.done $0x0  }
0x9d: {  	[sflag:s15] =	ssyncadd.s32 $0xFFFFC000  }
0x9e: {  	[tilespmem:s24], [sflag:$0x3] =	stream.indirect.gather [spmem:s3], $0x80, s20, s22, $0xb8;
	[tilespmem:$0x1ED00] =	vst v63  }
0x9f: {  	_ =	swait.ge [sflag:s15], $0x4000  }
0xa0: {  	[sflag:s15] =	ssyncset.done $0x0  }
0xa1: {  	[sflag:s15] =	ssyncadd.s32 $0xFFFFC000  }
0xa2: {  	[hbm4b:s11+s4] =	stream.linear.scatter [tilespmem:s24], [sflag:$0x3], $0x4000, $0x38;
	[tilespmem:$0x1ED00] =	vst v63  }
0xa3: {  	_ =	swait.ge [sflag:s15], $0x4000  }
0xa4: {  	[sflag:s15] =	ssyncset.done $0x0  }
0xa5: {  	[sflag:s15] =	ssyncadd.s32 $0xFFFFC000  }
0xa6: {  	[tilespmem:s17], [sflag:$0x3] =	stream.indirect.gather [spmem:s3], $0x80, s21, s22, $0xb8;
	[tilespmem:$0x1ED00] =	vst v63  }
0xa7: {  	s29 =	sadd.s32 $0x1, s29;
	_ =	swait.ge [sflag:s15], $0x4000  }
0xa8: {  	p0 =	sne.s32 s29, s13;
	[sflag:s15] =	ssyncset.done $0x0  }
.Ltmp1:
0xa9: {  	[sflag:s15] =	ssyncadd.s32 $0xFFFFC000;
	(pc) =	sbr.rel @p0 .LBB2_1-.Ltmp1, $4  }
0xaa: {  	[hbm4b:s12+s4] =	stream.linear.scatter [tilespmem:s17], [sflag:$0x3], $0x4000, $0x38;
	[tilespmem:$0x1ED00] =	vst v63  }
0xab: {  	_ =	swait.ge [sflag:s15], $0x4000  }
0xac: {  	[sflag:s15] =	ssyncset.done $0x0  }
0xad: {  	[sflag:s15] =	ssyncadd.s32 $0xFFFFC000  }
0xae: {  	_ =	sfence.sel $0x180000  }
0xaf: {  	[bflag:$0x0] =	sbarrier.arrive $0xFFFF  }
0xb0: {  	_ =	strace $0x9000004D  }
0xb1: {  	s0 =	stileid.u32;
	[bflag:$0x2] =	sbarrier.arrive $0xFFFF  }
0xb2: {  	p0 =	sne.s32 s0, $0x0;
	s0 =	rddreg [dreg:$0x3]  }
0xb3: {  	s0 =	sadd.s32 @!p0 $0x100000, s0  }
0xb4: {  	[sflag:s0] =	ssyncadd.tile.s32 @!p0 $0x1;
	_ =	shalt  }
.Lfunc_end2:
_tile_overlayer_lowered:
.L_overlay_start_2:
0xb5: {  	(tag) =	ssettag $0x2  }
0xb6: {  	s0 =	rddreg [dreg:$0x0];
	s2 =	stileid.u32  }
0xb7: {  	s1 =	rddreg [dreg:$0x1];
	p0 =	sne.s32 s2, $0x0  }
0xb8: {  	s3 =	rddreg [dreg:$0x2];
	[bflag:$0x3] =	sbarrier.arrive $0xFFFF;
	s2 =	simm.s32 @!p0 $0x1C03  }
0xb9: {  	[timem:s3], [sflag:s2] =	dma.local @!p0 [hbm:s0], s1  }
0xba: {  	s0 =	simm.s32 @!p0 $0x3  }
0xbb: {  	_ =	swait.ge @!p0 [sflag:s0], s1  }
0xbc: {  	s1 =	ssub.s32 @!p0 $0x0, s1;
	[sflag:s0] =	ssyncset.done @!p0 $0x0  }
0xbd: {  	[sflag:s0] =	ssyncadd.s32 @!p0 s1  }
0xbe: {  	[bflag:$0x3] =	sbarrier.arrive $0xFFFF  }
0xbf: {  	_ =	shalt  }

// kernel: kernel.18.cloned.1.call-start
scs
__scs_entry_jumppad:
0x0: {  	(pc) =	sbr.rel $0x88, $3  }
0x1: {  	(tag) =	ssettag $0x0;
	lr =	simm.s32 $0x1  }
0x2: {  	[smem:$0x3F9C] =	sst lr;
	_ =	strace $0xD0000000  }
0x3: {  	_ = 	snop  }
0x4: {  	_ = 	snop  }
0x5: {  	_ = 	snop  }
0x6: {  	_ = 	snop  }
0x7: {  	_ = 	snop  }
__scs_overlays_trampoline_lowered:
0x8: {  	[smem:$0x3FAB] =	sst s0  }
0x9: {  	[smem:$0x3FAC] =	sst s1  }
0xa: {  	[smem:$0x3FAD] =	sst s2  }
0xb: {  	[smem:$0x3FAE] =	sst s3  }
0xc: {  	[smem:$0x3FAF] =	sst s4  }
0xd: {  	[smem:$0x3FB0] =	sst s5  }
0xe: {  	[smem:$0x3FB1] =	sst s6  }
0xf: {  	[smem:$0x3FB2] =	sst s7  }
0x10: {  	[smem:$0x3FB3] =	sst s8  }
0x11: {  	[smem:$0x3FB4] =	sst s9;
	s0 =	simm.s32 @!p0 $0x0  }
0x12: {  	s1 =	sld [smem:$0x3F9A];
	s0 =	simm.s32 @p0 $0x1  }
0x13: {  	[smem:$0x3FB5] =	sst s0;
	s0 =	simm.s32 @!p1 $0x0  }
0x14: {  	s2 =	sld [smem:$0x3F99];
	s0 =	simm.s32 @p1 $0x1  }
0x15: {  	[smem:$0x3FB6] =	sst s0;
	s0 =	simm.s32 @!p2 $0x0  }
0x16: {  	s3 =	sld [smem:$0x3FDB];
	s0 =	simm.s32 @p2 $0x1  }
0x17: {  	s4 =	simm.s32 $0x1BF5;
	[smem:$0x3FB8] =	sst s0  }
0x18: {  	s0 =	sld [smem:$0x3F9B];
	_ =	swait.ge [sflag:s4], $0x0  }
0x19: {  	s7 =	sld [smem:$0x3F9C]  }
0x1a: {  	s8 =	sadd.s32 $0xFFFFE003, lr  }
0x1b: {  	s9 =	sadd.s32 $0xFFFFFEF7, lr;
	s5 =	simm.s32 $0xFFFFFFFF;
	p2 =	slt.u32 s8, $0xFFFFF086  }
0x1c: {  	p1 =	slt.u32 s9, $0xF7A;
	s5 =	simm.s32 @!p2 $0x0  }
0x1d: {  	s5 =	simm.s32 @p1 $0x1;
	p0 =	seq.s32 s7, s2  }
0x1e: {  	s7 =	smul.u32 @!p0 $0xF7A, s2;
	p2 =	seq.s32 @!p0 s5, $0x0  }
0x1f: {  	s9 =	smul.u32 $0xF7A, s1;
	s8 =	simm.s32 @!p0 $0x1BF5;
	p2 =	por !p2, p0  }
0x20: {  	[sflag:s8] =	ssyncset.s32 @!p0 $0xFFFFF086;
	s6 =	sadd.s32 @!p0 s3, s7;
	s7 =	simm.s32 @!p0 $0x108  }
0x21: {  	s3 =	sadd.s32 s3, s9;
	s6 =	sadd.s32 @!p0 $0x88, s6;
	s7 =	simm.s32 @p2 $0x1082  }
0x22: {  	[simem:s7], [sflag:s8] =	dma.local @!p0 [hbm:s6], $0xF7A  }
0x23: {  	s9 =	sor.u32 $0xD0000000, s2;
	s6 =	simm.s32 $0x108;
	_ =	swait.ge @!p0 [sflag:s8], $0x0  }
0x24: {  	s3 =	sadd.s32 $0x88, s3;
	s6 =	simm.s32 @!p1 $0x1082;
	[sflag:s4] =	ssyncset.s32 $0xFFFFF086  }
0x25: {  	[simem:s6], [sflag:s4] =	dma.local [hbm:s3], $0xF7A  }
0x26: {  	[smem:$0x3F9C] =	sst s1;
	(tag) =	ssettag s2;
	_ =	strace s9  }
0x27: {  	s1 =	sld [smem:$0x3FAC]  }
0x28: {  	s2 =	sld [smem:$0x3FAD]  }
0x29: {  	s4 =	sld [smem:$0x3FAF]  }
0x2a: {  	p0 =	seq.s32 s5, $0x0;
	s5 =	sld [smem:$0x3FB0]  }
0x2b: {  	s6 =	sld [smem:$0x3FB1]  }
0x2c: {  	s7 =	sld [smem:$0x3FB2]  }
0x2d: {  	s3 =	simm.s32 $0x108;
	s8 =	sld [smem:$0x3FB3]  }
0x2e: {  	s3 =	simm.s32 @!p0 $0x1082;
	s9 =	sld [smem:$0x3FB4]  }
0x2f: {  	lr =	sadd.s32 s0, s3;
	s0 =	sld [smem:$0x3FAB]  }
0x30: {  	s3 =	sld [smem:$0x3FAE]  }
0x31: {  	[smem:$0x3FB7] =	sst s10  }
0x32: {  	s10 =	sld [smem:$0x3FB5];
	_ =	sdelay $0x3  }
0x33: {  	p0 =	seq.s32 s10, $0x1;
	s10 =	sld [smem:$0x3FB7];
	_ =	sdelay $0x3  }
0x34: {  	[smem:$0x3FB7] =	sst s10  }
0x35: {  	s10 =	sld [smem:$0x3FB6];
	_ =	sdelay $0x3  }
0x36: {  	p1 =	seq.s32 s10, $0x1;
	s10 =	sld [smem:$0x3FB7];
	_ =	sdelay $0x3  }
0x37: {  	[smem:$0x3FB7] =	sst s10  }
0x38: {  	s10 =	sld [smem:$0x3FB8]  }
0x39: {  	_ = 	snop;
	(pc) =	sbr.ind lr, $3  }
0x3a: {  	_ = 	snop  }
0x3b: {  	_ = 	snop  }
0x3c: {  	p2 =	seq.s32 s10, $0x1;
	s10 =	sld [smem:$0x3FB7]  }
0x3d: {  	_ =	shalt  }
0x3e: {  	_ =	shalt  }
0x3f: {  	_ =	shalt  }
0x40: {  	_ =	shalt  }
0x41: {  	_ =	shalt  }
0x42: {  	_ =	shalt  }
0x43: {  	_ =	shalt  }
0x44: {  	_ =	shalt  }
0x45: {  	_ =	shalt  }
0x46: {  	_ =	shalt  }
0x47: {  	_ =	shalt  }
0x48: {  	_ =	shalt  }
0x49: {  	_ =	shalt  }
0x4a: {  	_ =	shalt  }
0x4b: {  	_ =	shalt  }
0x4c: {  	_ =	shalt  }
0x4d: {  	_ =	shalt  }
0x4e: {  	_ =	shalt  }
0x4f: {  	_ =	shalt  }
0x50: {  	_ =	shalt  }
0x51: {  	_ =	shalt  }
0x52: {  	_ =	shalt  }
0x53: {  	_ =	shalt  }
0x54: {  	_ =	shalt  }
0x55: {  	_ =	shalt  }
0x56: {  	_ =	shalt  }
0x57: {  	_ =	shalt  }
0x58: {  	_ =	shalt  }
0x59: {  	_ =	shalt  }
0x5a: {  	_ =	shalt  }
0x5b: {  	_ =	shalt  }
0x5c: {  	_ =	shalt  }
0x5d: {  	_ =	shalt  }
0x5e: {  	_ =	shalt  }
0x5f: {  	_ =	shalt  }
0x60: {  	_ =	shalt  }
0x61: {  	_ =	shalt  }
0x62: {  	_ =	shalt  }
0x63: {  	_ =	shalt  }
0x64: {  	_ =	shalt  }
0x65: {  	_ =	shalt  }
0x66: {  	_ =	shalt  }
0x67: {  	_ =	shalt  }
0x68: {  	_ =	shalt  }
0x69: {  	_ =	shalt  }
0x6a: {  	_ =	shalt  }
0x6b: {  	_ =	shalt  }
0x6c: {  	_ =	shalt  }
0x6d: {  	_ =	shalt  }
0x6e: {  	_ =	shalt  }
0x6f: {  	_ =	shalt  }
0x70: {  	_ =	shalt  }
0x71: {  	_ =	shalt  }
0x72: {  	_ =	shalt  }
0x73: {  	_ =	shalt  }
0x74: {  	_ =	shalt  }
0x75: {  	_ =	shalt  }
0x76: {  	_ =	shalt  }
0x77: {  	_ =	shalt  }
0x78: {  	_ =	shalt  }
0x79: {  	_ =	shalt  }
0x7a: {  	_ =	shalt  }
0x7b: {  	_ =	shalt  }
0x7c: {  	_ =	shalt  }
0x7d: {  	_ =	shalt  }
0x7e: {  	_ =	shalt  }
0x7f: {  	_ =	shalt  }
0x80: {  	_ =	shalt  }
0x81: {  	_ =	shalt  }
0x82: {  	_ =	shalt  }
0x83: {  	_ =	shalt  }
0x84: {  	_ =	shalt  }
0x85: {  	_ =	shalt  }
0x86: {  	_ =	shalt  }
0x87: {  	_ =	shalt  }
.Lfunc_end0:
.L_simem_size_0:
called_computation.3_lowered:
.L_overlay_start_0:
0x88: {  	s2 =	sld [smem:$0x3FD9]  }
0x89: {  	s3 =	sld [smem:$0x3FFE];
	_ =	sdelay $0x1  }
0x8a: {  	s1 =	srdreg.scid  }
0x8b: {  	s0 =	sand.u32 $0x1, s1  }
0x8c: {  	s17 =	sshll.u32 s0, $0xA;
	s2 =	sadd.s32 s3, s2  }
0x8d: {  	s2 =	sadd.s32 s2, s17  }
0x8e: {  	[smem:$0x3FC3] =	sst s2  }
0x8f: {  	_ = 	snop  }
0x90: {  	s2 =	sld [smem:$0x3FD0];
	(tm) =	ssettm $0x1  }
0x91: {  	s18 =	sld [smem:$0x3FFB];
	_ =	sdelay $0x3  }
0x92: {  	_ =	strace s18  }
0x93: {  	s3 =	sld [smem:$0x3FFC];
	_ =	sdelay $0x3  }
0x94: {  	_ =	strace s3  }
0x95: {  	s3 =	sld [smem:$0x3FFD];
	_ =	sdelay $0x3  }
0x96: {  	_ =	strace s3  }
0x97: {  	_ =	strace $0x8FFFFFFF  }
0x98: {  	s19 =	sld [smem:$0x3FDB];
	_ =	sdelay $0x1  }
0x99: {  	s4 =	simm.s32 $_scs_section_size  }
0x9a: {  	s5 =	simm.s32 $_size__tile_overlayer_lowered;
	s6 =	simm.s32 $_tile_overlayer_lowered  }
0x9b: {  	s22 =	simm.s32 $0x1BFF;
	s21 =	sshll.u32 s6, $0x1;
	s3 =	sadd.s32 s4, s19  }
0x9c: {  	s7 =	simm.s32 $0x0;
	s20 =	sshll.u32 s5, $0x1;
	s5 =	sadd.s32 s21, s3  }
0x9d: {  	[timem:s7], [sflag:s22] =	dma.local [hbm:s5], s20  }
0x9e: {  	_ =	swait.ge [sflag:s22], s20  }
0x9f: {  	s4 =	ssub.s32 $0x0, s20;
	[sflag:s22] =	ssyncset.done $0x0  }
0xa0: {  	[sflag:s22] =	ssyncadd.s32 s4;
	_ =	sdelay $0x1  }
0xa1: {  	s23 =	simm.s32 $0x1B8B  }
0xa2: {  	_ =	swait.ge [sflag:s23], $0x1  }
0xa3: {  	[sflag:s23] =	ssyncset.done $0x0  }
0xa4: {  	s25 =	simm.s32 $0x1B8E;
	s24 =	sld [smem:$0x3FFE];
	[sflag:s23] =	ssyncadd.s32 $0xFFFFFFFF  }
0xa5: {  	s26 =	simm.s32 $execute0_lowered;
	[smem:$0x3FD2] =	sst s25  }
0xa6: {  	s5 =	sshll.u32 s26, $0x1;
	_ =	strace $0x8000004F;
	[dreg:$0x1] =	wrdreg $0xFFFFFFFF  }
0xa7: {  	s28 =	simm.s32 $_size_execute0_lowered;
	s3 =	sadd.s32 s3, s5;
	[dreg:$0x0] =	wrdreg $0x0  }
0xa8: {  	s5 =	sshll.u32 s28, $0x1;
	[dreg:$0x2] =	wrdreg s3  }
0xa9: {  	[dreg:$0x3] =	wrdreg s5  }
0xaa: {  	[dreg:$0x4] =	wrdreg $0xC0  }
0xab: {  	_ =	task [dreg:s7], $0x5FFFF  }
0xac: {  	[dreg:$0x1] =	wrdreg $0xFFFFFFFF  }
0xad: {  	[dreg:$0x0] =	wrdreg $0x60  }
0xae: {  	[dreg:$0x2] =	wrdreg s2  }
0xaf: {  	[dreg:$0x3] =	wrdreg s24  }
0xb0: {  	[dreg:$0x4] =	wrdreg $0xAD000  }
0xb1: {  	[dreg:$0x5] =	wrdreg $0x9  }
0xb2: {  	_ =	task.clear_ibuf [dreg:s7], $0x6FFFF;
	_ =	strace $0x9000004F  }
0xb3: {  	s29 =	simm.s32 $0x9;
	_ =	strace $0x80000051  }
0xb4: {  	_ =	swait.ge [sflag:s29], $0x1  }
0xb5: {  	[sflag:s29] =	ssyncadd.s32 $0xFFFFFFFF  }
0xb6: {  	_ =	strace $0x90000051  }
0xb7: {  	_ =	sfence  }
0xb8: {  	s30 =	sld [smem:$0x0];
	_ =	sdelay $0x2  }
0xb9: {  	s31 =	sshll.u32 s1, $0xD;
	s1 =	sshrl.u32 s1, $0x2  }
0xba: {  	s3 =	sand.u32 $0x4000, s31;
	s1 =	sadd.s32 s1, s30  }
0xbb: {  	s0 =	sor.u32 s3, s0;
	s1 =	sshll.u32 s1, $0x11  }
0xbc: {  	s0 =	sor.u32 s1, s0  }
0xbd: {  	s0 =	sadd.s32 $0x8F2B, s0  }
0xbe: {  	[sflag:s0] =	ssyncadd.remote.s32 $0x1  }
0xbf: {  	_ =	sfence.sel $0xFFFF  }
0xc0: {  	[dreg:$0x0] =	wrdreg $0xFFFFFFFF;
	(pc) =	sbr.abs _section_cstart, $3  }
0xc1: {  	[dreg:$0x1] =	wrdreg $0xFFFFFFFF  }
0xc2: {  	_ =	task.clear_ibuf [dreg:s7], $0x2FFFF;
	_ =	strace $0x9FFFFFFF  }
0xc3: {  	(tm) =	ssettm $0x7FFFFFFF  }
tec
execute0_lowered:
.L_overlay_start_1:
0x0: {  	(tag) =	ssettag $0x1  }
0x1: {  	s2 =	srdreg.scid  }
0x2: {  	s0 =	stileid.u32;
	s1 =	rddreg [dreg:$0x0]  }
0x3: {  	s6 =	rddreg [dreg:$0x1];
	s15 =	simm.s32 $0x3;
	s16 =	simm.s32 $0x2800  }
0x4: {  	s17 =	simm.s32 $0x2C00;
	s18 =	simm.s32 $0x2880;
	s19 =	simm.s32 $0x2900  }
0x5: {  	s20 =	simm.s32 $0x2980;
	s21 =	simm.s32 $0x2A00;
	s22 =	simm.s32 $0x80  }
0x6: {  	s23 =	simm.s32 $0xAC00;
	s24 =	simm.s32 $0x6C00;
	s25 =	simm.s32 $0xAC80  }
0x7: {  	s26 =	simm.s32 $0x1;
	s28 =	simm.s32 $0x2;
	s7 =	smul.u32 $0xA00, s0  }
0x8: {  	s29 =	simm.s32 $0x0;
	s2 =	sand.u32 $0x1, s2;
	s9 =	smul.u32 $0x280, s0  }
0x9: {  	s3 =	sshll.u32 s0, $0x1;
	s30 =	sshll.u32 s0, $0x7;
	s8 =	smul.u32 $0x2800, s2  }
0xa: {  	s4 =	sor.u32 s2, s3;
	s31 =	ssub.s32 $0x2, s2;
	s2 =	smul.u32 $0x500, s2  }
0xb: {  	s3 =	rddreg [dreg:$0x2];
	s5 =	smul.u32 $0x500, s4;
	s4 =	simm.s32 $0x0  }
0xc: {  	s14 =	sadd.s32 s7, s6;
	s7 =	sadd.s32 s30, s6;
	s11 =	sshrl.u32 s31, $0x1  }
0xd: {  	[smem:$0x7FF] =	sst s4;
	s8 =	sadd.s32 s9, s8;
	s13 =	ssub.s32 s31, s11  }
0xe: {  	s7 =	sadd.s32 $0x2A00, s7;
	s2 =	sadd.s32 s2, s14;
	_ =	strace $0x80000050  }
0xf: {  	s10 =	sadd.s32 s5, s6;
	s5 =	sadd.s32 $0x17200, s6;
	s8 =	sshll.u32 s8, $0x4  }
0x10: {  	s13 =	smax.u32 s13, $0x1;
	s14 =	sadd.s32 $0xD200, s2;
	s12 =	sadd.s32 s8, s6  }
0x11: {  	s6 =	sadd.s32 $0x3200, s10;
	s8 =	sadd.s32 $0x17A00, s12;
	s9 =	sadd.s32 $0x18200, s12  }
0x12: {  	s10 =	sadd.s32 $0x18A00, s12;
	s11 =	sadd.s32 $0x19200, s12;
	s12 =	sadd.s32 $0x19A00, s12  }
.LBB2_1:
0x13: {  	[tilespmem:s4], [sflag:$0x3] =	stream.linear.gather [hbm4b:s6+s4], $0x2800, $0x38;
	[tilespmem:$0x1ED00] =	vst v63  }
0x14: {  	_ =	swait.ge [sflag:s15], $0x2800  }
0x15: {  	[sflag:s15] =	ssyncset.done $0x0  }
0x16: {  	[sflag:s15] =	ssyncadd.s32 $0xFFFFD800  }
0x17: {  	[tilespmem:s16], [sflag:$0x3] =	stream.linear.gather [hbm4b:s7+s4], $0x280, $0x38;
	[tilespmem:$0x1ED00] =	vst v63  }
0x18: {  	_ =	swait.ge [sflag:s15], $0x280  }
0x19: {  	[sflag:s15] =	ssyncset.done $0x0  }
0x1a: {  	[sflag:s15] =	ssyncadd.s32 $0xFFFFFD80  }
0x1b: {  	[tilespmem:s17], [sflag:$0x3] =	stream.linear.gather [hbm4b:s5+s4], $0x4000, $0x38;
	[tilespmem:$0x1ED00] =	vst v63  }
0x1c: {  	_ =	swait.ge [sflag:s15], $0x4000  }
0x1d: {  	[sflag:s15] =	ssyncset.done $0x0  }
0x1e: {  	[sflag:s15] =	ssyncadd.s32 $0xFFFFC000  }
0x1f: {  	[spmem:s3] =	stream.indirect.scatter [tilespmem:s17], [sflag:$0x3], $0x80, s16, s22, $0xb8;
	[tilespmem:$0x1ED00] =	vst v63  }
0x20: {  	_ =	swait.ge [sflag:s15], $0x4000  }
0x21: {  	[sflag:s15] =	ssyncset.done $0x0  }
0x22: {  	[sflag:s15] =	ssyncadd.s32 $0xFFFFC000  }
0x23: {  	[spmem:s3] =	stream.indirect.scatter [tilespmem:s17], [sflag:$0x3], $0x80, s18, s22, $0xb8;
	[tilespmem:$0x1ED00] =	vst v63  }
0x24: {  	_ =	swait.ge [sflag:s15], $0x4000  }
0x25: {  	[sflag:s15] =	ssyncset.done $0x0  }
0x26: {  	[sflag:s15] =	ssyncadd.s32 $0xFFFFC000  }
0x27: {  	[spmem:s3] =	stream.indirect.scatter [tilespmem:s17], [sflag:$0x3], $0x80, s19, s22, $0xb8;
	[tilespmem:$0x1ED00] =	vst v63  }
0x28: {  	_ =	swait.ge [sflag:s15], $0x4000  }
0x29: {  	[sflag:s15] =	ssyncset.done $0x0  }
0x2a: {  	[sflag:s15] =	ssyncadd.s32 $0xFFFFC000  }
0x2b: {  	[spmem:s3] =	stream.indirect.scatter [tilespmem:s17], [sflag:$0x3], $0x80, s20, s22, $0xb8;
	[tilespmem:$0x1ED00] =	vst v63  }
0x2c: {  	_ =	swait.ge [sflag:s15], $0x4000  }
0x2d: {  	[sflag:s15] =	ssyncset.done $0x0  }
0x2e: {  	[sflag:s15] =	ssyncadd.s32 $0xFFFFC000  }
0x2f: {  	[spmem:s3] =	stream.indirect.scatter [tilespmem:s17], [sflag:$0x3], $0x80, s21, s22, $0xb8;
	[tilespmem:$0x1ED00] =	vst v63  }
0x30: {  	_ =	swait.ge [sflag:s15], $0x4000  }
0x31: {  	[sflag:s15] =	ssyncset.done $0x0  }
0x32: {  	[sflag:s15] =	ssyncadd.s32 $0xFFFFC000  }
0x33: {  	s2 =	simm.s32 $0x0;
	[bflag:$0x0] =	sbarrier.arrive $0xFFFF  }
0x34: {  	[tilespmem:s17], [sflag:$0x1] =	stream.indirect.gather [hbm4b:s1+s22], $0x80, s2, s22, $0xb8;
	[tilespmem:$0x1ED00] =	vst v63  }
0x35: {  	s0 =	sadd.s32 $0x0, s14  }
0x36: {  	[tilespmem:s23], [sflag:$0x2] =	stream.linear.gather [hbm4b:s0+s4], $0x80, $0x38;
	[tilespmem:$0x1ED00] =	vst v63  }
0x37: {  	_ = 	snop  }
0x38: {  	[tilespmem:s24], [sflag:$0x1] =	stream.indirect.gather [hbm4b:s1+s22], $0x80, s22, s22, $0xb8;
	[tilespmem:$0x1ED00] =	vst v63  }
0x39: {  	s2 =	sadd.s32 $0x10, s0  }
0x3a: {  	[tilespmem:s25], [sflag:$0x2] =	stream.linear.gather [hbm4b:s2+s4], $0x80, $0x38;
	[tilespmem:$0x1ED00] =	vst v63  }
0x3b: {  	_ =	swait.ge [sflag:s26], $0x4000  }
0x3c: {  	[sflag:s26] =	ssyncset.done $0x0  }
0x3d: {  	[sflag:s26] =	ssyncadd.s32 $0xFFFFC000  }
0x3e: {  	_ =	swait.ge [sflag:s28], $0x80  }
0x3f: {  	[sflag:s28] =	ssyncset.done $0x0  }
0x40: {  	[sflag:s28] =	ssyncadd.s32 $0xFFFFFF80  }
0x41: {  	[spmem:s3] =	stream.indirect.scatter.add.f32 [tilespmem:s17], [sflag:$0x3], $0x80, s23, s22, $0xb8;
	[tilespmem:$0x1ED00] =	vst v63  }
0x42: {  	_ =	swait.ge [sflag:s15], $0x4000  }
0x43: {  	[sflag:s15] =	ssyncset.done $0x0  }
0x44: {  	[sflag:s15] =	ssyncadd.s32 $0xFFFFC000  }
0x45: {  	_ =	swait.ge [sflag:s26], $0x4000  }
0x46: {  	[sflag:s26] =	ssyncset.done $0x0  }
0x47: {  	[sflag:s26] =	ssyncadd.s32 $0xFFFFC000  }
0x48: {  	_ =	swait.ge [sflag:s28], $0x80  }
0x49: {  	[sflag:s28] =	ssyncset.done $0x0  }
0x4a: {  	[sflag:s28] =	ssyncadd.s32 $0xFFFFFF80  }
0x4b: {  	[spmem:s3] =	stream.indirect.scatter.add.f32 [tilespmem:s24], [sflag:$0x3], $0x80, s25, s22, $0xb8;
	[tilespmem:$0x1ED00] =	vst v63  }
0x4c: {  	s30 =	simm.s32 $0x20;
	_ =	swait.ge [sflag:s15], $0x4000  }
0x4d: {  	s31 =	simm.s32 $0x180;
	s2 =	simm.s32 $0x40;
	[sflag:s15] =	ssyncset.done $0x0  }
.LBB2_2:
0x4e: {  	p0 =	sne.s32 s2, $0x4E0;
	s0 =	sadd.s32 $0xFFFFFF80, s31;
	[sflag:s15] =	ssyncadd.s32 $0xFFFFC000  }
0x4f: {  	[tilespmem:s17], [sflag:$0x1] =	stream.indirect.gather [hbm4b:s1+s22], $0x80, s0, s22, $0xb8;
	[tilespmem:$0x1ED00] =	vst v63  }
0x50: {  	s0 =	sadd.s32 s30, s14;
	s30 =	smov.u32 s2;
	s2 =	sadd.s32 $0x20, s2  }
0x51: {  	[tilespmem:s23], [sflag:$0x2] =	stream.linear.gather [hbm4b:s0+s4], $0x80, $0x38;
	[tilespmem:$0x1ED00] =	vst v63  }
0x52: {  	_ = 	snop  }
0x53: {  	[tilespmem:s24], [sflag:$0x1] =	stream.indirect.gather [hbm4b:s1+s22], $0x80, s31, s22, $0xb8;
	[tilespmem:$0x1ED00] =	vst v63  }
0x54: {  	s0 =	sadd.s32 $0x10, s0  }
0x55: {  	[tilespmem:s25], [sflag:$0x2] =	stream.linear.gather [hbm4b:s0+s4], $0x80, $0x38;
	[tilespmem:$0x1ED00] =	vst v63  }
0x56: {  	_ =	swait.ge [sflag:s26], $0x4000  }
0x57: {  	[sflag:s26] =	ssyncset.done $0x0  }
0x58: {  	[sflag:s26] =	ssyncadd.s32 $0xFFFFC000  }
0x59: {  	_ =	swait.ge [sflag:s28], $0x80  }
0x5a: {  	[sflag:s28] =	ssyncset.done $0x0  }
0x5b: {  	[sflag:s28] =	ssyncadd.s32 $0xFFFFFF80  }
0x5c: {  	[spmem:s3] =	stream.indirect.scatter.add.f32 [tilespmem:s17], [sflag:$0x3], $0x80, s23, s22, $0xb8;
	[tilespmem:$0x1ED00] =	vst v63  }
0x5d: {  	_ =	swait.ge [sflag:s15], $0x4000  }
0x5e: {  	[sflag:s15] =	ssyncset.done $0x0  }
0x5f: {  	[sflag:s15] =	ssyncadd.s32 $0xFFFFC000  }
0x60: {  	_ =	swait.ge [sflag:s26], $0x4000  }
0x61: {  	[sflag:s26] =	ssyncset.done $0x0  }
0x62: {  	[sflag:s26] =	ssyncadd.s32 $0xFFFFC000  }
0x63: {  	_ =	swait.ge [sflag:s28], $0x80  }
.Ltmp0:
0x64: {  	[sflag:s28] =	ssyncset.done $0x0;
	(pc) =	sbr.rel @p0 .LBB2_2-.Ltmp0, $4  }
0x65: {  	[sflag:s28] =	ssyncadd.s32 $0xFFFFFF80  }
0x66: {  	[spmem:s3] =	stream.indirect.scatter.add.f32 [tilespmem:s24], [sflag:$0x3], $0x80, s25, s22, $0xb8;
	[tilespmem:$0x1ED00] =	vst v63  }
0x67: {  	_ =	swait.ge [sflag:s15], $0x4000  }
0x68: {  	s31 =	sadd.s32 $0x100, s31;
	[sflag:s15] =	ssyncset.done $0x0  }
0x69: {  	s0 =	sadd.s32 $0xFFFFFF80, s31;
	[sflag:s15] =	ssyncadd.s32 $0xFFFFC000  }
0x6a: {  	[tilespmem:s17], [sflag:$0x1] =	stream.indirect.gather [hbm4b:s1+s22], $0x80, s0, s22, $0xb8;
	[tilespmem:$0x1ED00] =	vst v63  }
0x6b: {  	s30 =	sadd.s32 s30, s14  }
0x6c: {  	[tilespmem:s23], [sflag:$0x2] =	stream.linear.gather [hbm4b:s30+s4], $0x80, $0x38;
	[tilespmem:$0x1ED00] =	vst v63  }
0x6d: {  	_ = 	snop  }
0x6e: {  	[tilespmem:s24], [sflag:$0x1] =	stream.indirect.gather [hbm4b:s1+s22], $0x80, s31, s22, $0xb8;
	[tilespmem:$0x1ED00] =	vst v63  }
0x6f: {  	s0 =	sadd.s32 $0x10, s30  }
0x70: {  	[tilespmem:s25], [sflag:$0x2] =	stream.linear.gather [hbm4b:s0+s4], $0x80, $0x38;
	[tilespmem:$0x1ED00] =	vst v63  }
0x71: {  	_ =	swait.ge [sflag:s26], $0x4000  }
0x72: {  	[sflag:s26] =	ssyncset.done $0x0  }
0x73: {  	[sflag:s26] =	ssyncadd.s32 $0xFFFFC000  }
0x74: {  	_ =	swait.ge [sflag:s28], $0x80  }
0x75: {  	[sflag:s28] =	ssyncset.done $0x0  }
0x76: {  	[sflag:s28] =	ssyncadd.s32 $0xFFFFFF80  }
0x77: {  	[spmem:s3] =	stream.indirect.scatter.add.f32 [tilespmem:s17], [sflag:$0x3], $0x80, s23, s22, $0xb8;
	[tilespmem:$0x1ED00] =	vst v63  }
0x78: {  	_ =	swait.ge [sflag:s15], $0x4000  }
0x79: {  	[sflag:s15] =	ssyncset.done $0x0  }
0x7a: {  	[sflag:s15] =	ssyncadd.s32 $0xFFFFC000  }
0x7b: {  	_ =	swait.ge [sflag:s26], $0x4000  }
0x7c: {  	[sflag:s26] =	ssyncset.done $0x0  }
0x7d: {  	[sflag:s26] =	ssyncadd.s32 $0xFFFFC000  }
0x7e: {  	_ =	swait.ge [sflag:s28], $0x80  }
0x7f: {  	[sflag:s28] =	ssyncset.done $0x0  }
0x80: {  	[sflag:s28] =	ssyncadd.s32 $0xFFFFFF80  }
0x81: {  	[spmem:s3] =	stream.indirect.scatter.add.f32 [tilespmem:s24], [sflag:$0x3], $0x80, s25, s22, $0xb8;
	[tilespmem:$0x1ED00] =	vst v63  }
0x82: {  	_ =	swait.ge [sflag:s15], $0x4000  }
0x83: {  	[sflag:s15] =	ssyncset.done $0x0  }
0x84: {  	[sflag:s15] =	ssyncadd.s32 $0xFFFFC000  }
0x85: {  	[bflag:$0x0] =	sbarrier.arrive $0xFFFF  }
0x86: {  	[tilespmem:s17], [sflag:$0x3] =	stream.indirect.gather [spmem:s3], $0x80, s16, s22, $0xb8;
	[tilespmem:$0x1ED00] =	vst v63  }
0x87: {  	_ =	swait.ge [sflag:s15], $0x4000  }
0x88: {  	[sflag:s15] =	ssyncset.done $0x0  }
0x89: {  	[sflag:s15] =	ssyncadd.s32 $0xFFFFC000  }
0x8a: {  	[hbm4b:s8+s4] =	stream.linear.scatter [tilespmem:s17], [sflag:$0x3], $0x4000, $0x38;
	[tilespmem:$0x1ED00] =	vst v63  }
0x8b: {  	_ =	swait.ge [sflag:s15], $0x4000  }
0x8c: {  	[sflag:s15] =	ssyncset.done $0x0  }
0x8d: {  	[sflag:s15] =	ssyncadd.s32 $0xFFFFC000  }
0x8e: {  	[tilespmem:s24], [sflag:$0x3] =	stream.indirect.gather [spmem:s3], $0x80, s18, s22, $0xb8;
	[tilespmem:$0x1ED00] =	vst v63  }
0x8f: {  	_ =	swait.ge [sflag:s15], $0x4000  }
0x90: {  	[sflag:s15] =	ssyncset.done $0x0  }
0x91: {  	[sflag:s15] =	ssyncadd.s32 $0xFFFFC000  }
0x92: {  	[hbm4b:s9+s4] =	stream.linear.scatter [tilespmem:s24], [sflag:$0x3], $0x4000, $0x38;
	[tilespmem:$0x1ED00] =	vst v63  }
0x93: {  	_ =	swait.ge [sflag:s15], $0x4000  }
0x94: {  	[sflag:s15] =	ssyncset.done $0x0  }
0x95: {  	[sflag:s15] =	ssyncadd.s32 $0xFFFFC000  }
0x96: {  	[tilespmem:s17], [sflag:$0x3] =	stream.indirect.gather [spmem:s3], $0x80, s19, s22, $0xb8;
	[tilespmem:$0x1ED00] =	vst v63  }
0x97: {  	_ =	swait.ge [sflag:s15], $0x4000  }
0x98: {  	[sflag:s15] =	ssyncset.done $0x0  }
0x99: {  	[sflag:s15] =	ssyncadd.s32 $0xFFFFC000  }
0x9a: {  	[hbm4b:s10+s4] =	stream.linear.scatter [tilespmem:s17], [sflag:$0x3], $0x4000, $0x38;
	[tilespmem:$0x1ED00] =	vst v63  }
0x9b: {  	_ =	swait.ge [sflag:s15], $0x4000  }
0x9c: {  	[sflag:s15] =	ssyncset.done $0x0  }
0x9d: {  	[sflag:s15] =	ssyncadd.s32 $0xFFFFC000  }
0x9e: {  	[tilespmem:s24], [sflag:$0x3] =	stream.indirect.gather [spmem:s3], $0x80, s20, s22, $0xb8;
	[tilespmem:$0x1ED00] =	vst v63  }
0x9f: {  	_ =	swait.ge [sflag:s15], $0x4000  }
0xa0: {  	[sflag:s15] =	ssyncset.done $0x0  }
0xa1: {  	[sflag:s15] =	ssyncadd.s32 $0xFFFFC000  }
0xa2: {  	[hbm4b:s11+s4] =	stream.linear.scatter [tilespmem:s24], [sflag:$0x3], $0x4000, $0x38;
	[tilespmem:$0x1ED00] =	vst v63  }
0xa3: {  	_ =	swait.ge [sflag:s15], $0x4000  }
0xa4: {  	[sflag:s15] =	ssyncset.done $0x0  }
0xa5: {  	[sflag:s15] =	ssyncadd.s32 $0xFFFFC000  }
0xa6: {  	[tilespmem:s17], [sflag:$0x3] =	stream.indirect.gather [spmem:s3], $0x80, s21, s22, $0xb8;
	[tilespmem:$0x1ED00] =	vst v63  }
0xa7: {  	s29 =	sadd.s32 $0x1, s29;
	_ =	swait.ge [sflag:s15], $0x4000  }
0xa8: {  	p0 =	sne.s32 s29, s13;
	[sflag:s15] =	ssyncset.done $0x0  }
.Ltmp1:
0xa9: {  	[sflag:s15] =	ssyncadd.s32 $0xFFFFC000;
	(pc) =	sbr.rel @p0 .LBB2_1-.Ltmp1, $4  }
0xaa: {  	[hbm4b:s12+s4] =	stream.linear.scatter [tilespmem:s17], [sflag:$0x3], $0x4000, $0x38;
	[tilespmem:$0x1ED00] =	vst v63  }
0xab: {  	_ =	swait.ge [sflag:s15], $0x4000  }
0xac: {  	[sflag:s15] =	ssyncset.done $0x0  }
0xad: {  	[sflag:s15] =	ssyncadd.s32 $0xFFFFC000  }
0xae: {  	_ =	sfence.sel $0x180000  }
0xaf: {  	[bflag:$0x0] =	sbarrier.arrive $0xFFFF  }
0xb0: {  	_ =	strace $0x90000050  }
0xb1: {  	s0 =	stileid.u32;
	[bflag:$0x2] =	sbarrier.arrive $0xFFFF  }
0xb2: {  	p0 =	sne.s32 s0, $0x0;
	s0 =	rddreg [dreg:$0x3]  }
0xb3: {  	s0 =	sadd.s32 @!p0 $0x100000, s0  }
0xb4: {  	[sflag:s0] =	ssyncadd.tile.s32 @!p0 $0x1;
	_ =	shalt  }
.Lfunc_end2:
_tile_overlayer_lowered:
.L_overlay_start_2:
0xb5: {  	(tag) =	ssettag $0x2  }
0xb6: {  	s0 =	rddreg [dreg:$0x0];
	s2 =	stileid.u32  }
0xb7: {  	s1 =	rddreg [dreg:$0x1];
	p0 =	sne.s32 s2, $0x0  }
0xb8: {  	s3 =	rddreg [dreg:$0x2];
	[bflag:$0x3] =	sbarrier.arrive $0xFFFF;
	s2 =	simm.s32 @!p0 $0x1C03  }
0xb9: {  	[timem:s3], [sflag:s2] =	dma.local @!p0 [hbm:s0], s1  }
0xba: {  	s0 =	simm.s32 @!p0 $0x3  }
0xbb: {  	_ =	swait.ge @!p0 [sflag:s0], s1  }
0xbc: {  	s1 =	ssub.s32 @!p0 $0x0, s1;
	[sflag:s0] =	ssyncset.done @!p0 $0x0  }
0xbd: {  	[sflag:s0] =	ssyncadd.s32 @!p0 s1  }
0xbe: {  	[bflag:$0x3] =	sbarrier.arrive $0xFFFF  }
0xbf: {  	_ =	shalt  }

// kernel: kernel.9.cloned.1.call-start
scs
__scs_entry_jumppad:
0x0: {  	(pc) =	sbr.rel $0x88, $3  }
0x1: {  	(tag) =	ssettag $0x0;
	lr =	simm.s32 $0x1  }
0x2: {  	[smem:$0x3F9C] =	sst lr;
	_ =	strace $0xD0000000  }
0x3: {  	_ = 	snop  }
0x4: {  	_ = 	snop  }
0x5: {  	_ = 	snop  }
0x6: {  	_ = 	snop  }
0x7: {  	_ = 	snop  }
__scs_overlays_trampoline_lowered:
0x8: {  	[smem:$0x3FAB] =	sst s0  }
0x9: {  	[smem:$0x3FAC] =	sst s1  }
0xa: {  	[smem:$0x3FAD] =	sst s2  }
0xb: {  	[smem:$0x3FAE] =	sst s3  }
0xc: {  	[smem:$0x3FAF] =	sst s4  }
0xd: {  	[smem:$0x3FB0] =	sst s5  }
0xe: {  	[smem:$0x3FB1] =	sst s6  }
0xf: {  	[smem:$0x3FB2] =	sst s7  }
0x10: {  	[smem:$0x3FB3] =	sst s8  }
0x11: {  	[smem:$0x3FB4] =	sst s9;
	s0 =	simm.s32 @!p0 $0x0  }
0x12: {  	s1 =	sld [smem:$0x3F9A];
	s0 =	simm.s32 @p0 $0x1  }
0x13: {  	[smem:$0x3FB5] =	sst s0;
	s0 =	simm.s32 @!p1 $0x0  }
0x14: {  	s2 =	sld [smem:$0x3F99];
	s0 =	simm.s32 @p1 $0x1  }
0x15: {  	[smem:$0x3FB6] =	sst s0;
	s0 =	simm.s32 @!p2 $0x0  }
0x16: {  	s3 =	sld [smem:$0x3FDB];
	s0 =	simm.s32 @p2 $0x1  }
0x17: {  	s4 =	simm.s32 $0x1BF5;
	[smem:$0x3FB8] =	sst s0  }
0x18: {  	s0 =	sld [smem:$0x3F9B];
	_ =	swait.ge [sflag:s4], $0x0  }
0x19: {  	s7 =	sld [smem:$0x3F9C]  }
0x1a: {  	s8 =	sadd.s32 $0xFFFFE003, lr  }
0x1b: {  	s9 =	sadd.s32 $0xFFFFFEF7, lr;
	s5 =	simm.s32 $0xFFFFFFFF;
	p2 =	slt.u32 s8, $0xFFFFF086  }
0x1c: {  	p1 =	slt.u32 s9, $0xF7A;
	s5 =	simm.s32 @!p2 $0x0  }
0x1d: {  	s5 =	simm.s32 @p1 $0x1;
	p0 =	seq.s32 s7, s2  }
0x1e: {  	s7 =	smul.u32 @!p0 $0xF7A, s2;
	p2 =	seq.s32 @!p0 s5, $0x0  }
0x1f: {  	s9 =	smul.u32 $0xF7A, s1;
	s8 =	simm.s32 @!p0 $0x1BF5;
	p2 =	por !p2, p0  }
0x20: {  	[sflag:s8] =	ssyncset.s32 @!p0 $0xFFFFF086;
	s6 =	sadd.s32 @!p0 s3, s7;
	s7 =	simm.s32 @!p0 $0x108  }
0x21: {  	s3 =	sadd.s32 s3, s9;
	s6 =	sadd.s32 @!p0 $0x88, s6;
	s7 =	simm.s32 @p2 $0x1082  }
0x22: {  	[simem:s7], [sflag:s8] =	dma.local @!p0 [hbm:s6], $0xF7A  }
0x23: {  	s9 =	sor.u32 $0xD0000000, s2;
	s6 =	simm.s32 $0x108;
	_ =	swait.ge @!p0 [sflag:s8], $0x0  }
0x24: {  	s3 =	sadd.s32 $0x88, s3;
	s6 =	simm.s32 @!p1 $0x1082;
	[sflag:s4] =	ssyncset.s32 $0xFFFFF086  }
0x25: {  	[simem:s6], [sflag:s4] =	dma.local [hbm:s3], $0xF7A  }
0x26: {  	[smem:$0x3F9C] =	sst s1;
	(tag) =	ssettag s2;
	_ =	strace s9  }
0x27: {  	s1 =	sld [smem:$0x3FAC]  }
0x28: {  	s2 =	sld [smem:$0x3FAD]  }
0x29: {  	s4 =	sld [smem:$0x3FAF]  }
0x2a: {  	p0 =	seq.s32 s5, $0x0;
	s5 =	sld [smem:$0x3FB0]  }
0x2b: {  	s6 =	sld [smem:$0x3FB1]  }
0x2c: {  	s7 =	sld [smem:$0x3FB2]  }
0x2d: {  	s3 =	simm.s32 $0x108;
	s8 =	sld [smem:$0x3FB3]  }
0x2e: {  	s3 =	simm.s32 @!p0 $0x1082;
	s9 =	sld [smem:$0x3FB4]  }
0x2f: {  	lr =	sadd.s32 s0, s3;
	s0 =	sld [smem:$0x3FAB]  }
0x30: {  	s3 =	sld [smem:$0x3FAE]  }
0x31: {  	[smem:$0x3FB7] =	sst s10  }
0x32: {  	s10 =	sld [smem:$0x3FB5];
	_ =	sdelay $0x3  }
0x33: {  	p0 =	seq.s32 s10, $0x1;
	s10 =	sld [smem:$0x3FB7];
	_ =	sdelay $0x3  }
0x34: {  	[smem:$0x3FB7] =	sst s10  }
0x35: {  	s10 =	sld [smem:$0x3FB6];
	_ =	sdelay $0x3  }
0x36: {  	p1 =	seq.s32 s10, $0x1;
	s10 =	sld [smem:$0x3FB7];
	_ =	sdelay $0x3  }
0x37: {  	[smem:$0x3FB7] =	sst s10  }
0x38: {  	s10 =	sld [smem:$0x3FB8]  }
0x39: {  	_ = 	snop;
	(pc) =	sbr.ind lr, $3  }
0x3a: {  	_ = 	snop  }
0x3b: {  	_ = 	snop  }
0x3c: {  	p2 =	seq.s32 s10, $0x1;
	s10 =	sld [smem:$0x3FB7]  }
0x3d: {  	_ =	shalt  }
0x3e: {  	_ =	shalt  }
0x3f: {  	_ =	shalt  }
0x40: {  	_ =	shalt  }
0x41: {  	_ =	shalt  }
0x42: {  	_ =	shalt  }
0x43: {  	_ =	shalt  }
0x44: {  	_ =	shalt  }
0x45: {  	_ =	shalt  }
0x46: {  	_ =	shalt  }
0x47: {  	_ =	shalt  }
0x48: {  	_ =	shalt  }
0x49: {  	_ =	shalt  }
0x4a: {  	_ =	shalt  }
0x4b: {  	_ =	shalt  }
0x4c: {  	_ =	shalt  }
0x4d: {  	_ =	shalt  }
0x4e: {  	_ =	shalt  }
0x4f: {  	_ =	shalt  }
0x50: {  	_ =	shalt  }
0x51: {  	_ =	shalt  }
0x52: {  	_ =	shalt  }
0x53: {  	_ =	shalt  }
0x54: {  	_ =	shalt  }
0x55: {  	_ =	shalt  }
0x56: {  	_ =	shalt  }
0x57: {  	_ =	shalt  }
0x58: {  	_ =	shalt  }
0x59: {  	_ =	shalt  }
0x5a: {  	_ =	shalt  }
0x5b: {  	_ =	shalt  }
0x5c: {  	_ =	shalt  }
0x5d: {  	_ =	shalt  }
0x5e: {  	_ =	shalt  }
0x5f: {  	_ =	shalt  }
0x60: {  	_ =	shalt  }
0x61: {  	_ =	shalt  }
0x62: {  	_ =	shalt  }
0x63: {  	_ =	shalt  }
0x64: {  	_ =	shalt  }
0x65: {  	_ =	shalt  }
0x66: {  	_ =	shalt  }
0x67: {  	_ =	shalt  }
0x68: {  	_ =	shalt  }
0x69: {  	_ =	shalt  }
0x6a: {  	_ =	shalt  }
0x6b: {  	_ =	shalt  }
0x6c: {  	_ =	shalt  }
0x6d: {  	_ =	shalt  }
0x6e: {  	_ =	shalt  }
0x6f: {  	_ =	shalt  }
0x70: {  	_ =	shalt  }
0x71: {  	_ =	shalt  }
0x72: {  	_ =	shalt  }
0x73: {  	_ =	shalt  }
0x74: {  	_ =	shalt  }
0x75: {  	_ =	shalt  }
0x76: {  	_ =	shalt  }
0x77: {  	_ =	shalt  }
0x78: {  	_ =	shalt  }
0x79: {  	_ =	shalt  }
0x7a: {  	_ =	shalt  }
0x7b: {  	_ =	shalt  }
0x7c: {  	_ =	shalt  }
0x7d: {  	_ =	shalt  }
0x7e: {  	_ =	shalt  }
0x7f: {  	_ =	shalt  }
0x80: {  	_ =	shalt  }
0x81: {  	_ =	shalt  }
0x82: {  	_ =	shalt  }
0x83: {  	_ =	shalt  }
0x84: {  	_ =	shalt  }
0x85: {  	_ =	shalt  }
0x86: {  	_ =	shalt  }
0x87: {  	_ =	shalt  }
.Lfunc_end0:
.L_simem_size_0:
called_computation_lowered:
.L_overlay_start_0:
0x88: {  	s2 =	sld [smem:$0x3FD9]  }
0x89: {  	s3 =	sld [smem:$0x3FFE];
	_ =	sdelay $0x1  }
0x8a: {  	s1 =	srdreg.scid  }
0x8b: {  	s0 =	sand.u32 $0x1, s1  }
0x8c: {  	s17 =	sshll.u32 s0, $0xA;
	s2 =	sadd.s32 s3, s2  }
0x8d: {  	s2 =	sadd.s32 s2, s17  }
0x8e: {  	[smem:$0x3FC3] =	sst s2  }
0x8f: {  	_ = 	snop  }
0x90: {  	s18 =	sld [smem:$0x3FD0];
	(tm) =	ssettm $0x1  }
0x91: {  	s19 =	sld [smem:$0x3FFB];
	_ =	sdelay $0x3  }
0x92: {  	_ =	strace s19  }
0x93: {  	s2 =	sld [smem:$0x3FFC];
	_ =	sdelay $0x3  }
0x94: {  	_ =	strace s2  }
0x95: {  	s2 =	sld [smem:$0x3FFD];
	_ =	sdelay $0x3  }
0x96: {  	_ =	strace s2  }
0x97: {  	_ =	strace $0x8FFFFFFF  }
0x98: {  	s20 =	sld [smem:$0x3FDB];
	_ =	sdelay $0x1  }
0x99: {  	s4 =	simm.s32 $_scs_section_size  }
0x9a: {  	s5 =	simm.s32 $_size__tile_overlayer_lowered;
	s6 =	simm.s32 $_tile_overlayer_lowered  }
0x9b: {  	s7 =	simm.s32 $0x1BFF;
	s21 =	sshll.u32 s6, $0x1;
	s4 =	sadd.s32 s4, s20  }
0x9c: {  	s22 =	simm.s32 $0x0;
	s5 =	sshll.u32 s5, $0x1;
	s6 =	sadd.s32 s21, s4  }
0x9d: {  	[timem:s22], [sflag:s7] =	dma.local [hbm:s6], s5  }
0x9e: {  	_ =	swait.ge [sflag:s7], s5  }
0x9f: {  	s5 =	ssub.s32 $0x0, s5;
	[sflag:s7] =	ssyncset.done $0x0  }
0xa0: {  	[sflag:s7] =	ssyncadd.s32 s5;
	_ =	sdelay $0x1  }
0xa1: {  	s23 =	simm.s32 $0x1B8B  }
0xa2: {  	_ =	swait.ge [sflag:s23], $0x1  }
0xa3: {  	[sflag:s23] =	ssyncset.done $0x0  }
0xa4: {  	[sflag:s23] =	ssyncadd.s32 $0xFFFFFFFF  }
0xa5: {  	s5 =	sld [smem:$0x0]  }
0xa6: {  	s6 =	sand.u32 $0xFFFFFFFE, s1  }
0xa7: {  	p0 =	sne.s32 s1, s6  }
0xa8: {  	s6 =	sshll.u32 @p0 s6, $0xE  }
0xa9: {  	s6 =	sadd.s32 @p0 $0x11B8D, s6;
	s7 =	sshll.u32 @p0 s5, $0x11  }
0xaa: {  	s6 =	sor.u32 @p0 s7, s6  }
0xab: {  	[sflag:s6] =	ssyncadd.remote.s32 @p0 $0x1;
	_ =	sdelay $0x1  }
0xac: {  	s6 =	simm.s32 @p0 $0x1B8D  }
0xad: {  	_ =	swait.eq @p0 [sflag:s6], $0x1  }
0xae: {  	[sflag:s6] =	ssyncadd.s32 @p0 $0xFFFFFFFF  }
0xaf: {  	s7 =	sshll.u32 @!p0 s1, $0xE  }
0xb0: {  	s7 =	sor.u32 @!p0 $0x4000, s7;
	s6 =	simm.s32 @!p0 $0x1B8D  }
0xb1: {  	s5 =	sshll.u32 @!p0 s5, $0x11;
	s7 =	sadd.s32 @!p0 $0x11B8D, s7;
	_ =	swait.eq @!p0 [sflag:s6], $0x1  }
0xb2: {  	s5 =	sor.u32 @!p0 s5, s7;
	[sflag:s6] =	ssyncadd.s32 @!p0 $0xFFFFFFFF  }
0xb3: {  	s25 =	simm.s32 $0x1B8E;
	s24 =	sld [smem:$0x3FFE];
	[sflag:s5] =	ssyncadd.remote.s32 @!p0 $0x1  }
0xb4: {  	s26 =	simm.s32 $execute0_lowered;
	[smem:$0x3FD2] =	sst s25  }
0xb5: {  	s6 =	sshll.u32 s26, $0x1;
	_ =	strace $0x80000049;
	[dreg:$0x1] =	wrdreg $0xFFFFFFFF  }
0xb6: {  	s28 =	simm.s32 $_size_execute0_lowered;
	s4 =	sadd.s32 s4, s6;
	[dreg:$0x0] =	wrdreg $0x0  }
0xb7: {  	s6 =	sshll.u32 s28, $0x1;
	[dreg:$0x2] =	wrdreg s4  }
0xb8: {  	[dreg:$0x3] =	wrdreg s6  }
0xb9: {  	[dreg:$0x4] =	wrdreg $0xC0  }
0xba: {  	_ =	task [dreg:s22], $0x5FFFF  }
0xbb: {  	[dreg:$0x1] =	wrdreg $0xFFFFFFFF  }
0xbc: {  	[dreg:$0x0] =	wrdreg $0x60  }
0xbd: {  	[dreg:$0x2] =	wrdreg s18  }
0xbe: {  	[dreg:$0x3] =	wrdreg s24  }
0xbf: {  	[dreg:$0x4] =	wrdreg $0xAC000  }
0xc0: {  	[dreg:$0x5] =	wrdreg $0x9  }
0xc1: {  	_ =	task.clear_ibuf [dreg:s22], $0x6FFFF;
	_ =	strace $0x90000049  }
0xc2: {  	s29 =	simm.s32 $0x9;
	_ =	strace $0x8000004B  }
0xc3: {  	_ =	swait.ge [sflag:s29], $0x1  }
0xc4: {  	[sflag:s29] =	ssyncadd.s32 $0xFFFFFFFF  }
0xc5: {  	_ =	strace $0x9000004B  }
0xc6: {  	_ =	sfence  }
0xc7: {  	s30 =	sld [smem:$0x0];
	_ =	sdelay $0x2  }
0xc8: {  	s31 =	sshll.u32 s1, $0xD;
	s1 =	sshrl.u32 s1, $0x2  }
0xc9: {  	s4 =	sand.u32 $0x4000, s31;
	s1 =	sadd.s32 s1, s30  }
0xca: {  	s0 =	sor.u32 s4, s0;
	s1 =	sshll.u32 s1, $0x11  }
0xcb: {  	s0 =	sor.u32 s1, s0  }
0xcc: {  	s0 =	sadd.s32 $0x8F2B, s0  }
0xcd: {  	[sflag:s0] =	ssyncadd.remote.s32 $0x1  }
0xce: {  	_ =	sfence.sel $0xFFFF  }
0xcf: {  	[dreg:$0x0] =	wrdreg $0xFFFFFFFF;
	(pc) =	sbr.abs _section_cstart, $3  }
0xd0: {  	[dreg:$0x1] =	wrdreg $0xFFFFFFFF  }
0xd1: {  	_ =	task.clear_ibuf [dreg:s22], $0x2FFFF;
	_ =	strace $0x9FFFFFFF  }
0xd2: {  	(tm) =	ssettm $0x7FFFFFFF  }
0xd3: {  	_ =	shalt  }
tec
execute0_lowered:
.L_overlay_start_1:
0x0: {  	(tag) =	ssettag $0x1  }
0x1: {  	s6 =	rddreg [dreg:$0x0]  }
0x2: {  	s7 =	rddreg [dreg:$0x1]  }
0x3: {  	s1 =	rddreg [dreg:$0x2]  }
0x4: {  	s0 =	rddreg [dreg:$0x3]  }
0x5: {  	s3 =	simm.s32 $0x0;
	s2 =	srdreg.scid;
	s15 =	simm.s32 $0x2800  }
0x6: {  	s16 =	simm.s32 $0x2C00;
	s17 =	simm.s32 $0x6C00;
	s18 =	simm.s32 $0x80  }
0x7: {  	s19 =	simm.s32 $0x2880;
	s20 =	simm.s32 $0x2900;
	s21 =	simm.s32 $0x2980  }
0x8: {  	s22 =	simm.s32 $0x2A00;
	[smem:$0x7FF] =	sst s3;
	s8 =	sand.u32 $0x1, s2  }
0x9: {  	s23 =	simm.s32 $0x0;
	s2 =	stileid.u32;
	s9 =	smul.u32 $0x2800, s8  }
0xa: {  	s4 =	sadd.s32 $0x17200, s7;
	s5 =	sadd.s32 $0x67A00, s7;
	s10 =	smul.u32 $0x280, s2  }
0xb: {  	_ =	strace $0x8000004A;
	s11 =	sshll.u32 s2, $0x7;
	s12 =	sshll.u32 s2, $0x1  }
0xc: {  	s30 =	ssub.s32 $0x2, s8;
	s8 =	sor.u32 s8, s12;
	s9 =	sadd.s32 s10, s9  }
0xd: {  	s31 =	sshrl.u32 s30, $0x1;
	s8 =	smul.u32 $0x500, s8;
	s9 =	sshll.u32 s9, $0x4  }
0xe: {  	s11 =	sadd.s32 s11, s7;
	s14 =	ssub.s32 s30, s31;
	s13 =	sadd.s32 s9, s7  }
0xf: {  	s6 =	sadd.s32 s6, s8;
	s7 =	sadd.s32 $0x2A00, s11;
	s8 =	sadd.s32 $0x68200, s13  }
0x10: {  	s9 =	sadd.s32 $0x68A00, s13;
	s10 =	sadd.s32 $0x69200, s13;
	s11 =	sadd.s32 $0x69A00, s13  }
0x11: {  	s12 =	sadd.s32 $0x6A200, s13;
	s13 =	smax.u32 s14, $0x1;
	s14 =	simm.s32 $0x1  }
.LBB2_1:
0x12: {  	[tilespmem:s3], [sflag:$0x1] =	stream.linear.gather [hbm4b:s6+s3], $0x2800, $0x38;
	[tilespmem:$0x1EC00] =	vst v63  }
0x13: {  	_ =	swait.ge [sflag:s14], $0x2800  }
0x14: {  	[sflag:s14] =	ssyncset.done $0x0  }
0x15: {  	[sflag:s14] =	ssyncadd.s32 $0xFFFFD800  }
0x16: {  	[tilespmem:s15], [sflag:$0x1] =	stream.linear.gather [hbm4b:s7+s3], $0x280, $0x38;
	[tilespmem:$0x1EC00] =	vst v63  }
0x17: {  	_ =	swait.ge [sflag:s14], $0x280  }
0x18: {  	[sflag:s14] =	ssyncset.done $0x0  }
0x19: {  	[sflag:s14] =	ssyncadd.s32 $0xFFFFFD80  }
0x1a: {  	[tilespmem:s16], [sflag:$0x1] =	stream.linear.gather [hbm4b:s5+s3], $0x4000, $0x38;
	[tilespmem:$0x1EC00] =	vst v63  }
0x1b: {  	_ =	swait.ge [sflag:s14], $0x4000  }
0x1c: {  	[sflag:s14] =	ssyncset.done $0x0  }
0x1d: {  	[sflag:s14] =	ssyncadd.s32 $0xFFFFC000  }
0x1e: {  	[tilespmem:s17], [sflag:$0x1] =	stream.linear.gather [hbm4b:s4+s3], $0x4000, $0x38;
	[tilespmem:$0x1EC00] =	vst v63  }
0x1f: {  	_ =	swait.ge [sflag:s14], $0x4000  }
0x20: {  	[sflag:s14] =	ssyncset.done $0x0  }
0x21: {  	[sflag:s14] =	ssyncadd.s32 $0xFFFFC000  }
0x22: {  	[spmem:s1] =	stream.indirect.scatter [tilespmem:s17], [sflag:$0x1], $0x80, s15, s18, $0xb8;
	[tilespmem:$0x1EC00] =	vst v63  }
0x23: {  	_ =	swait.ge [sflag:s14], $0x4000  }
0x24: {  	[sflag:s14] =	ssyncset.done $0x0  }
0x25: {  	[sflag:s14] =	ssyncadd.s32 $0xFFFFC000  }
0x26: {  	[spmem:s1] =	stream.indirect.scatter [tilespmem:s17], [sflag:$0x1], $0x80, s19, s18, $0xb8;
	[tilespmem:$0x1EC00] =	vst v63  }
0x27: {  	_ =	swait.ge [sflag:s14], $0x4000  }
0x28: {  	[sflag:s14] =	ssyncset.done $0x0  }
0x29: {  	[sflag:s14] =	ssyncadd.s32 $0xFFFFC000  }
0x2a: {  	[spmem:s1] =	stream.indirect.scatter [tilespmem:s17], [sflag:$0x1], $0x80, s20, s18, $0xb8;
	[tilespmem:$0x1EC00] =	vst v63  }
0x2b: {  	_ =	swait.ge [sflag:s14], $0x4000  }
0x2c: {  	[sflag:s14] =	ssyncset.done $0x0  }
0x2d: {  	[sflag:s14] =	ssyncadd.s32 $0xFFFFC000  }
0x2e: {  	[spmem:s1] =	stream.indirect.scatter [tilespmem:s17], [sflag:$0x1], $0x80, s21, s18, $0xb8;
	[tilespmem:$0x1EC00] =	vst v63  }
0x2f: {  	_ =	swait.ge [sflag:s14], $0x4000  }
0x30: {  	[sflag:s14] =	ssyncset.done $0x0  }
0x31: {  	[sflag:s14] =	ssyncadd.s32 $0xFFFFC000  }
0x32: {  	[spmem:s1] =	stream.indirect.scatter [tilespmem:s17], [sflag:$0x1], $0x80, s22, s18, $0xb8;
	[tilespmem:$0x1EC00] =	vst v63  }
0x33: {  	_ =	swait.ge [sflag:s14], $0x4000  }
0x34: {  	[sflag:s14] =	ssyncset.done $0x0  }
0x35: {  	[sflag:s14] =	ssyncadd.s32 $0xFFFFC000  }
0x36: {  	s24 =	simm.s32 $0x0;
	[bflag:$0x0] =	sbarrier.arrive $0xFFFF  }
0x37: {  	[spmem:s1] =	stream.indirect.scatter.add.f32 [tilespmem:s16], [sflag:$0x1], $0x80, s24, s18, $0xb8;
	[tilespmem:$0x1EC00] =	vst v63  }
0x38: {  	_ =	swait.ge [sflag:s14], $0x4000  }
0x39: {  	s24 =	simm.s32 $0x200;
	[sflag:s14] =	ssyncset.done $0x0  }
.LBB2_2:
0x3a: {  	s25 =	sshra.s32 s24, $0x2;
	[sflag:s14] =	ssyncadd.s32 $0xFFFFC000;
	p0 =	sne.s32 s24, $0x9E00  }
0x3b: {  	[spmem:s1] =	stream.indirect.scatter.add.f32 [tilespmem:s16], [sflag:$0x1], $0x80, s25, s18, $0xb8;
	[tilespmem:$0x1EC00] =	vst v63  }
.Ltmp0:
0x3c: {  	_ = 	snop;
	(pc) =	sbr.rel @p0 .LBB2_2-.Ltmp0, $4  }
0x3d: {  	_ = 	snop  }
0x3e: {  	s24 =	sadd.s32 $0x200, s24  }
0x3f: {  	_ =	swait.ge [sflag:s14], $0x4000  }
0x40: {  	[sflag:s14] =	ssyncset.done $0x0  }
0x41: {  	[sflag:s14] =	ssyncadd.s32 $0xFFFFC000  }
0x42: {  	[bflag:$0x0] =	sbarrier.arrive $0xFFFF  }
0x43: {  	[tilespmem:s17], [sflag:$0x1] =	stream.indirect.gather [spmem:s1], $0x80, s15, s18, $0xb8;
	[tilespmem:$0x1EC00] =	vst v63  }
0x44: {  	_ =	swait.ge [sflag:s14], $0x4000  }
0x45: {  	[sflag:s14] =	ssyncset.done $0x0  }
0x46: {  	[sflag:s14] =	ssyncadd.s32 $0xFFFFC000  }
0x47: {  	[hbm4b:s8+s3] =	stream.linear.scatter [tilespmem:s17], [sflag:$0x1], $0x4000, $0x38;
	[tilespmem:$0x1EC00] =	vst v63  }
0x48: {  	_ =	swait.ge [sflag:s14], $0x4000  }
0x49: {  	[sflag:s14] =	ssyncset.done $0x0  }
0x4a: {  	[sflag:s14] =	ssyncadd.s32 $0xFFFFC000  }
0x4b: {  	[tilespmem:s17], [sflag:$0x1] =	stream.indirect.gather [spmem:s1], $0x80, s19, s18, $0xb8;
	[tilespmem:$0x1EC00] =	vst v63  }
0x4c: {  	_ =	swait.ge [sflag:s14], $0x4000  }
0x4d: {  	[sflag:s14] =	ssyncset.done $0x0  }
0x4e: {  	[sflag:s14] =	ssyncadd.s32 $0xFFFFC000  }
0x4f: {  	[hbm4b:s9+s3] =	stream.linear.scatter [tilespmem:s17], [sflag:$0x1], $0x4000, $0x38;
	[tilespmem:$0x1EC00] =	vst v63  }
0x50: {  	_ =	swait.ge [sflag:s14], $0x4000  }
0x51: {  	[sflag:s14] =	ssyncset.done $0x0  }
0x52: {  	[sflag:s14] =	ssyncadd.s32 $0xFFFFC000  }
0x53: {  	[tilespmem:s17], [sflag:$0x1] =	stream.indirect.gather [spmem:s1], $0x80, s20, s18, $0xb8;
	[tilespmem:$0x1EC00] =	vst v63  }
0x54: {  	_ =	swait.ge [sflag:s14], $0x4000  }
0x55: {  	[sflag:s14] =	ssyncset.done $0x0  }
0x56: {  	[sflag:s14] =	ssyncadd.s32 $0xFFFFC000  }
0x57: {  	[hbm4b:s10+s3] =	stream.linear.scatter [tilespmem:s17], [sflag:$0x1], $0x4000, $0x38;
	[tilespmem:$0x1EC00] =	vst v63  }
0x58: {  	_ =	swait.ge [sflag:s14], $0x4000  }
0x59: {  	[sflag:s14] =	ssyncset.done $0x0  }
0x5a: {  	[sflag:s14] =	ssyncadd.s32 $0xFFFFC000  }
0x5b: {  	[tilespmem:s17], [sflag:$0x1] =	stream.indirect.gather [spmem:s1], $0x80, s21, s18, $0xb8;
	[tilespmem:$0x1EC00] =	vst v63  }
0x5c: {  	_ =	swait.ge [sflag:s14], $0x4000  }
0x5d: {  	[sflag:s14] =	ssyncset.done $0x0  }
0x5e: {  	[sflag:s14] =	ssyncadd.s32 $0xFFFFC000  }
0x5f: {  	[hbm4b:s11+s3] =	stream.linear.scatter [tilespmem:s17], [sflag:$0x1], $0x4000, $0x38;
	[tilespmem:$0x1EC00] =	vst v63  }
0x60: {  	_ =	swait.ge [sflag:s14], $0x4000  }
0x61: {  	[sflag:s14] =	ssyncset.done $0x0  }
0x62: {  	[sflag:s14] =	ssyncadd.s32 $0xFFFFC000  }
0x63: {  	[tilespmem:s17], [sflag:$0x1] =	stream.indirect.gather [spmem:s1], $0x80, s22, s18, $0xb8;
	[tilespmem:$0x1EC00] =	vst v63  }
0x64: {  	s23 =	sadd.s32 $0x1, s23;
	_ =	swait.ge [sflag:s14], $0x4000  }
0x65: {  	p0 =	sne.s32 s23, s13;
	[sflag:s14] =	ssyncset.done $0x0  }
.Ltmp1:
0x66: {  	[sflag:s14] =	ssyncadd.s32 $0xFFFFC000;
	(pc) =	sbr.rel @p0 .LBB2_1-.Ltmp1, $4  }
0x67: {  	[hbm4b:s12+s3] =	stream.linear.scatter [tilespmem:s17], [sflag:$0x1], $0x4000, $0x38;
	[tilespmem:$0x1EC00] =	vst v63  }
0x68: {  	_ =	swait.ge [sflag:s14], $0x4000  }
0x69: {  	[sflag:s14] =	ssyncset.done $0x0  }
0x6a: {  	[sflag:s14] =	ssyncadd.s32 $0xFFFFC000  }
0x6b: {  	_ =	sfence.sel $0x180000  }
0x6c: {  	[bflag:$0x0] =	sbarrier.arrive $0xFFFF  }
0x6d: {  	p0 =	sne.s32 s2, $0x0;
	_ =	strace $0x9000004A  }
0x6e: {  	s0 =	sadd.s32 @!p0 $0x100000, s0;
	[bflag:$0x2] =	sbarrier.arrive $0xFFFF  }
0x6f: {  	[sflag:s0] =	ssyncadd.tile.s32 @!p0 $0x1;
	_ =	shalt  }
.Lfunc_end2:
_tile_overlayer_lowered:
.L_overlay_start_2:
0x70: {  	(tag) =	ssettag $0x2  }
0x71: {  	s0 =	rddreg [dreg:$0x0];
	s2 =	stileid.u32  }
0x72: {  	s1 =	rddreg [dreg:$0x1];
	p0 =	sne.s32 s2, $0x0  }
0x73: {  	s3 =	rddreg [dreg:$0x2];
	[bflag:$0x3] =	sbarrier.arrive $0xFFFF;
	s2 =	simm.s32 @!p0 $0x1C01  }
0x74: {  	[timem:s3], [sflag:s2] =	dma.local @!p0 [hbm:s0], s1  }
0x75: {  	s0 =	simm.s32 @!p0 $0x1  }
0x76: {  	_ =	swait.ge @!p0 [sflag:s0], s1  }
0x77: {  	s1 =	ssub.s32 @!p0 $0x0, s1;
	[sflag:s0] =	ssyncset.done @!p0 $0x0  }
0x78: {  	[sflag:s0] =	ssyncadd.s32 @!p0 s1  }
0x79: {  	[bflag:$0x3] =	sbarrier.arrive $0xFFFF  }
0x7a: {  	_ =	shalt  }

</sc_bundles>
